<compile_context>
chip_gen: v7x
topology: tpu7x:2x2x1
jax: 0.10.2.dev20260603
libtpu: 0.0.44.dev20260713+nightly
codegen_flags: <defaults>
</compile_context>

<pallas_src>
import functools

import jax
import jax.numpy as jnp
from jax import lax
from jax.experimental import pallas as pl
from jax.experimental.pallas import tpu as pltpu
from jax.experimental.pallas import tpu_sc as plsc

N = 10000
E = 320000
D = 128
H = 128
NC, NS = 2, 16
NW = NC * NS
FPT = D // NW
EPT = E // NW
L = 16
CH = 6400
RB = 1000

def _worker_id():
    return lax.axis_index("s") * NC + lax.axis_index("c")


def _mesh():
    return plsc.VectorSubcoreMesh(
        core_axis_name="c", subcore_axis_name="s",
        num_cores=NC, num_subcores=NS)



def _sc_deg_body(sd_hbm, ew_hbm, out_hbm, sdv, eww, acc):
    w = _worker_id()
    base = w * EPT
    pltpu.sync_copy(sd_hbm.at[pl.ds(base, EPT)], sdv)
    pltpu.sync_copy(ew_hbm.at[pl.ds(base, EPT)], eww)
    zero = jnp.zeros((L,), jnp.float32)

    def zbody(i, carry):
        acc[pl.ds(i * L, L)] = zero
        return carry
    lax.fori_loop(0, N // L, zbody, 0)

    def body(i):
        d16 = lax.shift_right_logical(sdv[pl.ds(i * L, L)], 16)
        w16 = eww[pl.ds(i * L, L)]
        plsc.addupdate_scatter(acc, [d16], w16)
    plsc.parallel_loop(0, EPT // L, unroll=16)(body)
    pltpu.sync_copy(acc, out_hbm.at[w])


@functools.cache
def _sc_deg():
    return pl.kernel(
        _sc_deg_body,
        out_type=jax.ShapeDtypeStruct((NW, N), jnp.float32),
        mesh=_mesh(),
        compiler_params=pltpu.CompilerParams(needs_layout_passes=False),
        scratch_types=[
            pltpu.VMEM((EPT,), jnp.int32),
            pltpu.VMEM((EPT,), jnp.float32),
            pltpu.VMEM((N,), jnp.float32),
        ],
    )



def _sc_agg_body(xsp_hbm, sd_hbm, ew_hbm, out_hbm,
                 t0, t1, a0, a1, a2, a3,
                 sdb0, ewb0, sdb1, ewb1, sem0, sem1):
    w = _worker_id()
    tables = (t0, t1)
    accs = (a0, a1, a2, a3)
    bufs = ((sdb0, ewb0, sem0), (sdb1, ewb1, sem1))
    edges = (sd_hbm, ew_hbm)
    NCH = E // CH

    def start(b, ci):
        off = ci * CH
        for arr, buf in zip(edges, bufs[b][:2]):
            pltpu.async_copy(arr.at[pl.ds(off, CH)], buf, bufs[b][2])

    def wait(b):
        for arr, buf in zip(edges, bufs[b][:2]):
            pltpu.make_async_copy(arr.at[pl.ds(0, CH)], buf, bufs[b][2]).wait()

    himask = jnp.full((L,), -65536, jnp.int32)
    lomask = jnp.full((L,), 65535, jnp.int32)

    def compute(b):
        sdb, ewb, _ = bufs[b]

        def ibody(j):
            sd = sdb[pl.ds(j * L, L)]
            s16 = lax.bitwise_and(sd, lomask)
            d16 = lax.shift_right_logical(sd, 16)
            w16 = ewb[pl.ds(j * L, L)]
            for k in range(FPT // 2):
                v = plsc.load_gather(tables[k], [s16])
                lo = plsc.bitcast(lax.shift_left(v, 16), jnp.float32)
                hi = plsc.bitcast(lax.bitwise_and(v, himask), jnp.float32)
                plsc.addupdate_scatter(accs[2 * k], [d16], lo * w16)
                plsc.addupdate_scatter(accs[2 * k + 1], [d16], hi * w16)
        plsc.parallel_loop(0, CH // L, unroll=16)(ibody)

    start(0, 0)
    for k in range(FPT // 2):
        pltpu.sync_copy(xsp_hbm.at[2 * w + k], tables[k])
    zero = jnp.zeros((L,), jnp.float32)

    def zbody(i, carry):
        for f in range(FPT):
            accs[f][pl.ds(i * L, L)] = zero
        return carry
    lax.fori_loop(0, N // L, zbody, 0)

    def obody(k, carry):
        c0 = 2 * k
        start(1, c0 + 1)
        wait(0)
        compute(0)
        start(0, lax.rem(c0 + 2, NCH))
        wait(1)
        compute(1)
        return carry
    lax.fori_loop(0, NCH // 2, obody, 0)
    wait(0)
    for k in range(FPT // 2):
        for h in range(2):
            pltpu.sync_copy(accs[2 * k + h], out_hbm.at[h, 2 * w + k])


@functools.cache
def _sc_agg():
    return pl.kernel(
        _sc_agg_body,
        out_type=jax.ShapeDtypeStruct((2, D // 2, N), jnp.float32),
        mesh=_mesh(),
        compiler_params=pltpu.CompilerParams(needs_layout_passes=False),
        scratch_types=[pltpu.VMEM((N,), jnp.int32)] * (FPT // 2)
        + [pltpu.VMEM((N,), jnp.float32)] * FPT + [
            pltpu.VMEM((CH,), jnp.int32),
            pltpu.VMEM((CH,), jnp.float32),
            pltpu.VMEM((CH,), jnp.int32),
            pltpu.VMEM((CH,), jnp.float32),
            pltpu.SemaphoreType.DMA,
            pltpu.SemaphoreType.DMA,
        ],
    )



def _sc_agg2_body(zs_hbm, sd_hbm, ew_hbm, out_hbm,
                  zsv, sdv, eww, acc):
    w = _worker_id()
    base = w * EPT
    pltpu.sync_copy(zs_hbm, zsv)
    pltpu.sync_copy(sd_hbm.at[pl.ds(base, EPT)], sdv)
    pltpu.sync_copy(ew_hbm.at[pl.ds(base, EPT)], eww)
    zero = jnp.zeros((L,), jnp.float32)
    lomask = jnp.full((L,), 65535, jnp.int32)

    def zbody(i, carry):
        acc[pl.ds(i * L, L)] = zero
        return carry
    lax.fori_loop(0, N // L, zbody, 0)

    def body(i):
        sd = sdv[pl.ds(i * L, L)]
        s16 = lax.bitwise_and(sd, lomask)
        d16 = lax.shift_right_logical(sd, 16)
        w16 = eww[pl.ds(i * L, L)]
        v = plsc.load_gather(zsv, [s16])
        plsc.addupdate_scatter(acc, [d16], v * w16)
    plsc.parallel_loop(0, EPT // L, unroll=16)(body)
    pltpu.sync_copy(acc, out_hbm.at[w])


@functools.cache
def _sc_agg2():
    return pl.kernel(
        _sc_agg2_body,
        out_type=jax.ShapeDtypeStruct((NW, N), jnp.float32),
        mesh=_mesh(),
        compiler_params=pltpu.CompilerParams(needs_layout_passes=False),
        scratch_types=[
            pltpu.VMEM((N,), jnp.float32),
            pltpu.VMEM((EPT,), jnp.int32),
            pltpu.VMEM((EPT,), jnp.float32),
            pltpu.VMEM((N,), jnp.float32),
        ],
    )



def _tc1_body(deg_ref, x_ref, w1_ref, xsp_ref, dinv_ref):
    dinv = lax.rsqrt(jnp.sum(deg_ref[...], axis=0) + 1.0)
    xw = jnp.dot(x_ref[...], w1_ref[...], preferred_element_type=jnp.float32)
    xs = xw * dinv[:, None]
    lob = lax.bitcast_convert_type(
        xs[:, :D // 2].astype(jnp.bfloat16), jnp.uint16).astype(jnp.uint32)
    hib = lax.bitcast_convert_type(
        xs[:, D // 2:].astype(jnp.bfloat16), jnp.uint16).astype(jnp.uint32)
    xsp_ref[...] = lax.bitcast_convert_type(lob | (hib << 16), jnp.int32)
    dinv_ref[...] = dinv[None, :]


def _tc1(deg_part, x, W1):
    return pl.pallas_call(
        _tc1_body,
        out_shape=[
            jax.ShapeDtypeStruct((N, D // 2), jnp.int32),
            jax.ShapeDtypeStruct((1, N), jnp.float32),
        ],
    )(deg_part, x, W1)


def _tc2_body(agg_ref, xsp_ref, dinv_ref, b1_ref, w2_ref, zs_ref):
    dinv = dinv_ref[...]
    v = xsp_ref[...]
    xlo = lax.bitcast_convert_type(lax.shift_left(v, 16), jnp.float32)
    xhi = lax.bitcast_convert_type(
        lax.bitwise_and(v, jnp.int32(-65536)), jnp.float32)
    h0 = jnp.maximum(dinv * (agg_ref[0] + xlo) + b1_ref[0], 0.0)
    h1 = jnp.maximum(dinv * (agg_ref[1] + xhi) + b1_ref[1], 0.0)
    z = jnp.sum(h0 * w2_ref[0] + h1 * w2_ref[1], axis=0)
    zs_ref[...] = dinv * z[None, :]


def _tc2(agg_sc, xsp, dinv, b1, W2):
    return pl.pallas_call(
        _tc2_body,
        out_shape=jax.ShapeDtypeStruct((1, N), jnp.float32),
    )(agg_sc, xsp, dinv, b1, W2)


def _tc3_body(a2_ref, zs_ref, dinv_ref, b2_ref, out_ref):
    a2 = jnp.sum(a2_ref[...], axis=0)
    out_ref[...] = dinv_ref[...] * (a2[None, :] + zs_ref[...]) + b2_ref[...]


def _tc3(agg2_part, zs, dinv, b2):
    return pl.pallas_call(
        _tc3_body,
        out_shape=jax.ShapeDtypeStruct((1, N), jnp.float32),
    )(agg2_part, zs, dinv, b2)



def kernel(x, edge_index, edge_weight, W1, b1, W2, b2):
    src = edge_index[0].astype(jnp.int32)
    dst = edge_index[1].astype(jnp.int32)
    ew = edge_weight.astype(jnp.float32)
    sd = src | (dst << 16)

    deg_part = _sc_deg()(sd, ew)
    packed, dinvT = _tc1(deg_part, x, W1)
    xsp = packed.T
    agg_sc = _sc_agg()(xsp, sd, ew)
    zsT = _tc2(agg_sc, xsp, dinvT,
               b1.reshape(2, D // 2, 1), W2.reshape(2, D // 2, 1))
    agg2_part = _sc_agg2()(zsT.reshape(N), sd, ew)
    outT = _tc3(agg2_part, zsT, dinvT, b2.reshape(1, 1))
    return outT.reshape(N, 1)

# --- scband reference (transcript-rebuilt; emitter-appended) ---
"""Pipeline reference for scband-sensitive-estimator-54099408060633 (READ-ONLY COPY).

The authoritative reference and input builder live on the scoring server;
editing this copy changes nothing except your own understanding.
"""

import jax, jax.numpy as jnp
import numpy as np

N = 10000
E = 320000
D = 128
H = 128


def setup_inputs(seed: int = 0) -> dict:
    key = jax.random.key(seed)
    k_x, k_ei, k_ew, k_w1, k_b1, k_w2, k_b2 = jax.random.split(key, 7)
    x = jax.random.normal(k_x, (N, D), dtype=jnp.float32)
    edge_index = jax.random.randint(k_ei, (2, E), 0, N, dtype=jnp.int64)
    edge_weight = jax.random.uniform(k_ew, (E,), dtype=jnp.float32)
    # GCNConv params (glorot-ish init)
    W1 = jax.random.normal(k_w1, (D, H), dtype=jnp.float32) * (1.0 / np.sqrt(D))
    b1 = jnp.zeros((H,), dtype=jnp.float32)
    W2 = jax.random.normal(k_w2, (H, 1), dtype=jnp.float32) * (1.0 / np.sqrt(H))
    b2 = jnp.zeros((1,), dtype=jnp.float32)
    return {"x": x, "edge_index": edge_index, "edge_weight": edge_weight,
            "W1": W1, "b1": b1, "W2": W2, "b2": b2}


def _gcn_conv(x, edge_index, edge_weight, W, b):
    # Faithful GCNConv: linear transform, add self-loops, sym-normalize, scatter-add.
    n = x.shape[0]
    xw = x @ W
    src = edge_index[0]
    dst = edge_index[1]
    loop = jnp.arange(n, dtype=edge_index.dtype)
    src_f = jnp.concatenate([src, loop])
    dst_f = jnp.concatenate([dst, loop])
    ew = jnp.concatenate([edge_weight, jnp.ones((n,), dtype=xw.dtype)])
    deg = jax.ops.segment_sum(ew, dst_f, num_segments=n)
    dinv = jnp.where(deg > 0, jax.lax.rsqrt(jnp.where(deg > 0, deg, 1.0)), 0.0)
    norm = dinv[src_f] * ew * dinv[dst_f]
    msg = norm[:, None] * jnp.take(xw, src_f, axis=0)
    out = jax.ops.segment_sum(msg, dst_f, num_segments=n)
    return out + b


def reference(x, edge_index, edge_weight, W1, b1, W2, b2):
    h = _gcn_conv(x, edge_index, edge_weight, W1, b1)
    h = jax.nn.relu(h)
    # F.dropout(training=False) -> identity at inference
    out = _gcn_conv(h, edge_index, edge_weight, W2, b2)
    return out

if __name__ == "__main__":
    import jax
    _d = setup_inputs()
    print(jax.jit(kernel)(*tuple(_d.values())))

</pallas_src>

<mosaic_0001>
#map = affine_map<(d0, d1) -> (0)>
#map1 = affine_map<(d0, d1) -> (0, 0)>
module attributes {stable_mosaic.version = 14 : i64} {
  func.func @_sc_deg_body(%arg0: i32, %arg1: i32, %arg2: memref<320000xi32, #tpu.memory_space<hbm>>, %arg3: memref<320000xf32, #tpu.memory_space<hbm>>, %arg4: memref<32x10000xf32, #tpu.memory_space<hbm>>, %arg5: memref<10000xi32, #tpu.memory_space<vmem>>, %arg6: memref<10000xf32, #tpu.memory_space<vmem>>, %arg7: memref<10000xf32, #tpu.memory_space<vmem>>) attributes {dimension_semantics = [#tpu.dimension_semantics<core_parallel>, #tpu.dimension_semantics<subcore_parallel>], iteration_bounds = array<i64: 2, 16>, scalar_prefetch = 0 : i64, scratch_operands = 3 : i64, tpu.core_type = #tpu.core_type<sc_vector_subcore>, window_params = [{transform_indices = #map}, {transform_indices = #map}, {transform_indices = #map1}]} {
    %mul3A = arith.constant 2 : i32
    %mul3A_0 = arith.muli %arg1, %mul3A : i32
    %add3A = arith.addi %mul3A_0, %arg0 : i32
    %mul3A_1 = arith.constant 10000 : i32
    %mul3A_2 = arith.muli %add3A, %mul3A_1 : i32
    "tpu.region"() ({
      %run_scoped3A = tpu.sem_alloc : memref<!tpu.dma_semaphore, #tpu.memory_space<semaphore_mem>>
      %dma_start3A = tpu.memref_slice %arg2[%mul3A_2] : memref<320000xi32, #tpu.memory_space<hbm>> -> memref<10000xi32, #tpu.memory_space<hbm>>
      %dma_start3A_11 = tpu.memref_slice %arg2[%mul3A_2] : memref<320000xi32, #tpu.memory_space<hbm>> -> memref<10000xi32, #tpu.memory_space<hbm>>
      tpu.enqueue_dma source(%dma_start3A_11 : memref<10000xi32, #tpu.memory_space<hbm>>) target(%arg5 : memref<10000xi32, #tpu.memory_space<vmem>>) target_semaphore(%run_scoped3A : memref<!tpu.dma_semaphore, #tpu.memory_space<semaphore_mem>>)
      %dma_wait3A = tpu.memref_slice %arg2[%mul3A_2] : memref<320000xi32, #tpu.memory_space<hbm>> -> memref<10000xi32, #tpu.memory_space<hbm>>
      %dma_wait3A_12 = tpu.memref_slice %arg2[%mul3A_2] : memref<320000xi32, #tpu.memory_space<hbm>> -> memref<10000xi32, #tpu.memory_space<hbm>>
      tpu.wait_dma2 semaphore(%run_scoped3A : memref<!tpu.dma_semaphore, #tpu.memory_space<semaphore_mem>>) src(%dma_wait3A_12 : memref<10000xi32, #tpu.memory_space<hbm>>) dst(%arg5 : memref<10000xi32, #tpu.memory_space<vmem>>)
      tpu.yield
    }) : () -> ()
    "tpu.region"() ({
      %run_scoped3A = tpu.sem_alloc : memref<!tpu.dma_semaphore, #tpu.memory_space<semaphore_mem>>
      %dma_start3A = tpu.memref_slice %arg3[%mul3A_2] : memref<320000xf32, #tpu.memory_space<hbm>> -> memref<10000xf32, #tpu.memory_space<hbm>>
      %dma_start3A_11 = tpu.memref_slice %arg3[%mul3A_2] : memref<320000xf32, #tpu.memory_space<hbm>> -> memref<10000xf32, #tpu.memory_space<hbm>>
      tpu.enqueue_dma source(%dma_start3A_11 : memref<10000xf32, #tpu.memory_space<hbm>>) target(%arg6 : memref<10000xf32, #tpu.memory_space<vmem>>) target_semaphore(%run_scoped3A : memref<!tpu.dma_semaphore, #tpu.memory_space<semaphore_mem>>)
      %dma_wait3A = tpu.memref_slice %arg3[%mul3A_2] : memref<320000xf32, #tpu.memory_space<hbm>> -> memref<10000xf32, #tpu.memory_space<hbm>>
      %dma_wait3A_12 = tpu.memref_slice %arg3[%mul3A_2] : memref<320000xf32, #tpu.memory_space<hbm>> -> memref<10000xf32, #tpu.memory_space<hbm>>
      tpu.wait_dma2 semaphore(%run_scoped3A : memref<!tpu.dma_semaphore, #tpu.memory_space<semaphore_mem>>) src(%dma_wait3A_12 : memref<10000xf32, #tpu.memory_space<hbm>>) dst(%arg6 : memref<10000xf32, #tpu.memory_space<vmem>>)
      tpu.yield
    }) : () -> ()
    %broadcast_in_dim3A = arith.constant 0.000000e+00 : f32
    %broadcast_in_dim3A_3 = vector.broadcast %broadcast_in_dim3A : f32 to vector<16xf32>
    %scan3A = arith.constant 0 : i32
    %scan3A_4 = arith.constant 0 : i32
    %scan3A_5 = arith.constant 625 : i32
    %scan3A_6 = arith.addi %scan3A_4, %scan3A_5 : i32
    %scan3A_7 = arith.constant 1 : i32
    scf.for %scan3A_11 = %scan3A_4 to %scan3A_6 step %scan3A_7  : i32 {
      %mul3A_12 = arith.constant 16 : i32
      %mul3A_13 = arith.muli %scan3A_11, %mul3A_12 : i32
      %swap3A = arith.index_cast %mul3A_13 : i32 to index
      %swap3A_14 = tpu.vector_load %arg7[%swap3A] {strides = array<i32>} : memref<10000xf32, #tpu.memory_space<vmem>>, vector<16xf32>,
      tpu.vector_store %arg7[%swap3A], %broadcast_in_dim3A_3 {strides = array<i32>} : memref<10000xf32, #tpu.memory_space<vmem>>, vector<16xf32>,
    }
    %scan3A_8 = arith.constant 625 : i32
    %parallel_loop3A = arith.constant 0 : i32
    %parallel_loop3A_9 = arith.constant 625 : i32
    %parallel_loop3A_10 = arith.constant 1 : i32
    scf.for %parallel_loop3A_11 = %parallel_loop3A to %parallel_loop3A_9 step %parallel_loop3A_10  : i32 {
      %parallel_loop3A_12 = arith.constant 16 : i32
      %parallel_loop3A_13 = arith.muli %parallel_loop3A_11, %parallel_loop3A_12 : i32
      %parallel_loop3A_14 = arith.index_cast %parallel_loop3A_13 : i32 to index
      %parallel_loop3A_15 = tpu.vector_load %arg5[%parallel_loop3A_14] {strides = array<i32>} : memref<10000xi32, #tpu.memory_space<vmem>>, vector<16xi32>,
      %parallel_loop3A_16 = arith.constant 16 : i32
      %parallel_loop3A_17 = vector.broadcast %parallel_loop3A_16 : i32 to vector<16xi32>
      %parallel_loop3A_18 = arith.shrui %parallel_loop3A_15, %parallel_loop3A_17 : vector<16xi32>
      %parallel_loop3A_19 = arith.constant 16 : i32
      %parallel_loop3A_20 = arith.muli %parallel_loop3A_11, %parallel_loop3A_19 : i32
      %parallel_loop3A_21 = arith.index_cast %parallel_loop3A_20 : i32 to index
      %parallel_loop3A_22 = tpu.vector_load %arg6[%parallel_loop3A_21] {strides = array<i32>} : memref<10000xf32, #tpu.memory_space<vmem>>, vector<16xf32>,
      tpu.vector_store_idx %arg7[%parallel_loop3A_18], %parallel_loop3A_22 {add = true} : memref<10000xf32, #tpu.memory_space<vmem>>[vector<16xi32>], vector<16xf32>,
    } {sc.loop_unroll_factor = 16 : i64, sc.parallel_access}
    "tpu.region"() ({
      %run_scoped3A = tpu.sem_alloc : memref<!tpu.dma_semaphore, #tpu.memory_space<semaphore_mem>>
      %dma_start3A = arith.constant 0 : i32
      %dma_start3A_11 = tpu.memref_slice %arg4[%add3A, %dma_start3A] : memref<32x10000xf32, #tpu.memory_space<hbm>> -> memref<1x10000xf32, #tpu.memory_space<hbm>>
      %dma_start3A_12 = tpu.memref_squeeze %dma_start3A_11 : memref<1x10000xf32, #tpu.memory_space<hbm>> -> memref<10000xf32, #tpu.memory_space<hbm>>
      %dma_start3A_13 = arith.constant 0 : i32
      %dma_start3A_14 = tpu.memref_slice %arg4[%add3A, %dma_start3A_13] : memref<32x10000xf32, #tpu.memory_space<hbm>> -> memref<1x10000xf32, #tpu.memory_space<hbm>>
      %dma_start3A_15 = tpu.memref_squeeze %dma_start3A_14 : memref<1x10000xf32, #tpu.memory_space<hbm>> -> memref<10000xf32, #tpu.memory_space<hbm>>
      tpu.enqueue_dma source(%arg7 : memref<10000xf32, #tpu.memory_space<vmem>>) target(%dma_start3A_15 : memref<10000xf32, #tpu.memory_space<hbm>>) target_semaphore(%run_scoped3A : memref<!tpu.dma_semaphore, #tpu.memory_space<semaphore_mem>>)
      %dma_wait3A = arith.constant 0 : i32
      %dma_wait3A_16 = tpu.memref_slice %arg4[%add3A, %dma_wait3A] : memref<32x10000xf32, #tpu.memory_space<hbm>> -> memref<1x10000xf32, #tpu.memory_space<hbm>>
      %dma_wait3A_17 = tpu.memref_squeeze %dma_wait3A_16 : memref<1x10000xf32, #tpu.memory_space<hbm>> -> memref<10000xf32, #tpu.memory_space<hbm>>
      %dma_wait3A_18 = arith.constant 0 : i32
      %dma_wait3A_19 = tpu.memref_slice %arg4[%add3A, %dma_wait3A_18] : memref<32x10000xf32, #tpu.memory_space<hbm>> -> memref<1x10000xf32, #tpu.memory_space<hbm>>
      %dma_wait3A_20 = tpu.memref_squeeze %dma_wait3A_19 : memref<1x10000xf32, #tpu.memory_space<hbm>> -> memref<10000xf32, #tpu.memory_space<hbm>>
      tpu.wait_dma2 semaphore(%run_scoped3A : memref<!tpu.dma_semaphore, #tpu.memory_space<semaphore_mem>>) src(%arg7 : memref<10000xf32, #tpu.memory_space<vmem>>) dst(%dma_wait3A_20 : memref<10000xf32, #tpu.memory_space<hbm>>)
      tpu.yield
    }) : () -> ()
    return
  }
}

#map = affine_map<(d0, d1) -> (0)>
#map1 = affine_map<(d0, d1) -> (0, 0)>
module attributes {stable_mosaic.version = 14 : i64} {
  func.func @_sc_agg2_body(%arg0: i32, %arg1: i32, %arg2: memref<10000xf32, #tpu.memory_space<hbm>>, %arg3: memref<320000xi32, #tpu.memory_space<hbm>>, %arg4: memref<320000xf32, #tpu.memory_space<hbm>>, %arg5: memref<32x10000xf32, #tpu.memory_space<hbm>>, %arg6: memref<10000xf32, #tpu.memory_space<vmem>>, %arg7: memref<10000xi32, #tpu.memory_space<vmem>>, %arg8: memref<10000xf32, #tpu.memory_space<vmem>>, %arg9: memref<10000xf32, #tpu.memory_space<vmem>>) attributes {dimension_semantics = [#tpu.dimension_semantics<core_parallel>, #tpu.dimension_semantics<subcore_parallel>], iteration_bounds = array<i64: 2, 16>, scalar_prefetch = 0 : i64, scratch_operands = 4 : i64, tpu.core_type = #tpu.core_type<sc_vector_subcore>, window_params = [{transform_indices = #map}, {transform_indices = #map}, {transform_indices = #map}, {transform_indices = #map1}]} {
    %mul3A = arith.constant 2 : i32
    %mul3A_0 = arith.muli %arg1, %mul3A : i32
    %add3A = arith.addi %mul3A_0, %arg0 : i32
    %mul3A_1 = arith.constant 10000 : i32
    %mul3A_2 = arith.muli %add3A, %mul3A_1 : i32
    "tpu.region"() ({
      %run_scoped3A = tpu.sem_alloc : memref<!tpu.dma_semaphore, #tpu.memory_space<semaphore_mem>>
      tpu.enqueue_dma source(%arg2 : memref<10000xf32, #tpu.memory_space<hbm>>) target(%arg6 : memref<10000xf32, #tpu.memory_space<vmem>>) target_semaphore(%run_scoped3A : memref<!tpu.dma_semaphore, #tpu.memory_space<semaphore_mem>>)
      tpu.wait_dma2 semaphore(%run_scoped3A : memref<!tpu.dma_semaphore, #tpu.memory_space<semaphore_mem>>) src(%arg2 : memref<10000xf32, #tpu.memory_space<hbm>>) dst(%arg6 : memref<10000xf32, #tpu.memory_space<vmem>>)
      tpu.yield
    }) : () -> ()
    "tpu.region"() ({
      %run_scoped3A = tpu.sem_alloc : memref<!tpu.dma_semaphore, #tpu.memory_space<semaphore_mem>>
      %dma_start3A = tpu.memref_slice %arg3[%mul3A_2] : memref<320000xi32, #tpu.memory_space<hbm>> -> memref<10000xi32, #tpu.memory_space<hbm>>
      %dma_start3A_13 = tpu.memref_slice %arg3[%mul3A_2] : memref<320000xi32, #tpu.memory_space<hbm>> -> memref<10000xi32, #tpu.memory_space<hbm>>
      tpu.enqueue_dma source(%dma_start3A_13 : memref<10000xi32, #tpu.memory_space<hbm>>) target(%arg7 : memref<10000xi32, #tpu.memory_space<vmem>>) target_semaphore(%run_scoped3A : memref<!tpu.dma_semaphore, #tpu.memory_space<semaphore_mem>>)
      %dma_wait3A = tpu.memref_slice %arg3[%mul3A_2] : memref<320000xi32, #tpu.memory_space<hbm>> -> memref<10000xi32, #tpu.memory_space<hbm>>
      %dma_wait3A_14 = tpu.memref_slice %arg3[%mul3A_2] : memref<320000xi32, #tpu.memory_space<hbm>> -> memref<10000xi32, #tpu.memory_space<hbm>>
      tpu.wait_dma2 semaphore(%run_scoped3A : memref<!tpu.dma_semaphore, #tpu.memory_space<semaphore_mem>>) src(%dma_wait3A_14 : memref<10000xi32, #tpu.memory_space<hbm>>) dst(%arg7 : memref<10000xi32, #tpu.memory_space<vmem>>)
      tpu.yield
    }) : () -> ()
    "tpu.region"() ({
      %run_scoped3A = tpu.sem_alloc : memref<!tpu.dma_semaphore, #tpu.memory_space<semaphore_mem>>
      %dma_start3A = tpu.memref_slice %arg4[%mul3A_2] : memref<320000xf32, #tpu.memory_space<hbm>> -> memref<10000xf32, #tpu.memory_space<hbm>>
      %dma_start3A_13 = tpu.memref_slice %arg4[%mul3A_2] : memref<320000xf32, #tpu.memory_space<hbm>> -> memref<10000xf32, #tpu.memory_space<hbm>>
      tpu.enqueue_dma source(%dma_start3A_13 : memref<10000xf32, #tpu.memory_space<hbm>>) target(%arg8 : memref<10000xf32, #tpu.memory_space<vmem>>) target_semaphore(%run_scoped3A : memref<!tpu.dma_semaphore, #tpu.memory_space<semaphore_mem>>)
      %dma_wait3A = tpu.memref_slice %arg4[%mul3A_2] : memref<320000xf32, #tpu.memory_space<hbm>> -> memref<10000xf32, #tpu.memory_space<hbm>>
      %dma_wait3A_14 = tpu.memref_slice %arg4[%mul3A_2] : memref<320000xf32, #tpu.memory_space<hbm>> -> memref<10000xf32, #tpu.memory_space<hbm>>
      tpu.wait_dma2 semaphore(%run_scoped3A : memref<!tpu.dma_semaphore, #tpu.memory_space<semaphore_mem>>) src(%dma_wait3A_14 : memref<10000xf32, #tpu.memory_space<hbm>>) dst(%arg8 : memref<10000xf32, #tpu.memory_space<vmem>>)
      tpu.yield
    }) : () -> ()
    %broadcast_in_dim3A = arith.constant 0.000000e+00 : f32
    %broadcast_in_dim3A_3 = vector.broadcast %broadcast_in_dim3A : f32 to vector<16xf32>
    %broadcast_in_dim3A_4 = arith.constant 65535 : i32
    %broadcast_in_dim3A_5 = vector.broadcast %broadcast_in_dim3A_4 : i32 to vector<16xi32>
    %scan3A = arith.constant 0 : i32
    %scan3A_6 = arith.constant 0 : i32
    %scan3A_7 = arith.constant 625 : i32
    %scan3A_8 = arith.addi %scan3A_6, %scan3A_7 : i32
    %scan3A_9 = arith.constant 1 : i32
    scf.for %scan3A_13 = %scan3A_6 to %scan3A_8 step %scan3A_9  : i32 {
      %mul3A_14 = arith.constant 16 : i32
      %mul3A_15 = arith.muli %scan3A_13, %mul3A_14 : i32
      %swap3A = arith.index_cast %mul3A_15 : i32 to index
      %swap3A_16 = tpu.vector_load %arg9[%swap3A] {strides = array<i32>} : memref<10000xf32, #tpu.memory_space<vmem>>, vector<16xf32>,
      tpu.vector_store %arg9[%swap3A], %broadcast_in_dim3A_3 {strides = array<i32>} : memref<10000xf32, #tpu.memory_space<vmem>>, vector<16xf32>,
    }
    %scan3A_10 = arith.constant 625 : i32
    %parallel_loop3A = arith.constant 0 : i32
    %parallel_loop3A_11 = arith.constant 625 : i32
    %parallel_loop3A_12 = arith.constant 1 : i32
    scf.for %parallel_loop3A_13 = %parallel_loop3A to %parallel_loop3A_11 step %parallel_loop3A_12  : i32 {
      %parallel_loop3A_14 = arith.constant 16 : i32
      %parallel_loop3A_15 = arith.muli %parallel_loop3A_13, %parallel_loop3A_14 : i32
      %parallel_loop3A_16 = arith.index_cast %parallel_loop3A_15 : i32 to index
      %parallel_loop3A_17 = tpu.vector_load %arg7[%parallel_loop3A_16] {strides = array<i32>} : memref<10000xi32, #tpu.memory_space<vmem>>, vector<16xi32>,
      %parallel_loop3A_18 = arith.andi %parallel_loop3A_17, %broadcast_in_dim3A_5 : vector<16xi32>
      %parallel_loop3A_19 = arith.constant 16 : i32
      %parallel_loop3A_20 = vector.broadcast %parallel_loop3A_19 : i32 to vector<16xi32>
      %parallel_loop3A_21 = arith.shrui %parallel_loop3A_17, %parallel_loop3A_20 : vector<16xi32>
      %parallel_loop3A_22 = arith.constant 16 : i32
      %parallel_loop3A_23 = arith.muli %parallel_loop3A_13, %parallel_loop3A_22 : i32
      %parallel_loop3A_24 = arith.index_cast %parallel_loop3A_23 : i32 to index
      %parallel_loop3A_25 = tpu.vector_load %arg8[%parallel_loop3A_24] {strides = array<i32>} : memref<10000xf32, #tpu.memory_space<vmem>>, vector<16xf32>,
      %parallel_loop3A_26 = tpu.vector_load_idx %arg6[%parallel_loop3A_18] : memref<10000xf32, #tpu.memory_space<vmem>>[vector<16xi32>], vector<16xf32>,
      %parallel_loop3A_27 = arith.mulf %parallel_loop3A_26, %parallel_loop3A_25 : vector<16xf32>
      tpu.vector_store_idx %arg9[%parallel_loop3A_21], %parallel_loop3A_27 {add = true} : memref<10000xf32, #tpu.memory_space<vmem>>[vector<16xi32>], vector<16xf32>,
    } {sc.loop_unroll_factor = 16 : i64, sc.parallel_access}
    "tpu.region"() ({
      %run_scoped3A = tpu.sem_alloc : memref<!tpu.dma_semaphore, #tpu.memory_space<semaphore_mem>>
      %dma_start3A = arith.constant 0 : i32
      %dma_start3A_13 = tpu.memref_slice %arg5[%add3A, %dma_start3A] : memref<32x10000xf32, #tpu.memory_space<hbm>> -> memref<1x10000xf32, #tpu.memory_space<hbm>>
      %dma_start3A_14 = tpu.memref_squeeze %dma_start3A_13 : memref<1x10000xf32, #tpu.memory_space<hbm>> -> memref<10000xf32, #tpu.memory_space<hbm>>
      %dma_start3A_15 = arith.constant 0 : i32
      %dma_start3A_16 = tpu.memref_slice %arg5[%add3A, %dma_start3A_15] : memref<32x10000xf32, #tpu.memory_space<hbm>> -> memref<1x10000xf32, #tpu.memory_space<hbm>>
      %dma_start3A_17 = tpu.memref_squeeze %dma_start3A_16 : memref<1x10000xf32, #tpu.memory_space<hbm>> -> memref<10000xf32, #tpu.memory_space<hbm>>
      tpu.enqueue_dma source(%arg9 : memref<10000xf32, #tpu.memory_space<vmem>>) target(%dma_start3A_17 : memref<10000xf32, #tpu.memory_space<hbm>>) target_semaphore(%run_scoped3A : memref<!tpu.dma_semaphore, #tpu.memory_space<semaphore_mem>>)
      %dma_wait3A = arith.constant 0 : i32
      %dma_wait3A_18 = tpu.memref_slice %arg5[%add3A, %dma_wait3A] : memref<32x10000xf32, #tpu.memory_space<hbm>> -> memref<1x10000xf32, #tpu.memory_space<hbm>>
      %dma_wait3A_19 = tpu.memref_squeeze %dma_wait3A_18 : memref<1x10000xf32, #tpu.memory_space<hbm>> -> memref<10000xf32, #tpu.memory_space<hbm>>
      %dma_wait3A_20 = arith.constant 0 : i32
      %dma_wait3A_21 = tpu.memref_slice %arg5[%add3A, %dma_wait3A_20] : memref<32x10000xf32, #tpu.memory_space<hbm>> -> memref<1x10000xf32, #tpu.memory_space<hbm>>
      %dma_wait3A_22 = tpu.memref_squeeze %dma_wait3A_21 : memref<1x10000xf32, #tpu.memory_space<hbm>> -> memref<10000xf32, #tpu.memory_space<hbm>>
      tpu.wait_dma2 semaphore(%run_scoped3A : memref<!tpu.dma_semaphore, #tpu.memory_space<semaphore_mem>>) src(%arg9 : memref<10000xf32, #tpu.memory_space<vmem>>) dst(%dma_wait3A_22 : memref<10000xf32, #tpu.memory_space<hbm>>)
      tpu.yield
    }) : () -> ()
    return
  }
}

#map = affine_map<(d0, d1) -> (0, 0)>
#map1 = affine_map<(d0, d1) -> (0)>
#map2 = affine_map<(d0, d1) -> (0, 0, 0)>
module attributes {stable_mosaic.version = 14 : i64} {
  func.func @_sc_agg_body(%arg0: i32, %arg1: i32, %arg2: memref<64x10000xi32, #tpu.memory_space<hbm>>, %arg3: memref<320000xi32, #tpu.memory_space<hbm>>, %arg4: memref<320000xf32, #tpu.memory_space<hbm>>, %arg5: memref<2x64x10000xf32, #tpu.memory_space<hbm>>, %arg6: memref<10000xi32, #tpu.memory_space<vmem>>, %arg7: memref<10000xi32, #tpu.memory_space<vmem>>, %arg8: memref<10000xf32, #tpu.memory_space<vmem>>, %arg9: memref<10000xf32, #tpu.memory_space<vmem>>, %arg10: memref<10000xf32, #tpu.memory_space<vmem>>, %arg11: memref<10000xf32, #tpu.memory_space<vmem>>, %arg12: memref<6400xi32, #tpu.memory_space<vmem>>, %arg13: memref<6400xf32, #tpu.memory_space<vmem>>, %arg14: memref<6400xi32, #tpu.memory_space<vmem>>, %arg15: memref<6400xf32, #tpu.memory_space<vmem>>, %arg16: memref<!tpu.dma_semaphore, #tpu.memory_space<semaphore_mem>>, %arg17: memref<!tpu.dma_semaphore, #tpu.memory_space<semaphore_mem>>) attributes {dimension_semantics = [#tpu.dimension_semantics<core_parallel>, #tpu.dimension_semantics<subcore_parallel>], iteration_bounds = array<i64: 2, 16>, scalar_prefetch = 0 : i64, scratch_operands = 12 : i64, tpu.core_type = #tpu.core_type<sc_vector_subcore>, window_params = [{transform_indices = #map}, {transform_indices = #map1}, {transform_indices = #map1}, {transform_indices = #map2}]} {
    %mul3A = arith.constant 2 : i32
    %mul3A_0 = arith.muli %arg1, %mul3A : i32
    %add3A = arith.addi %mul3A_0, %arg0 : i32
    %broadcast_in_dim3A = arith.constant -65536 : i32
    %broadcast_in_dim3A_1 = vector.broadcast %broadcast_in_dim3A : i32 to vector<16xi32>
    %broadcast_in_dim3A_2 = arith.constant 65535 : i32
    %broadcast_in_dim3A_3 = vector.broadcast %broadcast_in_dim3A_2 : i32 to vector<16xi32>
    %dma_start3A = arith.constant 0 : i32
    %dma_start3A_4 = tpu.memref_slice %arg3[%dma_start3A] : memref<320000xi32, #tpu.memory_space<hbm>> -> memref<6400xi32, #tpu.memory_space<hbm>>
    %dma_start3A_5 = arith.constant 0 : i32
    %dma_start3A_6 = tpu.memref_slice %arg3[%dma_start3A_5] : memref<320000xi32, #tpu.memory_space<hbm>> -> memref<6400xi32, #tpu.memory_space<hbm>>
    tpu.enqueue_dma source(%dma_start3A_6 : memref<6400xi32, #tpu.memory_space<hbm>>) target(%arg12 : memref<6400xi32, #tpu.memory_space<vmem>>) target_semaphore(%arg16 : memref<!tpu.dma_semaphore, #tpu.memory_space<semaphore_mem>>)
    %dma_start3A_7 = arith.constant 0 : i32
    %dma_start3A_8 = tpu.memref_slice %arg4[%dma_start3A_7] : memref<320000xf32, #tpu.memory_space<hbm>> -> memref<6400xf32, #tpu.memory_space<hbm>>
    %dma_start3A_9 = arith.constant 0 : i32
    %dma_start3A_10 = tpu.memref_slice %arg4[%dma_start3A_9] : memref<320000xf32, #tpu.memory_space<hbm>> -> memref<6400xf32, #tpu.memory_space<hbm>>
    tpu.enqueue_dma source(%dma_start3A_10 : memref<6400xf32, #tpu.memory_space<hbm>>) target(%arg13 : memref<6400xf32, #tpu.memory_space<vmem>>) target_semaphore(%arg16 : memref<!tpu.dma_semaphore, #tpu.memory_space<semaphore_mem>>)
    %mul3A_11 = arith.constant 2 : i32
    %mul3A_12 = arith.muli %mul3A_11, %add3A : i32
    %add3A_13 = arith.constant 0 : i32
    %add3A_14 = arith.addi %mul3A_12, %add3A_13 : i32
    "tpu.region"() ({
      %run_scoped3A_58 = tpu.sem_alloc : memref<!tpu.dma_semaphore, #tpu.memory_space<semaphore_mem>>
      %dma_start3A_59 = arith.constant 0 : i32
      %dma_start3A_60 = tpu.memref_slice %arg2[%add3A_14, %dma_start3A_59] : memref<64x10000xi32, #tpu.memory_space<hbm>> -> memref<1x10000xi32, #tpu.memory_space<hbm>>
      %dma_start3A_61 = tpu.memref_squeeze %dma_start3A_60 : memref<1x10000xi32, #tpu.memory_space<hbm>> -> memref<10000xi32, #tpu.memory_space<hbm>>
      %dma_start3A_62 = arith.constant 0 : i32
      %dma_start3A_63 = tpu.memref_slice %arg2[%add3A_14, %dma_start3A_62] : memref<64x10000xi32, #tpu.memory_space<hbm>> -> memref<1x10000xi32, #tpu.memory_space<hbm>>
      %dma_start3A_64 = tpu.memref_squeeze %dma_start3A_63 : memref<1x10000xi32, #tpu.memory_space<hbm>> -> memref<10000xi32, #tpu.memory_space<hbm>>
      tpu.enqueue_dma source(%dma_start3A_64 : memref<10000xi32, #tpu.memory_space<hbm>>) target(%arg6 : memref<10000xi32, #tpu.memory_space<vmem>>) target_semaphore(%run_scoped3A_58 : memref<!tpu.dma_semaphore, #tpu.memory_space<semaphore_mem>>)
      %dma_wait3A_65 = arith.constant 0 : i32
      %dma_wait3A_66 = tpu.memref_slice %arg2[%add3A_14, %dma_wait3A_65] : memref<64x10000xi32, #tpu.memory_space<hbm>> -> memref<1x10000xi32, #tpu.memory_space<hbm>>
      %dma_wait3A_67 = tpu.memref_squeeze %dma_wait3A_66 : memref<1x10000xi32, #tpu.memory_space<hbm>> -> memref<10000xi32, #tpu.memory_space<hbm>>
      %dma_wait3A_68 = arith.constant 0 : i32
      %dma_wait3A_69 = tpu.memref_slice %arg2[%add3A_14, %dma_wait3A_68] : memref<64x10000xi32, #tpu.memory_space<hbm>> -> memref<1x10000xi32, #tpu.memory_space<hbm>>
      %dma_wait3A_70 = tpu.memref_squeeze %dma_wait3A_69 : memref<1x10000xi32, #tpu.memory_space<hbm>> -> memref<10000xi32, #tpu.memory_space<hbm>>
      tpu.wait_dma2 semaphore(%run_scoped3A_58 : memref<!tpu.dma_semaphore, #tpu.memory_space<semaphore_mem>>) src(%dma_wait3A_70 : memref<10000xi32, #tpu.memory_space<hbm>>) dst(%arg6 : memref<10000xi32, #tpu.memory_space<vmem>>)
      tpu.yield
    }) : () -> ()
    %mul3A_15 = arith.constant 2 : i32
    %mul3A_16 = arith.muli %mul3A_15, %add3A : i32
    %add3A_17 = arith.constant 1 : i32
    %add3A_18 = arith.addi %mul3A_16, %add3A_17 : i32
    "tpu.region"() ({
      %run_scoped3A_58 = tpu.sem_alloc : memref<!tpu.dma_semaphore, #tpu.memory_space<semaphore_mem>>
      %dma_start3A_59 = arith.constant 0 : i32
      %dma_start3A_60 = tpu.memref_slice %arg2[%add3A_18, %dma_start3A_59] : memref<64x10000xi32, #tpu.memory_space<hbm>> -> memref<1x10000xi32, #tpu.memory_space<hbm>>
      %dma_start3A_61 = tpu.memref_squeeze %dma_start3A_60 : memref<1x10000xi32, #tpu.memory_space<hbm>> -> memref<10000xi32, #tpu.memory_space<hbm>>
      %dma_start3A_62 = arith.constant 0 : i32
      %dma_start3A_63 = tpu.memref_slice %arg2[%add3A_18, %dma_start3A_62] : memref<64x10000xi32, #tpu.memory_space<hbm>> -> memref<1x10000xi32, #tpu.memory_space<hbm>>
      %dma_start3A_64 = tpu.memref_squeeze %dma_start3A_63 : memref<1x10000xi32, #tpu.memory_space<hbm>> -> memref<10000xi32, #tpu.memory_space<hbm>>
      tpu.enqueue_dma source(%dma_start3A_64 : memref<10000xi32, #tpu.memory_space<hbm>>) target(%arg7 : memref<10000xi32, #tpu.memory_space<vmem>>) target_semaphore(%run_scoped3A_58 : memref<!tpu.dma_semaphore, #tpu.memory_space<semaphore_mem>>)
      %dma_wait3A_65 = arith.constant 0 : i32
      %dma_wait3A_66 = tpu.memref_slice %arg2[%add3A_18, %dma_wait3A_65] : memref<64x10000xi32, #tpu.memory_space<hbm>> -> memref<1x10000xi32, #tpu.memory_space<hbm>>
      %dma_wait3A_67 = tpu.memref_squeeze %dma_wait3A_66 : memref<1x10000xi32, #tpu.memory_space<hbm>> -> memref<10000xi32, #tpu.memory_space<hbm>>
      %dma_wait3A_68 = arith.constant 0 : i32
      %dma_wait3A_69 = tpu.memref_slice %arg2[%add3A_18, %dma_wait3A_68] : memref<64x10000xi32, #tpu.memory_space<hbm>> -> memref<1x10000xi32, #tpu.memory_space<hbm>>
      %dma_wait3A_70 = tpu.memref_squeeze %dma_wait3A_69 : memref<1x10000xi32, #tpu.memory_space<hbm>> -> memref<10000xi32, #tpu.memory_space<hbm>>
      tpu.wait_dma2 semaphore(%run_scoped3A_58 : memref<!tpu.dma_semaphore, #tpu.memory_space<semaphore_mem>>) src(%dma_wait3A_70 : memref<10000xi32, #tpu.memory_space<hbm>>) dst(%arg7 : memref<10000xi32, #tpu.memory_space<vmem>>)
      tpu.yield
    }) : () -> ()
    %broadcast_in_dim3A_19 = arith.constant 0.000000e+00 : f32
    %broadcast_in_dim3A_20 = vector.broadcast %broadcast_in_dim3A_19 : f32 to vector<16xf32>
    %scan3A = arith.constant 0 : i32
    %scan3A_21 = arith.constant 0 : i32
    %scan3A_22 = arith.constant 625 : i32
    %scan3A_23 = arith.addi %scan3A_21, %scan3A_22 : i32
    %scan3A_24 = arith.constant 1 : i32
    scf.for %scan3A_58 = %scan3A_21 to %scan3A_23 step %scan3A_24  : i32 {
      %mul3A_59 = arith.constant 16 : i32
      %mul3A_60 = arith.muli %scan3A_58, %mul3A_59 : i32
      %swap3A = arith.index_cast %mul3A_60 : i32 to index
      %swap3A_61 = tpu.vector_load %arg8[%swap3A] {strides = array<i32>} : memref<10000xf32, #tpu.memory_space<vmem>>, vector<16xf32>,
      tpu.vector_store %arg8[%swap3A], %broadcast_in_dim3A_20 {strides = array<i32>} : memref<10000xf32, #tpu.memory_space<vmem>>, vector<16xf32>,
      %mul3A_62 = arith.constant 16 : i32
      %mul3A_63 = arith.muli %scan3A_58, %mul3A_62 : i32
      %swap3A_64 = arith.index_cast %mul3A_63 : i32 to index
      %swap3A_65 = tpu.vector_load %arg9[%swap3A_64] {strides = array<i32>} : memref<10000xf32, #tpu.memory_space<vmem>>, vector<16xf32>,
      tpu.vector_store %arg9[%swap3A_64], %broadcast_in_dim3A_20 {strides = array<i32>} : memref<10000xf32, #tpu.memory_space<vmem>>, vector<16xf32>,
      %mul3A_66 = arith.constant 16 : i32
      %mul3A_67 = arith.muli %scan3A_58, %mul3A_66 : i32
      %swap3A_68 = arith.index_cast %mul3A_67 : i32 to index
      %swap3A_69 = tpu.vector_load %arg10[%swap3A_68] {strides = array<i32>} : memref<10000xf32, #tpu.memory_space<vmem>>, vector<16xf32>,
      tpu.vector_store %arg10[%swap3A_68], %broadcast_in_dim3A_20 {strides = array<i32>} : memref<10000xf32, #tpu.memory_space<vmem>>, vector<16xf32>,
      %mul3A_70 = arith.constant 16 : i32
      %mul3A_71 = arith.muli %scan3A_58, %mul3A_70 : i32
      %swap3A_72 = arith.index_cast %mul3A_71 : i32 to index
      %swap3A_73 = tpu.vector_load %arg11[%swap3A_72] {strides = array<i32>} : memref<10000xf32, #tpu.memory_space<vmem>>, vector<16xf32>,
      tpu.vector_store %arg11[%swap3A_72], %broadcast_in_dim3A_20 {strides = array<i32>} : memref<10000xf32, #tpu.memory_space<vmem>>, vector<16xf32>,
    }
    %scan3A_25 = arith.constant 625 : i32
    %scan3A_26 = arith.constant 0 : i32
    %scan3A_27 = arith.constant 0 : i32
    %scan3A_28 = arith.constant 25 : i32
    %scan3A_29 = arith.addi %scan3A_27, %scan3A_28 : i32
    %scan3A_30 = arith.constant 1 : i32
    scf.for %scan3A_58 = %scan3A_27 to %scan3A_29 step %scan3A_30  : i32 {
      %mul3A_59 = arith.constant 2 : i32
      %mul3A_60 = arith.muli %mul3A_59, %scan3A_58 : i32
      %add3A_61 = arith.constant 1 : i32
      %add3A_62 = arith.addi %mul3A_60, %add3A_61 : i32
      %mul3A_63 = arith.constant 6400 : i32
      %mul3A_64 = arith.muli %add3A_62, %mul3A_63 : i32
      %dma_start3A_65 = tpu.memref_slice %arg3[%mul3A_64] : memref<320000xi32, #tpu.memory_space<hbm>> -> memref<6400xi32, #tpu.memory_space<hbm>>
      %dma_start3A_66 = tpu.memref_slice %arg3[%mul3A_64] : memref<320000xi32, #tpu.memory_space<hbm>> -> memref<6400xi32, #tpu.memory_space<hbm>>
      tpu.enqueue_dma source(%dma_start3A_66 : memref<6400xi32, #tpu.memory_space<hbm>>) target(%arg14 : memref<6400xi32, #tpu.memory_space<vmem>>) target_semaphore(%arg17 : memref<!tpu.dma_semaphore, #tpu.memory_space<semaphore_mem>>)
      %dma_start3A_67 = tpu.memref_slice %arg4[%mul3A_64] : memref<320000xf32, #tpu.memory_space<hbm>> -> memref<6400xf32, #tpu.memory_space<hbm>>
      %dma_start3A_68 = tpu.memref_slice %arg4[%mul3A_64] : memref<320000xf32, #tpu.memory_space<hbm>> -> memref<6400xf32, #tpu.memory_space<hbm>>
      tpu.enqueue_dma source(%dma_start3A_68 : memref<6400xf32, #tpu.memory_space<hbm>>) target(%arg15 : memref<6400xf32, #tpu.memory_space<vmem>>) target_semaphore(%arg17 : memref<!tpu.dma_semaphore, #tpu.memory_space<semaphore_mem>>)
      %dma_wait3A_69 = arith.constant 0 : i32
      %dma_wait3A_70 = tpu.memref_slice %arg3[%dma_wait3A_69] : memref<320000xi32, #tpu.memory_space<hbm>> -> memref<6400xi32, #tpu.memory_space<hbm>>
      %dma_wait3A_71 = arith.constant 0 : i32
      %dma_wait3A_72 = tpu.memref_slice %arg3[%dma_wait3A_71] : memref<320000xi32, #tpu.memory_space<hbm>> -> memref<6400xi32, #tpu.memory_space<hbm>>
      tpu.wait_dma2 semaphore(%arg16 : memref<!tpu.dma_semaphore, #tpu.memory_space<semaphore_mem>>) src(%dma_wait3A_72 : memref<6400xi32, #tpu.memory_space<hbm>>) dst(%arg12 : memref<6400xi32, #tpu.memory_space<vmem>>)
      %dma_wait3A_73 = arith.constant 0 : i32
      %dma_wait3A_74 = tpu.memref_slice %arg4[%dma_wait3A_73] : memref<320000xf32, #tpu.memory_space<hbm>> -> memref<6400xf32, #tpu.memory_space<hbm>>
      %dma_wait3A_75 = arith.constant 0 : i32
      %dma_wait3A_76 = tpu.memref_slice %arg4[%dma_wait3A_75] : memref<320000xf32, #tpu.memory_space<hbm>> -> memref<6400xf32, #tpu.memory_space<hbm>>
      tpu.wait_dma2 semaphore(%arg16 : memref<!tpu.dma_semaphore, #tpu.memory_space<semaphore_mem>>) src(%dma_wait3A_76 : memref<6400xf32, #tpu.memory_space<hbm>>) dst(%arg13 : memref<6400xf32, #tpu.memory_space<vmem>>)
      %parallel_loop3A = arith.constant 0 : i32
      %parallel_loop3A_77 = arith.constant 400 : i32
      %parallel_loop3A_78 = arith.constant 1 : i32
      scf.for %parallel_loop3A_99 = %parallel_loop3A to %parallel_loop3A_77 step %parallel_loop3A_78  : i32 {
        %parallel_loop3A_100 = arith.constant 16 : i32
        %parallel_loop3A_101 = arith.muli %parallel_loop3A_99, %parallel_loop3A_100 : i32
        %parallel_loop3A_102 = arith.index_cast %parallel_loop3A_101 : i32 to index
        %parallel_loop3A_103 = tpu.vector_load %arg12[%parallel_loop3A_102] {strides = array<i32>} : memref<6400xi32, #tpu.memory_space<vmem>>, vector<16xi32>,
        %parallel_loop3A_104 = arith.andi %parallel_loop3A_103, %broadcast_in_dim3A_3 : vector<16xi32>
        %parallel_loop3A_105 = arith.constant 16 : i32
        %parallel_loop3A_106 = vector.broadcast %parallel_loop3A_105 : i32 to vector<16xi32>
        %parallel_loop3A_107 = arith.shrui %parallel_loop3A_103, %parallel_loop3A_106 : vector<16xi32>
        %parallel_loop3A_108 = arith.constant 16 : i32
        %parallel_loop3A_109 = arith.muli %parallel_loop3A_99, %parallel_loop3A_108 : i32
        %parallel_loop3A_110 = arith.index_cast %parallel_loop3A_109 : i32 to index
        %parallel_loop3A_111 = tpu.vector_load %arg13[%parallel_loop3A_110] {strides = array<i32>} : memref<6400xf32, #tpu.memory_space<vmem>>, vector<16xf32>,
        %parallel_loop3A_112 = tpu.vector_load_idx %arg6[%parallel_loop3A_104] : memref<10000xi32, #tpu.memory_space<vmem>>[vector<16xi32>], vector<16xi32>,
        %parallel_loop3A_113 = arith.constant 16 : i32
        %parallel_loop3A_114 = vector.broadcast %parallel_loop3A_113 : i32 to vector<16xi32>
        %parallel_loop3A_115 = arith.shli %parallel_loop3A_112, %parallel_loop3A_114 : vector<16xi32>
        %parallel_loop3A_116 = vector.bitcast %parallel_loop3A_115 : vector<16xi32> to vector<16xf32>
        %parallel_loop3A_117 = arith.andi %parallel_loop3A_112, %broadcast_in_dim3A_1 : vector<16xi32>
        %parallel_loop3A_118 = vector.bitcast %parallel_loop3A_117 : vector<16xi32> to vector<16xf32>
        %parallel_loop3A_119 = arith.mulf %parallel_loop3A_116, %parallel_loop3A_111 : vector<16xf32>
        tpu.vector_store_idx %arg8[%parallel_loop3A_107], %parallel_loop3A_119 {add = true} : memref<10000xf32, #tpu.memory_space<vmem>>[vector<16xi32>], vector<16xf32>,
        %parallel_loop3A_120 = arith.mulf %parallel_loop3A_118, %parallel_loop3A_111 : vector<16xf32>
        tpu.vector_store_idx %arg9[%parallel_loop3A_107], %parallel_loop3A_120 {add = true} : memref<10000xf32, #tpu.memory_space<vmem>>[vector<16xi32>], vector<16xf32>,
        %parallel_loop3A_121 = tpu.vector_load_idx %arg7[%parallel_loop3A_104] : memref<10000xi32, #tpu.memory_space<vmem>>[vector<16xi32>], vector<16xi32>,
        %parallel_loop3A_122 = arith.constant 16 : i32
        %parallel_loop3A_123 = vector.broadcast %parallel_loop3A_122 : i32 to vector<16xi32>
        %parallel_loop3A_124 = arith.shli %parallel_loop3A_121, %parallel_loop3A_123 : vector<16xi32>
        %parallel_loop3A_125 = vector.bitcast %parallel_loop3A_124 : vector<16xi32> to vector<16xf32>
        %parallel_loop3A_126 = arith.andi %parallel_loop3A_121, %broadcast_in_dim3A_1 : vector<16xi32>
        %parallel_loop3A_127 = vector.bitcast %parallel_loop3A_126 : vector<16xi32> to vector<16xf32>
        %parallel_loop3A_128 = arith.mulf %parallel_loop3A_125, %parallel_loop3A_111 : vector<16xf32>
        tpu.vector_store_idx %arg10[%parallel_loop3A_107], %parallel_loop3A_128 {add = true} : memref<10000xf32, #tpu.memory_space<vmem>>[vector<16xi32>], vector<16xf32>,
        %parallel_loop3A_129 = arith.mulf %parallel_loop3A_127, %parallel_loop3A_111 : vector<16xf32>
        tpu.vector_store_idx %arg11[%parallel_loop3A_107], %parallel_loop3A_129 {add = true} : memref<10000xf32, #tpu.memory_space<vmem>>[vector<16xi32>], vector<16xf32>,
      } {sc.loop_unroll_factor = 16 : i64, sc.parallel_access}
      %add3A_79 = arith.constant 2 : i32
      %add3A_80 = arith.addi %mul3A_60, %add3A_79 : i32
      %rem3A = arith.constant 50 : i32
      %rem3A_81 = arith.remsi %add3A_80, %rem3A : i32
      %mul3A_82 = arith.constant 6400 : i32
      %mul3A_83 = arith.muli %rem3A_81, %mul3A_82 : i32
      %dma_start3A_84 = tpu.memref_slice %arg3[%mul3A_83] : memref<320000xi32, #tpu.memory_space<hbm>> -> memref<6400xi32, #tpu.memory_space<hbm>>
      %dma_start3A_85 = tpu.memref_slice %arg3[%mul3A_83] : memref<320000xi32, #tpu.memory_space<hbm>> -> memref<6400xi32, #tpu.memory_space<hbm>>
      tpu.enqueue_dma source(%dma_start3A_85 : memref<6400xi32, #tpu.memory_space<hbm>>) target(%arg12 : memref<6400xi32, #tpu.memory_space<vmem>>) target_semaphore(%arg16 : memref<!tpu.dma_semaphore, #tpu.memory_space<semaphore_mem>>)
      %dma_start3A_86 = tpu.memref_slice %arg4[%mul3A_83] : memref<320000xf32, #tpu.memory_space<hbm>> -> memref<6400xf32, #tpu.memory_space<hbm>>
      %dma_start3A_87 = tpu.memref_slice %arg4[%mul3A_83] : memref<320000xf32, #tpu.memory_space<hbm>> -> memref<6400xf32, #tpu.memory_space<hbm>>
      tpu.enqueue_dma source(%dma_start3A_87 : memref<6400xf32, #tpu.memory_space<hbm>>) target(%arg13 : memref<6400xf32, #tpu.memory_space<vmem>>) target_semaphore(%arg16 : memref<!tpu.dma_semaphore, #tpu.memory_space<semaphore_mem>>)
      %dma_wait3A_88 = arith.constant 0 : i32
      %dma_wait3A_89 = tpu.memref_slice %arg3[%dma_wait3A_88] : memref<320000xi32, #tpu.memory_space<hbm>> -> memref<6400xi32, #tpu.memory_space<hbm>>
      %dma_wait3A_90 = arith.constant 0 : i32
      %dma_wait3A_91 = tpu.memref_slice %arg3[%dma_wait3A_90] : memref<320000xi32, #tpu.memory_space<hbm>> -> memref<6400xi32, #tpu.memory_space<hbm>>
      tpu.wait_dma2 semaphore(%arg17 : memref<!tpu.dma_semaphore, #tpu.memory_space<semaphore_mem>>) src(%dma_wait3A_91 : memref<6400xi32, #tpu.memory_space<hbm>>) dst(%arg14 : memref<6400xi32, #tpu.memory_space<vmem>>)
      %dma_wait3A_92 = arith.constant 0 : i32
      %dma_wait3A_93 = tpu.memref_slice %arg4[%dma_wait3A_92] : memref<320000xf32, #tpu.memory_space<hbm>> -> memref<6400xf32, #tpu.memory_space<hbm>>
      %dma_wait3A_94 = arith.constant 0 : i32
      %dma_wait3A_95 = tpu.memref_slice %arg4[%dma_wait3A_94] : memref<320000xf32, #tpu.memory_space<hbm>> -> memref<6400xf32, #tpu.memory_space<hbm>>
      tpu.wait_dma2 semaphore(%arg17 : memref<!tpu.dma_semaphore, #tpu.memory_space<semaphore_mem>>) src(%dma_wait3A_95 : memref<6400xf32, #tpu.memory_space<hbm>>) dst(%arg15 : memref<6400xf32, #tpu.memory_space<vmem>>)
      %parallel_loop3A_96 = arith.constant 0 : i32
      %parallel_loop3A_97 = arith.constant 400 : i32
      %parallel_loop3A_98 = arith.constant 1 : i32
      scf.for %parallel_loop3A_99 = %parallel_loop3A_96 to %parallel_loop3A_97 step %parallel_loop3A_98  : i32 {
        %parallel_loop3A_100 = arith.constant 16 : i32
        %parallel_loop3A_101 = arith.muli %parallel_loop3A_99, %parallel_loop3A_100 : i32
        %parallel_loop3A_102 = arith.index_cast %parallel_loop3A_101 : i32 to index
        %parallel_loop3A_103 = tpu.vector_load %arg14[%parallel_loop3A_102] {strides = array<i32>} : memref<6400xi32, #tpu.memory_space<vmem>>, vector<16xi32>,
        %parallel_loop3A_104 = arith.andi %parallel_loop3A_103, %broadcast_in_dim3A_3 : vector<16xi32>
        %parallel_loop3A_105 = arith.constant 16 : i32
        %parallel_loop3A_106 = vector.broadcast %parallel_loop3A_105 : i32 to vector<16xi32>
        %parallel_loop3A_107 = arith.shrui %parallel_loop3A_103, %parallel_loop3A_106 : vector<16xi32>
        %parallel_loop3A_108 = arith.constant 16 : i32
        %parallel_loop3A_109 = arith.muli %parallel_loop3A_99, %parallel_loop3A_108 : i32
        %parallel_loop3A_110 = arith.index_cast %parallel_loop3A_109 : i32 to index
        %parallel_loop3A_111 = tpu.vector_load %arg15[%parallel_loop3A_110] {strides = array<i32>} : memref<6400xf32, #tpu.memory_space<vmem>>, vector<16xf32>,
        %parallel_loop3A_112 = tpu.vector_load_idx %arg6[%parallel_loop3A_104] : memref<10000xi32, #tpu.memory_space<vmem>>[vector<16xi32>], vector<16xi32>,
        %parallel_loop3A_113 = arith.constant 16 : i32
        %parallel_loop3A_114 = vector.broadcast %parallel_loop3A_113 : i32 to vector<16xi32>
        %parallel_loop3A_115 = arith.shli %parallel_loop3A_112, %parallel_loop3A_114 : vector<16xi32>
        %parallel_loop3A_116 = vector.bitcast %parallel_loop3A_115 : vector<16xi32> to vector<16xf32>
        %parallel_loop3A_117 = arith.andi %parallel_loop3A_112, %broadcast_in_dim3A_1 : vector<16xi32>
        %parallel_loop3A_118 = vector.bitcast %parallel_loop3A_117 : vector<16xi32> to vector<16xf32>
        %parallel_loop3A_119 = arith.mulf %parallel_loop3A_116, %parallel_loop3A_111 : vector<16xf32>
        tpu.vector_store_idx %arg8[%parallel_loop3A_107], %parallel_loop3A_119 {add = true} : memref<10000xf32, #tpu.memory_space<vmem>>[vector<16xi32>], vector<16xf32>,
        %parallel_loop3A_120 = arith.mulf %parallel_loop3A_118, %parallel_loop3A_111 : vector<16xf32>
        tpu.vector_store_idx %arg9[%parallel_loop3A_107], %parallel_loop3A_120 {add = true} : memref<10000xf32, #tpu.memory_space<vmem>>[vector<16xi32>], vector<16xf32>,
        %parallel_loop3A_121 = tpu.vector_load_idx %arg7[%parallel_loop3A_104] : memref<10000xi32, #tpu.memory_space<vmem>>[vector<16xi32>], vector<16xi32>,
        %parallel_loop3A_122 = arith.constant 16 : i32
        %parallel_loop3A_123 = vector.broadcast %parallel_loop3A_122 : i32 to vector<16xi32>
        %parallel_loop3A_124 = arith.shli %parallel_loop3A_121, %parallel_loop3A_123 : vector<16xi32>
        %parallel_loop3A_125 = vector.bitcast %parallel_loop3A_124 : vector<16xi32> to vector<16xf32>
        %parallel_loop3A_126 = arith.andi %parallel_loop3A_121, %broadcast_in_dim3A_1 : vector<16xi32>
        %parallel_loop3A_127 = vector.bitcast %parallel_loop3A_126 : vector<16xi32> to vector<16xf32>
        %parallel_loop3A_128 = arith.mulf %parallel_loop3A_125, %parallel_loop3A_111 : vector<16xf32>
        tpu.vector_store_idx %arg10[%parallel_loop3A_107], %parallel_loop3A_128 {add = true} : memref<10000xf32, #tpu.memory_space<vmem>>[vector<16xi32>], vector<16xf32>,
        %parallel_loop3A_129 = arith.mulf %parallel_loop3A_127, %parallel_loop3A_111 : vector<16xf32>
        tpu.vector_store_idx %arg11[%parallel_loop3A_107], %parallel_loop3A_129 {add = true} : memref<10000xf32, #tpu.memory_space<vmem>>[vector<16xi32>], vector<16xf32>,
      } {sc.loop_unroll_factor = 16 : i64, sc.parallel_access}
    }
    %scan3A_31 = arith.constant 25 : i32
    %dma_wait3A = arith.constant 0 : i32
    %dma_wait3A_32 = tpu.memref_slice %arg3[%dma_wait3A] : memref<320000xi32, #tpu.memory_space<hbm>> -> memref<6400xi32, #tpu.memory_space<hbm>>
    %dma_wait3A_33 = arith.constant 0 : i32
    %dma_wait3A_34 = tpu.memref_slice %arg3[%dma_wait3A_33] : memref<320000xi32, #tpu.memory_space<hbm>> -> memref<6400xi32, #tpu.memory_space<hbm>>
    tpu.wait_dma2 semaphore(%arg16 : memref<!tpu.dma_semaphore, #tpu.memory_space<semaphore_mem>>) src(%dma_wait3A_34 : memref<6400xi32, #tpu.memory_space<hbm>>) dst(%arg12 : memref<6400xi32, #tpu.memory_space<vmem>>)
    %dma_wait3A_35 = arith.constant 0 : i32
    %dma_wait3A_36 = tpu.memref_slice %arg4[%dma_wait3A_35] : memref<320000xf32, #tpu.memory_space<hbm>> -> memref<6400xf32, #tpu.memory_space<hbm>>
    %dma_wait3A_37 = arith.constant 0 : i32
    %dma_wait3A_38 = tpu.memref_slice %arg4[%dma_wait3A_37] : memref<320000xf32, #tpu.memory_space<hbm>> -> memref<6400xf32, #tpu.memory_space<hbm>>
    tpu.wait_dma2 semaphore(%arg16 : memref<!tpu.dma_semaphore, #tpu.memory_space<semaphore_mem>>) src(%dma_wait3A_38 : memref<6400xf32, #tpu.memory_space<hbm>>) dst(%arg13 : memref<6400xf32, #tpu.memory_space<vmem>>)
    %mul3A_39 = arith.constant 2 : i32
    %mul3A_40 = arith.muli %mul3A_39, %add3A : i32
    %add3A_41 = arith.constant 0 : i32
    %add3A_42 = arith.addi %mul3A_40, %add3A_41 : i32
    %run_scoped3A = arith.constant 0 : i32
    "tpu.region"() ({
      %run_scoped3A_58 = tpu.sem_alloc : memref<!tpu.dma_semaphore, #tpu.memory_space<semaphore_mem>>
      %dma_start3A_59 = arith.constant 0 : i32
      %dma_start3A_60 = tpu.memref_slice %arg5[%run_scoped3A, %add3A_42, %dma_start3A_59] : memref<2x64x10000xf32, #tpu.memory_space<hbm>> -> memref<1x1x10000xf32, #tpu.memory_space<hbm>>
      %dma_start3A_61 = tpu.memref_squeeze %dma_start3A_60 : memref<1x1x10000xf32, #tpu.memory_space<hbm>> -> memref<10000xf32, #tpu.memory_space<hbm>>
      %dma_start3A_62 = arith.constant 0 : i32
      %dma_start3A_63 = tpu.memref_slice %arg5[%run_scoped3A, %add3A_42, %dma_start3A_62] : memref<2x64x10000xf32, #tpu.memory_space<hbm>> -> memref<1x1x10000xf32, #tpu.memory_space<hbm>>
      %dma_start3A_64 = tpu.memref_squeeze %dma_start3A_63 : memref<1x1x10000xf32, #tpu.memory_space<hbm>> -> memref<10000xf32, #tpu.memory_space<hbm>>
      tpu.enqueue_dma source(%arg8 : memref<10000xf32, #tpu.memory_space<vmem>>) target(%dma_start3A_64 : memref<10000xf32, #tpu.memory_space<hbm>>) target_semaphore(%run_scoped3A_58 : memref<!tpu.dma_semaphore, #tpu.memory_space<semaphore_mem>>)
      %dma_wait3A_65 = arith.constant 0 : i32
      %dma_wait3A_66 = tpu.memref_slice %arg5[%run_scoped3A, %add3A_42, %dma_wait3A_65] : memref<2x64x10000xf32, #tpu.memory_space<hbm>> -> memref<1x1x10000xf32, #tpu.memory_space<hbm>>
      %dma_wait3A_67 = tpu.memref_squeeze %dma_wait3A_66 : memref<1x1x10000xf32, #tpu.memory_space<hbm>> -> memref<10000xf32, #tpu.memory_space<hbm>>
      %dma_wait3A_68 = arith.constant 0 : i32
      %dma_wait3A_69 = tpu.memref_slice %arg5[%run_scoped3A, %add3A_42, %dma_wait3A_68] : memref<2x64x10000xf32, #tpu.memory_space<hbm>> -> memref<1x1x10000xf32, #tpu.memory_space<hbm>>
      %dma_wait3A_70 = tpu.memref_squeeze %dma_wait3A_69 : memref<1x1x10000xf32, #tpu.memory_space<hbm>> -> memref<10000xf32, #tpu.memory_space<hbm>>
      tpu.wait_dma2 semaphore(%run_scoped3A_58 : memref<!tpu.dma_semaphore, #tpu.memory_space<semaphore_mem>>) src(%arg8 : memref<10000xf32, #tpu.memory_space<vmem>>) dst(%dma_wait3A_70 : memref<10000xf32, #tpu.memory_space<hbm>>)
      tpu.yield
    }) : () -> ()
    %mul3A_43 = arith.constant 2 : i32
    %mul3A_44 = arith.muli %mul3A_43, %add3A : i32
    %add3A_45 = arith.constant 0 : i32
    %add3A_46 = arith.addi %mul3A_44, %add3A_45 : i32
    %run_scoped3A_47 = arith.constant 1 : i32
    "tpu.region"() ({
      %run_scoped3A_58 = tpu.sem_alloc : memref<!tpu.dma_semaphore, #tpu.memory_space<semaphore_mem>>
      %dma_start3A_59 = arith.constant 0 : i32
      %dma_start3A_60 = tpu.memref_slice %arg5[%run_scoped3A_47, %add3A_46, %dma_start3A_59] : memref<2x64x10000xf32, #tpu.memory_space<hbm>> -> memref<1x1x10000xf32, #tpu.memory_space<hbm>>
      %dma_start3A_61 = tpu.memref_squeeze %dma_start3A_60 : memref<1x1x10000xf32, #tpu.memory_space<hbm>> -> memref<10000xf32, #tpu.memory_space<hbm>>
      %dma_start3A_62 = arith.constant 0 : i32
      %dma_start3A_63 = tpu.memref_slice %arg5[%run_scoped3A_47, %add3A_46, %dma_start3A_62] : memref<2x64x10000xf32, #tpu.memory_space<hbm>> -> memref<1x1x10000xf32, #tpu.memory_space<hbm>>
      %dma_start3A_64 = tpu.memref_squeeze %dma_start3A_63 : memref<1x1x10000xf32, #tpu.memory_space<hbm>> -> memref<10000xf32, #tpu.memory_space<hbm>>
      tpu.enqueue_dma source(%arg9 : memref<10000xf32, #tpu.memory_space<vmem>>) target(%dma_start3A_64 : memref<10000xf32, #tpu.memory_space<hbm>>) target_semaphore(%run_scoped3A_58 : memref<!tpu.dma_semaphore, #tpu.memory_space<semaphore_mem>>)
      %dma_wait3A_65 = arith.constant 0 : i32
      %dma_wait3A_66 = tpu.memref_slice %arg5[%run_scoped3A_47, %add3A_46, %dma_wait3A_65] : memref<2x64x10000xf32, #tpu.memory_space<hbm>> -> memref<1x1x10000xf32, #tpu.memory_space<hbm>>
      %dma_wait3A_67 = tpu.memref_squeeze %dma_wait3A_66 : memref<1x1x10000xf32, #tpu.memory_space<hbm>> -> memref<10000xf32, #tpu.memory_space<hbm>>
      %dma_wait3A_68 = arith.constant 0 : i32
      %dma_wait3A_69 = tpu.memref_slice %arg5[%run_scoped3A_47, %add3A_46, %dma_wait3A_68] : memref<2x64x10000xf32, #tpu.memory_space<hbm>> -> memref<1x1x10000xf32, #tpu.memory_space<hbm>>
      %dma_wait3A_70 = tpu.memref_squeeze %dma_wait3A_69 : memref<1x1x10000xf32, #tpu.memory_space<hbm>> -> memref<10000xf32, #tpu.memory_space<hbm>>
      tpu.wait_dma2 semaphore(%run_scoped3A_58 : memref<!tpu.dma_semaphore, #tpu.memory_space<semaphore_mem>>) src(%arg9 : memref<10000xf32, #tpu.memory_space<vmem>>) dst(%dma_wait3A_70 : memref<10000xf32, #tpu.memory_space<hbm>>)
      tpu.yield
    }) : () -> ()
    %mul3A_48 = arith.constant 2 : i32
    %mul3A_49 = arith.muli %mul3A_48, %add3A : i32
    %add3A_50 = arith.constant 1 : i32
    %add3A_51 = arith.addi %mul3A_49, %add3A_50 : i32
    %run_scoped3A_52 = arith.constant 0 : i32
    "tpu.region"() ({
      %run_scoped3A_58 = tpu.sem_alloc : memref<!tpu.dma_semaphore, #tpu.memory_space<semaphore_mem>>
      %dma_start3A_59 = arith.constant 0 : i32
      %dma_start3A_60 = tpu.memref_slice %arg5[%run_scoped3A_52, %add3A_51, %dma_start3A_59] : memref<2x64x10000xf32, #tpu.memory_space<hbm>> -> memref<1x1x10000xf32, #tpu.memory_space<hbm>>
      %dma_start3A_61 = tpu.memref_squeeze %dma_start3A_60 : memref<1x1x10000xf32, #tpu.memory_space<hbm>> -> memref<10000xf32, #tpu.memory_space<hbm>>
      %dma_start3A_62 = arith.constant 0 : i32
      %dma_start3A_63 = tpu.memref_slice %arg5[%run_scoped3A_52, %add3A_51, %dma_start3A_62] : memref<2x64x10000xf32, #tpu.memory_space<hbm>> -> memref<1x1x10000xf32, #tpu.memory_space<hbm>>
      %dma_start3A_64 = tpu.memref_squeeze %dma_start3A_63 : memref<1x1x10000xf32, #tpu.memory_space<hbm>> -> memref<10000xf32, #tpu.memory_space<hbm>>
      tpu.enqueue_dma source(%arg10 : memref<10000xf32, #tpu.memory_space<vmem>>) target(%dma_start3A_64 : memref<10000xf32, #tpu.memory_space<hbm>>) target_semaphore(%run_scoped3A_58 : memref<!tpu.dma_semaphore, #tpu.memory_space<semaphore_mem>>)
      %dma_wait3A_65 = arith.constant 0 : i32
      %dma_wait3A_66 = tpu.memref_slice %arg5[%run_scoped3A_52, %add3A_51, %dma_wait3A_65] : memref<2x64x10000xf32, #tpu.memory_space<hbm>> -> memref<1x1x10000xf32, #tpu.memory_space<hbm>>
      %dma_wait3A_67 = tpu.memref_squeeze %dma_wait3A_66 : memref<1x1x10000xf32, #tpu.memory_space<hbm>> -> memref<10000xf32, #tpu.memory_space<hbm>>
      %dma_wait3A_68 = arith.constant 0 : i32
      %dma_wait3A_69 = tpu.memref_slice %arg5[%run_scoped3A_52, %add3A_51, %dma_wait3A_68] : memref<2x64x10000xf32, #tpu.memory_space<hbm>> -> memref<1x1x10000xf32, #tpu.memory_space<hbm>>
      %dma_wait3A_70 = tpu.memref_squeeze %dma_wait3A_69 : memref<1x1x10000xf32, #tpu.memory_space<hbm>> -> memref<10000xf32, #tpu.memory_space<hbm>>
      tpu.wait_dma2 semaphore(%run_scoped3A_58 : memref<!tpu.dma_semaphore, #tpu.memory_space<semaphore_mem>>) src(%arg10 : memref<10000xf32, #tpu.memory_space<vmem>>) dst(%dma_wait3A_70 : memref<10000xf32, #tpu.memory_space<hbm>>)
      tpu.yield
    }) : () -> ()
    %mul3A_53 = arith.constant 2 : i32
    %mul3A_54 = arith.muli %mul3A_53, %add3A : i32
    %add3A_55 = arith.constant 1 : i32
    %add3A_56 = arith.addi %mul3A_54, %add3A_55 : i32
    %run_scoped3A_57 = arith.constant 1 : i32
    "tpu.region"() ({
      %run_scoped3A_58 = tpu.sem_alloc : memref<!tpu.dma_semaphore, #tpu.memory_space<semaphore_mem>>
      %dma_start3A_59 = arith.constant 0 : i32
      %dma_start3A_60 = tpu.memref_slice %arg5[%run_scoped3A_57, %add3A_56, %dma_start3A_59] : memref<2x64x10000xf32, #tpu.memory_space<hbm>> -> memref<1x1x10000xf32, #tpu.memory_space<hbm>>
      %dma_start3A_61 = tpu.memref_squeeze %dma_start3A_60 : memref<1x1x10000xf32, #tpu.memory_space<hbm>> -> memref<10000xf32, #tpu.memory_space<hbm>>
      %dma_start3A_62 = arith.constant 0 : i32
      %dma_start3A_63 = tpu.memref_slice %arg5[%run_scoped3A_57, %add3A_56, %dma_start3A_62] : memref<2x64x10000xf32, #tpu.memory_space<hbm>> -> memref<1x1x10000xf32, #tpu.memory_space<hbm>>
      %dma_start3A_64 = tpu.memref_squeeze %dma_start3A_63 : memref<1x1x10000xf32, #tpu.memory_space<hbm>> -> memref<10000xf32, #tpu.memory_space<hbm>>
      tpu.enqueue_dma source(%arg11 : memref<10000xf32, #tpu.memory_space<vmem>>) target(%dma_start3A_64 : memref<10000xf32, #tpu.memory_space<hbm>>) target_semaphore(%run_scoped3A_58 : memref<!tpu.dma_semaphore, #tpu.memory_space<semaphore_mem>>)
      %dma_wait3A_65 = arith.constant 0 : i32
      %dma_wait3A_66 = tpu.memref_slice %arg5[%run_scoped3A_57, %add3A_56, %dma_wait3A_65] : memref<2x64x10000xf32, #tpu.memory_space<hbm>> -> memref<1x1x10000xf32, #tpu.memory_space<hbm>>
      %dma_wait3A_67 = tpu.memref_squeeze %dma_wait3A_66 : memref<1x1x10000xf32, #tpu.memory_space<hbm>> -> memref<10000xf32, #tpu.memory_space<hbm>>
      %dma_wait3A_68 = arith.constant 0 : i32
      %dma_wait3A_69 = tpu.memref_slice %arg5[%run_scoped3A_57, %add3A_56, %dma_wait3A_68] : memref<2x64x10000xf32, #tpu.memory_space<hbm>> -> memref<1x1x10000xf32, #tpu.memory_space<hbm>>
      %dma_wait3A_70 = tpu.memref_squeeze %dma_wait3A_69 : memref<1x1x10000xf32, #tpu.memory_space<hbm>> -> memref<10000xf32, #tpu.memory_space<hbm>>
      tpu.wait_dma2 semaphore(%run_scoped3A_58 : memref<!tpu.dma_semaphore, #tpu.memory_space<semaphore_mem>>) src(%arg11 : memref<10000xf32, #tpu.memory_space<vmem>>) dst(%dma_wait3A_70 : memref<10000xf32, #tpu.memory_space<hbm>>)
      tpu.yield
    }) : () -> ()
    return
  }
}

module attributes {stable_mosaic.version = 14 : i64} {
  func.func @_tc1_body(%arg0: memref<32x10000xf32, #tpu.memory_space<vmem>>, %arg1: memref<10000x128xf32, #tpu.memory_space<vmem>>, %arg2: memref<128x128xf32, #tpu.memory_space<vmem>>, %arg3: memref<10000x64xi32, #tpu.memory_space<vmem>>, %arg4: memref<1x10000xf32, #tpu.memory_space<vmem>>) attributes {dimension_semantics = [], scalar_prefetch = 0 : i64, scratch_operands = 0 : i64, tpu.core_type = #tpu.core_type<tc>} {
    %get3A = arith.constant 0 : index
    %get3A_0 = arith.constant 0 : index
    %get3A_1 = vector.load %arg0[%get3A, %get3A_0] : memref<32x10000xf32, #tpu.memory_space<vmem>>, vector<32x10000xf32>
    %reduce_sum3A = arith.constant dense<0.000000e+00> : vector<10000xf32>
    %reduce_sum3A_2 = vector.multi_reduction <add>, %get3A_1, %reduce_sum3A [0] : vector<32x10000xf32> to vector<10000xf32>
    %add3A = arith.constant 1.000000e+00 : f32
    %add3A_3 = vector.broadcast %add3A : f32 to vector<10000xf32>
    %add3A_4 = arith.addf %reduce_sum3A_2, %add3A_3 : vector<10000xf32>
    %rsqrt3A = math.rsqrt %add3A_4 : vector<10000xf32>
    %get3A_5 = arith.constant 0 : index
    %get3A_6 = arith.constant 0 : index
    %get3A_7 = vector.load %arg1[%get3A_5, %get3A_6] : memref<10000x128xf32, #tpu.memory_space<vmem>>, vector<10000x128xf32>
    %get3A_8 = arith.constant 0 : index
    %get3A_9 = arith.constant 0 : index
    %get3A_10 = vector.load %arg2[%get3A_8, %get3A_9] : memref<128x128xf32, #tpu.memory_space<vmem>>, vector<128x128xf32>
    %dot_general3A = arith.constant dense<0.000000e+00> : vector<10000x128xf32>
    %dot_general3A_11 = tpu.matmul %get3A_7, %get3A_10, %dot_general3A {dimension_numbers = #tpu.dot_dimension_numbers<[1], [0], [0], [1], [0, 0, 1, 1], [], []>, transpose_lhs_hint = false} : vector<10000x128xf32>, vector<128x128xf32>, vector<10000x128xf32> -> vector<10000x128xf32>
    %broadcast_in_dim3A = vector.shape_cast %rsqrt3A : vector<10000xf32> to vector<10000x1xf32>
    %mul3A = vector.broadcast %broadcast_in_dim3A : vector<10000x1xf32> to vector<10000x128xf32>
    %mul3A_12 = arith.mulf %dot_general3A_11, %mul3A : vector<10000x128xf32>
    %slice3A = vector.extract_strided_slice %mul3A_12 {offsets = [0, 0], sizes = [10000, 64], strides = [1, 1]} : vector<10000x128xf32> to vector<10000x64xf32>
    %convert_element_type3A = arith.truncf %slice3A : vector<10000x64xf32> to vector<10000x64xbf16>
    %bitcast_convert_type3A = tpu.bitcast %convert_element_type3A : vector<10000x64xbf16> -> vector<10000x64xi16>
    %convert_element_type3A_13 = arith.extui %bitcast_convert_type3A : vector<10000x64xi16> to vector<10000x64xi32>
    %slice3A_14 = vector.extract_strided_slice %mul3A_12 {offsets = [0, 64], sizes = [10000, 64], strides = [1, 1]} : vector<10000x128xf32> to vector<10000x64xf32>
    %convert_element_type3A_15 = arith.truncf %slice3A_14 : vector<10000x64xf32> to vector<10000x64xbf16>
    %bitcast_convert_type3A_16 = tpu.bitcast %convert_element_type3A_15 : vector<10000x64xbf16> -> vector<10000x64xi16>
    %convert_element_type3A_17 = arith.extui %bitcast_convert_type3A_16 : vector<10000x64xi16> to vector<10000x64xi32>
    %shift_left3A = arith.constant 16 : i32
    %shift_left3A_18 = vector.broadcast %shift_left3A : i32 to vector<10000x64xi32>
    %shift_left3A_19 = arith.shli %convert_element_type3A_17, %shift_left3A_18 : vector<10000x64xi32>
    %or3A = arith.ori %convert_element_type3A_13, %shift_left3A_19 : vector<10000x64xi32>
    %bitcast_convert_type3A_20 = tpu.bitcast %or3A : vector<10000x64xi32> -> vector<10000x64xi32>
    %swap3A = arith.constant 0 : index
    %swap3A_21 = arith.constant 0 : index
    %swap3A_22 = vector.load %arg3[%swap3A, %swap3A_21] : memref<10000x64xi32, #tpu.memory_space<vmem>>, vector<10000x64xi32>
    tpu.vector_store %arg3[%swap3A, %swap3A_21], %bitcast_convert_type3A_20 {strides = array<i32>} : memref<10000x64xi32, #tpu.memory_space<vmem>>, vector<10000x64xi32>,
    %broadcast_in_dim3A_23 = vector.shape_cast %rsqrt3A : vector<10000xf32> to vector<1x10000xf32>
    %swap3A_24 = arith.constant 0 : index
    %swap3A_25 = arith.constant 0 : index
    %swap3A_26 = vector.load %arg4[%swap3A_24, %swap3A_25] : memref<1x10000xf32, #tpu.memory_space<vmem>>, vector<1x10000xf32>
    tpu.vector_store %arg4[%swap3A_24, %swap3A_25], %broadcast_in_dim3A_23 {strides = array<i32>} : memref<1x10000xf32, #tpu.memory_space<vmem>>, vector<1x10000xf32>,
    return
  }
}

module attributes {stable_mosaic.version = 14 : i64} {
  func.func @_tc2_body(%arg0: memref<2x64x10000xf32, #tpu.memory_space<vmem>>, %arg1: memref<64x10000xi32, #tpu.memory_space<vmem>>, %arg2: memref<1x10000xf32, #tpu.memory_space<vmem>>, %arg3: memref<2x64x1xf32, #tpu.memory_space<vmem>>, %arg4: memref<2x64x1xf32, #tpu.memory_space<vmem>>, %arg5: memref<1x10000xf32, #tpu.memory_space<vmem>>) attributes {dimension_semantics = [], scalar_prefetch = 0 : i64, scratch_operands = 0 : i64, tpu.core_type = #tpu.core_type<tc>} {
    %get3A = arith.constant 0 : index
    %get3A_0 = arith.constant 0 : index
    %get3A_1 = vector.load %arg2[%get3A, %get3A_0] : memref<1x10000xf32, #tpu.memory_space<vmem>>, vector<1x10000xf32>
    %get3A_2 = arith.constant 0 : index
    %get3A_3 = arith.constant 0 : index
    %get3A_4 = vector.load %arg1[%get3A_2, %get3A_3] : memref<64x10000xi32, #tpu.memory_space<vmem>>, vector<64x10000xi32>
    %shift_left3A = arith.constant 16 : i32
    %shift_left3A_5 = vector.broadcast %shift_left3A : i32 to vector<64x10000xi32>
    %shift_left3A_6 = arith.shli %get3A_4, %shift_left3A_5 : vector<64x10000xi32>
    %bitcast_convert_type3A = tpu.bitcast %shift_left3A_6 : vector<64x10000xi32> -> vector<64x10000xf32>
    %and3A = arith.constant -65536 : i32
    %and3A_7 = vector.broadcast %and3A : i32 to vector<64x10000xi32>
    %and3A_8 = arith.andi %get3A_4, %and3A_7 : vector<64x10000xi32>
    %bitcast_convert_type3A_9 = tpu.bitcast %and3A_8 : vector<64x10000xi32> -> vector<64x10000xf32>
    %get3A_10 = arith.constant 0 : index
    %get3A_11 = arith.constant 0 : index
    %get3A_12 = arith.constant 0 : index
    %get3A_13 = vector.load %arg0[%get3A_10, %get3A_11, %get3A_12] : memref<2x64x10000xf32, #tpu.memory_space<vmem>>, vector<1x64x10000xf32>
    %get3A_14 = vector.shape_cast %get3A_13 : vector<1x64x10000xf32> to vector<64x10000xf32>
    %add3A = arith.addf %get3A_14, %bitcast_convert_type3A : vector<64x10000xf32>
    %mul3A = vector.broadcast %get3A_1 : vector<1x10000xf32> to vector<64x10000xf32>
    %mul3A_15 = arith.mulf %mul3A, %add3A : vector<64x10000xf32>
    %get3A_16 = arith.constant 0 : index
    %get3A_17 = arith.constant 0 : index
    %get3A_18 = arith.constant 0 : index
    %get3A_19 = vector.load %arg3[%get3A_16, %get3A_17, %get3A_18] : memref<2x64x1xf32, #tpu.memory_space<vmem>>, vector<1x64x1xf32>
    %get3A_20 = vector.shape_cast %get3A_19 : vector<1x64x1xf32> to vector<64x1xf32>
    %add3A_21 = vector.broadcast %get3A_20 : vector<64x1xf32> to vector<64x10000xf32>
    %add3A_22 = arith.addf %mul3A_15, %add3A_21 : vector<64x10000xf32>
    %max3A = arith.constant 0.000000e+00 : f32
    %max3A_23 = vector.broadcast %max3A : f32 to vector<64x10000xf32>
    %max3A_24 = arith.maximumf %add3A_22, %max3A_23 : vector<64x10000xf32>
    %get3A_25 = arith.constant 1 : index
    %get3A_26 = arith.constant 0 : index
    %get3A_27 = arith.constant 0 : index
    %get3A_28 = vector.load %arg0[%get3A_25, %get3A_26, %get3A_27] : memref<2x64x10000xf32, #tpu.memory_space<vmem>>, vector<1x64x10000xf32>
    %get3A_29 = vector.shape_cast %get3A_28 : vector<1x64x10000xf32> to vector<64x10000xf32>
    %add3A_30 = arith.addf %get3A_29, %bitcast_convert_type3A_9 : vector<64x10000xf32>
    %mul3A_31 = vector.broadcast %get3A_1 : vector<1x10000xf32> to vector<64x10000xf32>
    %mul3A_32 = arith.mulf %mul3A_31, %add3A_30 : vector<64x10000xf32>
    %get3A_33 = arith.constant 1 : index
    %get3A_34 = arith.constant 0 : index
    %get3A_35 = arith.constant 0 : index
    %get3A_36 = vector.load %arg3[%get3A_33, %get3A_34, %get3A_35] : memref<2x64x1xf32, #tpu.memory_space<vmem>>, vector<1x64x1xf32>
    %get3A_37 = vector.shape_cast %get3A_36 : vector<1x64x1xf32> to vector<64x1xf32>
    %add3A_38 = vector.broadcast %get3A_37 : vector<64x1xf32> to vector<64x10000xf32>
    %add3A_39 = arith.addf %mul3A_32, %add3A_38 : vector<64x10000xf32>
    %max3A_40 = arith.constant 0.000000e+00 : f32
    %max3A_41 = vector.broadcast %max3A_40 : f32 to vector<64x10000xf32>
    %max3A_42 = arith.maximumf %add3A_39, %max3A_41 : vector<64x10000xf32>
    %get3A_43 = arith.constant 0 : index
    %get3A_44 = arith.constant 0 : index
    %get3A_45 = arith.constant 0 : index
    %get3A_46 = vector.load %arg4[%get3A_43, %get3A_44, %get3A_45] : memref<2x64x1xf32, #tpu.memory_space<vmem>>, vector<1x64x1xf32>
    %get3A_47 = vector.shape_cast %get3A_46 : vector<1x64x1xf32> to vector<64x1xf32>
    %mul3A_48 = vector.broadcast %get3A_47 : vector<64x1xf32> to vector<64x10000xf32>
    %mul3A_49 = arith.mulf %max3A_24, %mul3A_48 : vector<64x10000xf32>
    %get3A_50 = arith.constant 1 : index
    %get3A_51 = arith.constant 0 : index
    %get3A_52 = arith.constant 0 : index
    %get3A_53 = vector.load %arg4[%get3A_50, %get3A_51, %get3A_52] : memref<2x64x1xf32, #tpu.memory_space<vmem>>, vector<1x64x1xf32>
    %get3A_54 = vector.shape_cast %get3A_53 : vector<1x64x1xf32> to vector<64x1xf32>
    %mul3A_55 = vector.broadcast %get3A_54 : vector<64x1xf32> to vector<64x10000xf32>
    %mul3A_56 = arith.mulf %max3A_42, %mul3A_55 : vector<64x10000xf32>
    %add3A_57 = arith.addf %mul3A_49, %mul3A_56 : vector<64x10000xf32>
    %reduce_sum3A = arith.constant dense<0.000000e+00> : vector<10000xf32>
    %reduce_sum3A_58 = vector.multi_reduction <add>, %add3A_57, %reduce_sum3A [0] : vector<64x10000xf32> to vector<10000xf32>
    %broadcast_in_dim3A = vector.shape_cast %reduce_sum3A_58 : vector<10000xf32> to vector<1x10000xf32>
    %mul3A_59 = arith.mulf %get3A_1, %broadcast_in_dim3A : vector<1x10000xf32>
    %swap3A = arith.constant 0 : index
    %swap3A_60 = arith.constant 0 : index
    %swap3A_61 = vector.load %arg5[%swap3A, %swap3A_60] : memref<1x10000xf32, #tpu.memory_space<vmem>>, vector<1x10000xf32>
    tpu.vector_store %arg5[%swap3A, %swap3A_60], %mul3A_59 {strides = array<i32>} : memref<1x10000xf32, #tpu.memory_space<vmem>>, vector<1x10000xf32>,
    return
  }
}

module attributes {stable_mosaic.version = 14 : i64} {
  func.func @_tc3_body(%arg0: memref<32x10000xf32, #tpu.memory_space<vmem>>, %arg1: memref<1x10000xf32, #tpu.memory_space<vmem>>, %arg2: memref<1x10000xf32, #tpu.memory_space<vmem>>, %arg3: memref<1x1xf32, #tpu.memory_space<vmem>>, %arg4: memref<1x10000xf32, #tpu.memory_space<vmem>>) attributes {dimension_semantics = [], scalar_prefetch = 0 : i64, scratch_operands = 0 : i64, tpu.core_type = #tpu.core_type<tc>} {
    %get3A = arith.constant 0 : index
    %get3A_0 = arith.constant 0 : index
    %get3A_1 = vector.load %arg0[%get3A, %get3A_0] : memref<32x10000xf32, #tpu.memory_space<vmem>>, vector<32x10000xf32>
    %reduce_sum3A = arith.constant dense<0.000000e+00> : vector<10000xf32>
    %reduce_sum3A_2 = vector.multi_reduction <add>, %get3A_1, %reduce_sum3A [0] : vector<32x10000xf32> to vector<10000xf32>
    %get3A_3 = arith.constant 0 : index
    %get3A_4 = arith.constant 0 : index
    %get3A_5 = vector.load %arg2[%get3A_3, %get3A_4] : memref<1x10000xf32, #tpu.memory_space<vmem>>, vector<1x10000xf32>
    %broadcast_in_dim3A = vector.shape_cast %reduce_sum3A_2 : vector<10000xf32> to vector<1x10000xf32>
    %get3A_6 = arith.constant 0 : index
    %get3A_7 = arith.constant 0 : index
    %get3A_8 = vector.load %arg1[%get3A_6, %get3A_7] : memref<1x10000xf32, #tpu.memory_space<vmem>>, vector<1x10000xf32>
    %add3A = arith.addf %broadcast_in_dim3A, %get3A_8 : vector<1x10000xf32>
    %mul3A = arith.mulf %get3A_5, %add3A : vector<1x10000xf32>
    %get3A_9 = arith.constant 0 : index
    %get3A_10 = arith.constant 0 : index
    %get3A_11 = vector.load %arg3[%get3A_9, %get3A_10] : memref<1x1xf32, #tpu.memory_space<vmem>>, vector<1x1xf32>
    %add3A_12 = vector.broadcast %get3A_11 : vector<1x1xf32> to vector<1x10000xf32>
    %add3A_13 = arith.addf %mul3A, %add3A_12 : vector<1x10000xf32>
    %swap3A = arith.constant 0 : index
    %swap3A_14 = arith.constant 0 : index
    %swap3A_15 = vector.load %arg4[%swap3A, %swap3A_14] : memref<1x10000xf32, #tpu.memory_space<vmem>>, vector<1x10000xf32>
    tpu.vector_store %arg4[%swap3A, %swap3A_14], %add3A_13 {strides = array<i32>} : memref<1x10000xf32, #tpu.memory_space<vmem>>, vector<1x10000xf32>,
    return
  }
}

</mosaic_0001>

<sc_bundles>
// kernel: kernel.11.cloned.1.call-start
scs
__scs_entry_jumppad:
0x0: {  	(pc) =	sbr.rel $0x88, $3  }
0x1: {  	(tag) =	ssettag $0x0;
	lr =	simm.s32 $0x1  }
0x2: {  	[smem:$0x3F9A] =	sst lr;
	_ =	strace $0xD0000000  }
0x3: {  	_ = 	snop  }
0x4: {  	_ = 	snop  }
0x5: {  	_ = 	snop  }
0x6: {  	_ = 	snop  }
0x7: {  	_ = 	snop  }
__scs_overlays_trampoline_lowered:
0x8: {  	[smem:$0x3FA9] =	sst s0  }
0x9: {  	[smem:$0x3FAA] =	sst s1  }
0xa: {  	[smem:$0x3FAB] =	sst s2  }
0xb: {  	[smem:$0x3FAC] =	sst s3  }
0xc: {  	[smem:$0x3FAD] =	sst s4  }
0xd: {  	[smem:$0x3FAE] =	sst s5  }
0xe: {  	[smem:$0x3FAF] =	sst s6  }
0xf: {  	[smem:$0x3FB0] =	sst s7  }
0x10: {  	[smem:$0x3FB1] =	sst s8  }
0x11: {  	[smem:$0x3FB2] =	sst s9;
	s0 =	simm.s32 @!p0 $0x0  }
0x12: {  	s1 =	sld [smem:$0x3F98];
	s0 =	simm.s32 @p0 $0x1  }
0x13: {  	[smem:$0x3FB3] =	sst s0;
	s0 =	simm.s32 @!p1 $0x0  }
0x14: {  	s2 =	sld [smem:$0x3F97];
	s0 =	simm.s32 @p1 $0x1  }
0x15: {  	[smem:$0x3FB4] =	sst s0;
	s0 =	simm.s32 @!p2 $0x0  }
0x16: {  	s3 =	sld [smem:$0x3FDB];
	s0 =	simm.s32 @p2 $0x1  }
0x17: {  	s4 =	simm.s32 $0x1BF5;
	[smem:$0x3FB6] =	sst s0  }
0x18: {  	s0 =	sld [smem:$0x3F99];
	_ =	swait.ge [sflag:s4], $0x0  }
0x19: {  	s7 =	sld [smem:$0x3F9A]  }
0x1a: {  	s8 =	sadd.s32 $0xFFFFE003, lr  }
0x1b: {  	s9 =	sadd.s32 $0xFFFFFEF7, lr;
	s5 =	simm.s32 $0xFFFFFFFF;
	p2 =	slt.u32 s8, $0xFFFFF086  }
0x1c: {  	p1 =	slt.u32 s9, $0xF7A;
	s5 =	simm.s32 @!p2 $0x0  }
0x1d: {  	s5 =	simm.s32 @p1 $0x1;
	p0 =	seq.s32 s7, s2  }
0x1e: {  	s7 =	smul.u32 @!p0 $0xF7A, s2;
	p2 =	seq.s32 @!p0 s5, $0x0  }
0x1f: {  	s9 =	smul.u32 $0xF7A, s1;
	s8 =	simm.s32 @!p0 $0x1BF5;
	p2 =	por !p2, p0  }
0x20: {  	[sflag:s8] =	ssyncset.s32 @!p0 $0xFFFFF086;
	s6 =	sadd.s32 @!p0 s3, s7;
	s7 =	simm.s32 @!p0 $0x108  }
0x21: {  	s3 =	sadd.s32 s3, s9;
	s6 =	sadd.s32 @!p0 $0x88, s6;
	s7 =	simm.s32 @p2 $0x1082  }
0x22: {  	[simem:s7], [sflag:s8] =	dma.local @!p0 [hbm:s6], $0xF7A  }
0x23: {  	s9 =	sor.u32 $0xD0000000, s2;
	s6 =	simm.s32 $0x108;
	_ =	swait.ge @!p0 [sflag:s8], $0x0  }
0x24: {  	s3 =	sadd.s32 $0x88, s3;
	s6 =	simm.s32 @!p1 $0x1082;
	[sflag:s4] =	ssyncset.s32 $0xFFFFF086  }
0x25: {  	[simem:s6], [sflag:s4] =	dma.local [hbm:s3], $0xF7A  }
0x26: {  	[smem:$0x3F9A] =	sst s1;
	(tag) =	ssettag s2;
	_ =	strace s9  }
0x27: {  	s1 =	sld [smem:$0x3FAA]  }
0x28: {  	s2 =	sld [smem:$0x3FAB]  }
0x29: {  	s4 =	sld [smem:$0x3FAD]  }
0x2a: {  	p0 =	seq.s32 s5, $0x0;
	s5 =	sld [smem:$0x3FAE]  }
0x2b: {  	s6 =	sld [smem:$0x3FAF]  }
0x2c: {  	s7 =	sld [smem:$0x3FB0]  }
0x2d: {  	s3 =	simm.s32 $0x108;
	s8 =	sld [smem:$0x3FB1]  }
0x2e: {  	s3 =	simm.s32 @!p0 $0x1082;
	s9 =	sld [smem:$0x3FB2]  }
0x2f: {  	lr =	sadd.s32 s0, s3;
	s0 =	sld [smem:$0x3FA9]  }
0x30: {  	s3 =	sld [smem:$0x3FAC]  }
0x31: {  	[smem:$0x3FB5] =	sst s10  }
0x32: {  	s10 =	sld [smem:$0x3FB3];
	_ =	sdelay $0x3  }
0x33: {  	p0 =	seq.s32 s10, $0x1;
	s10 =	sld [smem:$0x3FB5];
	_ =	sdelay $0x3  }
0x34: {  	[smem:$0x3FB5] =	sst s10  }
0x35: {  	s10 =	sld [smem:$0x3FB4];
	_ =	sdelay $0x3  }
0x36: {  	p1 =	seq.s32 s10, $0x1;
	s10 =	sld [smem:$0x3FB5];
	_ =	sdelay $0x3  }
0x37: {  	[smem:$0x3FB5] =	sst s10  }
0x38: {  	s10 =	sld [smem:$0x3FB6]  }
0x39: {  	_ = 	snop;
	(pc) =	sbr.ind lr, $3  }
0x3a: {  	_ = 	snop  }
0x3b: {  	_ = 	snop  }
0x3c: {  	p2 =	seq.s32 s10, $0x1;
	s10 =	sld [smem:$0x3FB5]  }
0x3d: {  	_ =	shalt  }
0x3e: {  	_ =	shalt  }
0x3f: {  	_ =	shalt  }
0x40: {  	_ =	shalt  }
0x41: {  	_ =	shalt  }
0x42: {  	_ =	shalt  }
0x43: {  	_ =	shalt  }
0x44: {  	_ =	shalt  }
0x45: {  	_ =	shalt  }
0x46: {  	_ =	shalt  }
0x47: {  	_ =	shalt  }
0x48: {  	_ =	shalt  }
0x49: {  	_ =	shalt  }
0x4a: {  	_ =	shalt  }
0x4b: {  	_ =	shalt  }
0x4c: {  	_ =	shalt  }
0x4d: {  	_ =	shalt  }
0x4e: {  	_ =	shalt  }
0x4f: {  	_ =	shalt  }
0x50: {  	_ =	shalt  }
0x51: {  	_ =	shalt  }
0x52: {  	_ =	shalt  }
0x53: {  	_ =	shalt  }
0x54: {  	_ =	shalt  }
0x55: {  	_ =	shalt  }
0x56: {  	_ =	shalt  }
0x57: {  	_ =	shalt  }
0x58: {  	_ =	shalt  }
0x59: {  	_ =	shalt  }
0x5a: {  	_ =	shalt  }
0x5b: {  	_ =	shalt  }
0x5c: {  	_ =	shalt  }
0x5d: {  	_ =	shalt  }
0x5e: {  	_ =	shalt  }
0x5f: {  	_ =	shalt  }
0x60: {  	_ =	shalt  }
0x61: {  	_ =	shalt  }
0x62: {  	_ =	shalt  }
0x63: {  	_ =	shalt  }
0x64: {  	_ =	shalt  }
0x65: {  	_ =	shalt  }
0x66: {  	_ =	shalt  }
0x67: {  	_ =	shalt  }
0x68: {  	_ =	shalt  }
0x69: {  	_ =	shalt  }
0x6a: {  	_ =	shalt  }
0x6b: {  	_ =	shalt  }
0x6c: {  	_ =	shalt  }
0x6d: {  	_ =	shalt  }
0x6e: {  	_ =	shalt  }
0x6f: {  	_ =	shalt  }
0x70: {  	_ =	shalt  }
0x71: {  	_ =	shalt  }
0x72: {  	_ =	shalt  }
0x73: {  	_ =	shalt  }
0x74: {  	_ =	shalt  }
0x75: {  	_ =	shalt  }
0x76: {  	_ =	shalt  }
0x77: {  	_ =	shalt  }
0x78: {  	_ =	shalt  }
0x79: {  	_ =	shalt  }
0x7a: {  	_ =	shalt  }
0x7b: {  	_ =	shalt  }
0x7c: {  	_ =	shalt  }
0x7d: {  	_ =	shalt  }
0x7e: {  	_ =	shalt  }
0x7f: {  	_ =	shalt  }
0x80: {  	_ =	shalt  }
0x81: {  	_ =	shalt  }
0x82: {  	_ =	shalt  }
0x83: {  	_ =	shalt  }
0x84: {  	_ =	shalt  }
0x85: {  	_ =	shalt  }
0x86: {  	_ =	shalt  }
0x87: {  	_ =	shalt  }
.Lfunc_end0:
.L_simem_size_0:
called_computation.1_lowered:
.L_overlay_start_0:
0x88: {  	s2 =	sld [smem:$0x3FD9]  }
0x89: {  	s3 =	sld [smem:$0x3FFE];
	_ =	sdelay $0x1  }
0x8a: {  	s1 =	srdreg.scid  }
0x8b: {  	s0 =	sand.u32 $0x1, s1  }
0x8c: {  	s17 =	sshll.u32 s0, $0xA;
	s2 =	sadd.s32 s3, s2  }
0x8d: {  	s2 =	sadd.s32 s2, s17  }
0x8e: {  	[smem:$0x3FC1] =	sst s2  }
0x8f: {  	_ = 	snop  }
0x90: {  	s2 =	sld [smem:$0x3FC7];
	(tm) =	ssettm $0x1  }
0x91: {  	s18 =	sld [smem:$0x3FFB];
	_ =	sdelay $0x3  }
0x92: {  	_ =	strace s18  }
0x93: {  	s3 =	sld [smem:$0x3FFC];
	_ =	sdelay $0x3  }
0x94: {  	_ =	strace s3  }
0x95: {  	s3 =	sld [smem:$0x3FFD];
	_ =	sdelay $0x3  }
0x96: {  	_ =	strace s3  }
0x97: {  	_ =	strace $0x8FFFFFFF  }
0x98: {  	s19 =	sld [smem:$0x3FDB];
	_ =	sdelay $0x1  }
0x99: {  	s4 =	simm.s32 $_scs_section_size  }
0x9a: {  	s5 =	simm.s32 $_size__tile_overlayer_lowered;
	s6 =	simm.s32 $_tile_overlayer_lowered  }
0x9b: {  	s22 =	simm.s32 $0x1BFF;
	s21 =	sshll.u32 s6, $0x1;
	s3 =	sadd.s32 s4, s19  }
0x9c: {  	s7 =	simm.s32 $0x0;
	s20 =	sshll.u32 s5, $0x1;
	s5 =	sadd.s32 s21, s3  }
0x9d: {  	[timem:s7], [sflag:s22] =	dma.local [hbm:s5], s20  }
0x9e: {  	_ =	swait.ge [sflag:s22], s20  }
0x9f: {  	s4 =	ssub.s32 $0x0, s20;
	[sflag:s22] =	ssyncset.done $0x0  }
0xa0: {  	[sflag:s22] =	ssyncadd.s32 s4;
	_ =	sdelay $0x1  }
0xa1: {  	s23 =	simm.s32 $0x1B8B  }
0xa2: {  	_ =	swait.ge [sflag:s23], $0x1  }
0xa3: {  	[sflag:s23] =	ssyncset.done $0x0  }
0xa4: {  	s25 =	simm.s32 $0x1B8E;
	s24 =	sld [smem:$0x3FFE];
	[sflag:s23] =	ssyncadd.s32 $0xFFFFFFFF  }
0xa5: {  	s26 =	simm.s32 $execute0_lowered;
	[smem:$0x3FD2] =	sst s25  }
0xa6: {  	s5 =	sshll.u32 s26, $0x1;
	_ =	strace $0x80000049;
	[dreg:$0x1] =	wrdreg $0xFFFFFFFF  }
0xa7: {  	s28 =	simm.s32 $_size_execute0_lowered;
	s3 =	sadd.s32 s3, s5;
	[dreg:$0x0] =	wrdreg $0x0  }
0xa8: {  	s5 =	sshll.u32 s28, $0x1;
	[dreg:$0x2] =	wrdreg s3  }
0xa9: {  	[dreg:$0x3] =	wrdreg s5  }
0xaa: {  	[dreg:$0x4] =	wrdreg $0xC0  }
0xab: {  	_ =	task [dreg:s7], $0x5FFFF  }
0xac: {  	[dreg:$0x1] =	wrdreg $0xFFFFFFFF  }
0xad: {  	[dreg:$0x0] =	wrdreg $0x60  }
0xae: {  	[dreg:$0x2] =	wrdreg s24  }
0xaf: {  	[dreg:$0x3] =	wrdreg s2  }
0xb0: {  	[dreg:$0x4] =	wrdreg $0x9  }
0xb1: {  	_ =	task.clear_ibuf [dreg:s7], $0x5FFFF;
	_ =	strace $0x90000049  }
0xb2: {  	s29 =	simm.s32 $0x9;
	_ =	strace $0x8000004B  }
0xb3: {  	_ =	swait.ge [sflag:s29], $0x1  }
0xb4: {  	[sflag:s29] =	ssyncadd.s32 $0xFFFFFFFF  }
0xb5: {  	_ =	strace $0x9000004B  }
0xb6: {  	_ =	sfence  }
0xb7: {  	s30 =	sld [smem:$0x0];
	_ =	sdelay $0x2  }
0xb8: {  	s31 =	sshll.u32 s1, $0xD;
	s1 =	sshrl.u32 s1, $0x2  }
0xb9: {  	s3 =	sand.u32 $0x4000, s31;
	s1 =	sadd.s32 s1, s30  }
0xba: {  	s0 =	sor.u32 s3, s0;
	s1 =	sshll.u32 s1, $0x11  }
0xbb: {  	s0 =	sor.u32 s1, s0  }
0xbc: {  	s0 =	sadd.s32 $0x8F2B, s0  }
0xbd: {  	[sflag:s0] =	ssyncadd.remote.s32 $0x1  }
0xbe: {  	_ =	sfence.sel $0xFFFF  }
0xbf: {  	[dreg:$0x0] =	wrdreg $0xFFFFFFFF;
	(pc) =	sbr.abs _section_cstart, $3  }
0xc0: {  	[dreg:$0x1] =	wrdreg $0xFFFFFFFF  }
0xc1: {  	_ =	task.clear_ibuf [dreg:s7], $0x2FFFF;
	_ =	strace $0x9FFFFFFF  }
0xc2: {  	(tm) =	ssettm $0x7FFFFFFF  }
0xc3: {  	_ =	shalt  }
tec
execute0_lowered:
.L_overlay_start_1:
0x0: {  	(tag) =	ssettag $0x1  }
0x1: {  	s5 =	rddreg [dreg:$0x0]  }
0x2: {  	s1 =	rddreg [dreg:$0x1]  }
0x3: {  	s0 =	rddreg [dreg:$0x2];
	s2 =	simm.s32 $0x0;
	s7 =	srdreg.scid  }
0x4: {  	s3 =	stileid.u32;
	s15 =	simm.s32 $0x400;
	s16 =	simm.s32 $0x3  }
0x5: {  	s17 =	simm.s32 $0x2780;
	s18 =	simm.s32 $0x11F00;
	s19 =	simm.s32 $0x13800  }
0x6: {  	s20 =	simm.s32 $0x1;
	s21 =	simm.s32 $0x4F00;
	s22 =	simm.s32 $0x7680  }
0x7: {  	s23 =	simm.s32 $0x9E00;
	s24 =	simm.s32 $0xC580;
	s25 =	simm.s32 $0x2  }
0x8: {  	s26 =	simm.s32 $0x0;
	[smem:$0x7FF] =	sst s2;
	s6 =	sadd.s32 $0xB200, s5  }
0x9: {  	s4 =	sadd.s32 $0x1400, s5;
	s7 =	sand.u32 $0x1, s7;
	s9 =	sshll.u32 s3, $0x9  }
0xa: {  	s10 =	sshrl.u32 s3, $0x1;
	s11 =	sadd.s32 $0x1EE00, s5;
	s8 =	ssub.s32 $0x2, s7  }
0xb: {  	s7 =	sshll.u32 s7, $0x8;
	s10 =	smul.u32 $0x13C00, s10;
	s9 =	sand.u32 $0x200, s9  }
0xc: {  	_ =	strace $0x8000004A;
	s28 =	sshrl.u32 s8, $0x1;
	s7 =	sor.u32 s7, s9  }
0xd: {  	s12 =	ssub.s32 s8, s28;
	s29 =	sor.u32 s10, s7;
	s30 =	sor.u32 $0x80, s7  }
0xe: {  	s31 =	sshrl.u32 s29, $0x3;
	s13 =	sor.u32 s10, s30;
	s10 =	sadd.s32 $0x9E000, s10  }
0xf: {  	s5 =	sadd.s32 s6, s31;
	s13 =	sshrl.u32 s13, $0x3;
	s7 =	sor.u32 s7, s10  }
0x10: {  	s10 =	sor.u32 s10, s30;
	s6 =	sadd.s32 s6, s13;
	s14 =	sshrl.u32 s7, $0x3  }
0x11: {  	s7 =	sadd.s32 s11, s31;
	s10 =	sshrl.u32 s10, $0x3;
	s9 =	sadd.s32 s11, s13  }
0x12: {  	s13 =	simm.s32 $0x10600;
	s8 =	sadd.s32 s11, s14;
	s10 =	sadd.s32 s11, s10  }
0x13: {  	v0 =	vimm.f32 $0.0e+00;
	s11 =	smax.u32 s12, $0x1;
	s12 =	simm.s32 $0xED00;
	s14 =	simm.s32 $0x80  }
.LBB2_1:
0x14: {  	[tilespmem:s12], [sflag:$0x1] =	stream.linear.gather [hbm4b:s4+s2], $0x1900, $0x38;
	[tilespmem:$0x15100] =	vst v63  }
0x15: {  	_ = 	snop  }
0x16: {  	[tilespmem:s13], [sflag:$0x1] =	stream.linear.gather [hbm4b:s1+s2], $0x1900, $0x38;
	[tilespmem:$0x15100] =	vst v63  }
0x17: {  	_ = 	snop  }
0x18: {  	[tilespmem:s2], [sflag:$0x3] =	stream.strided.gather [hbm4b:s5+s14], $0x2780, s15, s14, $0x38;
	[tilespmem:$0x15100] =	vst v63  }
0x19: {  	_ =	swait.ge [sflag:s16], $0x2780  }
0x1a: {  	[sflag:s16] =	ssyncset.done $0x0  }
0x1b: {  	[sflag:s16] =	ssyncadd.s32 $0xFFFFD880  }
0x1c: {  	[tilespmem:s17], [sflag:$0x3] =	stream.strided.gather [hbm4b:s6+s14], $0x2780, s15, s14, $0x38;
	[tilespmem:$0x15100] =	vst v63  }
0x1d: {  	_ =	swait.ge [sflag:s16], $0x2780  }
0x1e: {  	[sflag:s16] =	ssyncset.done $0x0  }
0x1f: {  	s28 =	simm.s32 $0x0;
	[sflag:s16] =	ssyncadd.s32 $0xFFFFD880  }
.LBB2_2:
0x20: {  	p0 =	sne.s32 s28, $0x9C00  }
.Ltmp0:
0x21: {  	s29 =	sshra.s32 s28, $0x2;
	(pc) =	sbr.rel @p0 .LBB2_2-.Ltmp0, $4  }
0x22: {  	[tilespmem:s29+$0x4F00] =	vst v0  }
0x23: {  	[tilespmem:s29+$0x7680] =	vst v0  }
0x24: {  	[tilespmem:s29+$0x9E00] =	vst v0  }
0x25: {  	s28 =	sadd.s32 $0x40, s28;
	[tilespmem:s29+$0xC580] =	vst v0  }
0x26: {  	s28 =	simm.s32 $0x0  }
.LBB2_4:
0x27: {  	s29 =	smul.u32 $0x3200, s28;
	_ =	sdelay $0x1  }
0x28: {  	s29 =	sshrl.u32 s29, $0x3  }
0x29: {  	s29 =	sadd.s32 $0x320, s29  }
0x2a: {  	s30 =	sadd.s32 s4, s29  }
0x2b: {  	[tilespmem:s18], [sflag:$0x2] =	stream.linear.gather [hbm4b:s30+s2], $0x1900, $0x38;
	[tilespmem:$0x15100] =	vst v63  }
0x2c: {  	s29 =	sadd.s32 s1, s29  }
0x2d: {  	[tilespmem:s19], [sflag:$0x2] =	stream.linear.gather [hbm4b:s29+s2], $0x1900, $0x38;
	[tilespmem:$0x15100] =	vst v63  }
0x2e: {  	_ =	swait.ge [sflag:s20], $0x1900  }
0x2f: {  	[sflag:s20] =	ssyncset.done $0x0  }
0x30: {  	[sflag:s20] =	ssyncadd.s32 $0xFFFFE700  }
0x31: {  	_ =	swait.ge [sflag:s20], $0x1900  }
0x32: {  	[sflag:s20] =	ssyncset.done $0x0  }
0x33: {  	s30 =	simm.s32 $0xED80;
	[sflag:s20] =	ssyncadd.s32 $0xFFFFE700  }
0x34: {  	v1 =	vld [tilespmem:s30+$0x70]  }
0x35: {  	v4 =	vld [tilespmem:s30+$0xFFFFFF90]  }
0x36: {  	v6 =	vld [tilespmem:s30+$0xFFFFFFA0]  }
0x37: {  	v7 =	vld [tilespmem:s30+$0xFFFFFFB0]  }
0x38: {  	v8 =	vld [tilespmem:s30+$0xFFFFFFC0]  }
0x39: {  	s29 =	simm.s32 $0x10680;
	v9 =	vld [tilespmem:s30+$0xFFFFFFD0]  }
0x3a: {  	v10 =	vld [tilespmem:s29+$0x70]  }
0x3b: {  	v12 =	vld [tilespmem:s30+$0xFFFFFFE0]  }
0x3c: {  	v13 =	vld [tilespmem:s30+$0xFFFFFFF0]  }
0x3d: {  	v15 =	vld [tilespmem:s30+$0x0]  }
0x3e: {  	v16 =	vld [tilespmem:s30+$0xFFFFFF80]  }
0x3f: {  	v18 =	vld [tilespmem:s30+$0x10]  }
0x40: {  	v28 =	vld [tilespmem:s29+$0xFFFFFF80]  }
0x41: {  	v54 =	vld [tilespmem:s29+$0xFFFFFF90]  }
0x42: {  	v57 =	vld [tilespmem:s29+$0xFFFFFFA0]  }
0x43: {  	v30 =	vld [tilespmem:s29+$0xFFFFFFB0]  }
0x44: {  	v33 =	vld [tilespmem:s29+$0xFFFFFFD0];
	v5 =	vand.u32 $0xFFFF, v1  }
0x45: {  	v34 =	vld [tilespmem:s29+$0xFFFFFFE0];
	v11 =	vand.u32 $0xFFFF, v4  }
0x46: {  	v43 =	vld [tilespmem:s29+$0xFFFFFFF0];
	v17 =	vand.u32 $0xFFFF, v6  }
0x47: {  	v46 =	vld [tilespmem:s29+$0x0];
	v53 =	vand.u32 $0xFFFF, v16  }
0x48: {  	v49 =	vld [tilespmem:s29+$0x10];
	v19 =	vand.u32 $0xFFFF, v7  }
0x49: {  	v3 =	vand.u32 $0xFFFF, v8;
	v2 =	vld.idx.msk [tilespmem:v5+s2+$0x0], $0xffff  }
0x4a: {  	v32 =	vand.u32 $0xFFFF, v15;
	v20 =	vld.idx.msk [tilespmem:v11+s2+$0x0], $0xffff  }
0x4b: {  	v35 =	vand.u32 $0xFFFF, v18;
	v22 =	vld.idx.msk [tilespmem:v17+s2+$0x0], $0xffff  }
0x4c: {  	v26 =	vld.idx.msk [tilespmem:v53+s2+$0x0], $0xffff  }
0x4d: {  	v14 =	vshrl.u32 v1, $0x10;
	v23 =	vld.idx.msk [tilespmem:v19+s2+$0x0], $0xffff  }
0x4e: {  	v24 =	vld.idx.msk [tilespmem:v3+s2+$0x0], $0xffff  }
0x4f: {  	v38 =	vld.idx.msk [tilespmem:v32+s2+$0x0], $0xffff;
	v52 =	vshll.u32 v2, $0x10  }
0x50: {  	v6 =	vshrl.u32 v6, $0x10;
	v40 =	vld.idx.msk [tilespmem:v35+s2+$0x0], $0xffff;
	v2 =	vand.u32 $0xFFFF0000, v2;
	v1 =	vmul.f32 v52, v10  }
0x51: {  	v55 =	vshll.u32 v26, $0x10;
	v56 =	vand.u32 $0xFFFF0000, v26;
	v26 =	vld [tilespmem:s30+$0x60];
	v21 =	vmul.f32 v2, v10  }
0x52: {  	v7 =	vshrl.u32 v7, $0x10;
	v58 =	vshll.u32 v20, $0x10;
	v60 =	vshll.u32 v22, $0x10;
	[tilespmem:v14+s21+$0x0] =	vst.idx.add.f32.msk $0xffff, v1  }
0x53: {  	v59 =	vand.u32 $0xFFFF0000, v20;
	v2 =	vand.u32 $0xFFFF, v9;
	v20 =	vmul.f32 v60, v57;
	[tilespmem:v14+s22+$0x0] =	vst.idx.add.f32.msk $0xffff, v21  }
0x54: {  	v62 =	vshll.u32 v23, $0x10;
	v5 =	vld.idx.msk [tilespmem:v5+s17+$0x0], $0xffff  }
0x55: {  	v23 =	vand.u32 $0xFFFF0000, v23;
	[tilespmem:v6+s21+$0x0] =	vst.idx.add.f32.msk $0xffff, v20;
	v20 =	vmul.f32 v62, v30  }
0x56: {  	v50 =	vshll.u32 v38, $0x10;
	v52 =	vand.u32 $0xFFFF0000, v38;
	v38 =	vld [tilespmem:s29+$0x20];
	v1 =	vand.u32 $0xFFFF, v12  }
0x57: {  	v23 =	vmul.f32 v23, v30;
	[tilespmem:v7+s21+$0x0] =	vst.idx.add.f32.msk $0xffff, v20  }
0x58: {  	v25 =	vld.idx.msk [tilespmem:v2+s2+$0x0], $0xffff  }
0x59: {  	[tilespmem:v7+s22+$0x0] =	vst.idx.add.f32.msk $0xffff, v23;
	v27 =	vshll.u32 v5, $0x10  }
0x5a: {  	v4 =	vshrl.u32 v4, $0x10;
	v19 =	vld.idx.msk [tilespmem:v19+s17+$0x0], $0xffff;
	v27 =	vmul.f32 v27, v10  }
0x5b: {  	v29 =	vld.idx.msk [tilespmem:v1+s2+$0x0], $0xffff;
	v5 =	vand.u32 $0xFFFF0000, v5  }
0x5c: {  	v16 =	vshrl.u32 v16, $0x10;
	v5 =	vmul.f32 v5, v10;
	[tilespmem:v14+s23+$0x0] =	vst.idx.add.f32.msk $0xffff, v27  }
0x5d: {  	v27 =	vmul.f32 v58, v54;
	v58 =	vld [tilespmem:s30+$0x20]  }
0x5e: {  	[tilespmem:v14+s24+$0x0] =	vst.idx.add.f32.msk $0xffff, v5  }
0x5f: {  	v5 =	vmul.f32 v55, v28;
	[tilespmem:v4+s21+$0x0] =	vst.idx.add.f32.msk $0xffff, v27  }
0x60: {  	v27 =	vld [tilespmem:s29+$0xFFFFFFC0]  }
0x61: {  	v14 =	vmul.f32 v56, v28;
	[tilespmem:v16+s21+$0x0] =	vst.idx.add.f32.msk $0xffff, v5  }
0x62: {  	v5 =	vmul.f32 v59, v54;
	v59 =	vld [tilespmem:s30+$0x30]  }
0x63: {  	[tilespmem:v16+s22+$0x0] =	vst.idx.add.f32.msk $0xffff, v14  }
0x64: {  	[tilespmem:v4+s22+$0x0] =	vst.idx.add.f32.msk $0xffff, v5  }
0x65: {  	v61 =	vand.u32 $0xFFFF0000, v22;
	v14 =	vand.u32 $0xFFFF, v13;
	v21 =	vld.idx.msk [tilespmem:v53+s17+$0x0], $0xffff  }
0x66: {  	v8 =	vshrl.u32 v8, $0x10;
	v5 =	vmul.f32 v61, v57;
	v61 =	vld [tilespmem:s30+$0x40]  }
0x67: {  	v11 =	vld.idx.msk [tilespmem:v11+s17+$0x0], $0xffff  }
0x68: {  	v0 =	vshll.u32 v24, $0x10;
	[tilespmem:v6+s22+$0x0] =	vst.idx.add.f32.msk $0xffff, v5  }
0x69: {  	v24 =	vand.u32 $0xFFFF0000, v24;
	v5 =	vmul.f32 v0, v27;
	v17 =	vld.idx.msk [tilespmem:v17+s17+$0x0], $0xffff  }
0x6a: {  	v37 =	vmul.f32 v24, v27;
	v63 =	vld.idx.msk [tilespmem:v14+s2+$0x0], $0xffff  }
0x6b: {  	[tilespmem:v8+s21+$0x0] =	vst.idx.add.f32.msk $0xffff, v5;
	v31 =	vshll.u32 v21, $0x10  }
0x6c: {  	v21 =	vand.u32 $0xFFFF0000, v21;
	[tilespmem:v8+s22+$0x0] =	vst.idx.add.f32.msk $0xffff, v37;
	v5 =	vmul.f32 v31, v28  }
0x6d: {  	v21 =	vmul.f32 v21, v28;
	v41 =	vshll.u32 v11, $0x10;
	v3 =	vld.idx.msk [tilespmem:v3+s17+$0x0], $0xffff  }
0x6e: {  	v42 =	vmul.f32 v41, v54;
	[tilespmem:v16+s23+$0x0] =	vst.idx.add.f32.msk $0xffff, v5  }
0x6f: {  	[tilespmem:v16+s24+$0x0] =	vst.idx.add.f32.msk $0xffff, v21  }
0x70: {  	v9 =	vshrl.u32 v9, $0x10;
	v12 =	vshrl.u32 v12, $0x10;
	v11 =	vand.u32 $0xFFFF0000, v11;
	[tilespmem:v4+s23+$0x0] =	vst.idx.add.f32.msk $0xffff, v42  }
0x71: {  	v10 =	vmul.f32 v11, v54;
	v48 =	vshll.u32 v63, $0x10;
	v22 =	vand.u32 $0xFFFF0000, v63;
	v63 =	vld [tilespmem:s30+$0x50]  }
0x72: {  	v36 =	vshll.u32 v25, $0x10;
	v42 =	vld [tilespmem:s29+$0x30]  }
0x73: {  	v39 =	vshll.u32 v29, $0x10;
	v16 =	vmul.f32 v36, v33;
	[tilespmem:v4+s24+$0x0] =	vst.idx.add.f32.msk $0xffff, v10  }
0x74: {  	v54 =	vshll.u32 v17, $0x10;
	v21 =	vmul.f32 v39, v34;
	v10 =	vmul.f32 v48, v43;
	v48 =	vld [tilespmem:s29+$0x50]  }
0x75: {  	v44 =	vshrl.u32 v13, $0x10;
	v25 =	vand.u32 $0xFFFF0000, v25;
	v56 =	vmul.f32 v54, v57;
	[tilespmem:v9+s21+$0x0] =	vst.idx.add.f32.msk $0xffff, v16  }
0x76: {  	v25 =	vmul.f32 v25, v33;
	v45 =	vand.u32 $0xFFFF0000, v29;
	[tilespmem:v12+s21+$0x0] =	vst.idx.add.f32.msk $0xffff, v21  }
0x77: {  	v13 =	vmul.f32 v45, v34;
	[tilespmem:v6+s23+$0x0] =	vst.idx.add.f32.msk $0xffff, v56  }
0x78: {  	[tilespmem:v9+s22+$0x0] =	vst.idx.add.f32.msk $0xffff, v25  }
0x79: {  	[tilespmem:v12+s22+$0x0] =	vst.idx.add.f32.msk $0xffff, v13  }
0x7a: {  	v47 =	vshrl.u32 v15, $0x10;
	v22 =	vmul.f32 v22, v43;
	[tilespmem:v44+s21+$0x0] =	vst.idx.add.f32.msk $0xffff, v10  }
0x7b: {  	v13 =	vmul.f32 v50, v46;
	v50 =	vld [tilespmem:s29+$0x60]  }
0x7c: {  	v39 =	vand.u32 $0xFFFF, v26;
	[tilespmem:v44+s22+$0x0] =	vst.idx.add.f32.msk $0xffff, v22  }
0x7d: {  	v2 =	vld.idx.msk [tilespmem:v2+s17+$0x0], $0xffff  }
0x7e: {  	v51 =	vshrl.u32 v18, $0x10;
	v1 =	vld.idx.msk [tilespmem:v1+s17+$0x0], $0xffff  }
0x7f: {  	[tilespmem:v47+s21+$0x0] =	vst.idx.add.f32.msk $0xffff, v13  }
0x80: {  	v18 =	vmul.f32 v52, v46;
	v53 =	vshll.u32 v40, $0x10;
	v14 =	vld.idx.msk [tilespmem:v14+s17+$0x0], $0xffff  }
0x81: {  	v13 =	vmul.f32 v53, v49;
	v45 =	vld.idx.msk [tilespmem:v39+s2+$0x0], $0xffff  }
0x82: {  	v16 =	vand.u32 $0xFFFF0000, v40;
	v22 =	vand.u32 $0xFFFF, v58;
	[tilespmem:v47+s22+$0x0] =	vst.idx.add.f32.msk $0xffff, v18  }
0x83: {  	v55 =	vand.u32 $0xFFFF0000, v17;
	v16 =	vmul.f32 v16, v49;
	[tilespmem:v51+s21+$0x0] =	vst.idx.add.f32.msk $0xffff, v13  }
0x84: {  	v13 =	vmul.f32 v55, v57;
	v31 =	vld.idx.msk [tilespmem:v32+s17+$0x0], $0xffff  }
0x85: {  	[tilespmem:v51+s22+$0x0] =	vst.idx.add.f32.msk $0xffff, v16  }
0x86: {  	v60 =	vand.u32 $0xFFFF0000, v19;
	v57 =	vshll.u32 v19, $0x10;
	v32 =	vand.u32 $0xFFFF, v61;
	[tilespmem:v6+s24+$0x0] =	vst.idx.add.f32.msk $0xffff, v13  }
0x87: {  	v16 =	vmul.f32 v60, v30;
	v6 =	vmul.f32 v57, v30;
	v30 =	vld.idx.msk [tilespmem:v22+s2+$0x0], $0xffff  }
0x88: {  	v5 =	vld.idx.msk [tilespmem:v35+s17+$0x0], $0xffff  }
0x89: {  	v35 =	vand.u32 $0xFFFF, v63;
	[tilespmem:v7+s23+$0x0] =	vst.idx.add.f32.msk $0xffff, v6  }
0x8a: {  	v62 =	vshll.u32 v3, $0x10;
	[tilespmem:v7+s24+$0x0] =	vst.idx.add.f32.msk $0xffff, v16  }
0x8b: {  	v7 =	vmul.f32 v62, v27;
	v36 =	vshll.u32 v31, $0x10;
	v37 =	vld.idx.msk [tilespmem:v32+s2+$0x0], $0xffff;
	v18 =	vand.u32 $0xFFFF0000, v31  }
0x8c: {  	v3 =	vand.u32 $0xFFFF0000, v3;
	v11 =	vmul.f32 v36, v46;
	v18 =	vmul.f32 v18, v46;
	v46 =	vld [tilespmem:s29+$0x40]  }
0x8d: {  	v3 =	vmul.f32 v3, v27;
	[tilespmem:v8+s23+$0x0] =	vst.idx.add.f32.msk $0xffff, v7  }
0x8e: {  	v41 =	vld.idx.msk [tilespmem:v35+s2+$0x0], $0xffff  }
0x8f: {  	v24 =	vshll.u32 v2, $0x10;
	v27 =	vand.u32 $0xFFFF, v59;
	[tilespmem:v8+s24+$0x0] =	vst.idx.add.f32.msk $0xffff, v3  }
0x90: {  	v2 =	vand.u32 $0xFFFF0000, v2;
	v3 =	vmul.f32 v24, v33;
	[tilespmem:v47+s23+$0x0] =	vst.idx.add.f32.msk $0xffff, v11  }
0x91: {  	v2 =	vmul.f32 v2, v33;
	[tilespmem:v47+s24+$0x0] =	vst.idx.add.f32.msk $0xffff, v18  }
0x92: {  	v29 =	vshll.u32 v1, $0x10;
	[tilespmem:v9+s23+$0x0] =	vst.idx.add.f32.msk $0xffff, v3  }
0x93: {  	v1 =	vand.u32 $0xFFFF0000, v1;
	[tilespmem:v9+s24+$0x0] =	vst.idx.add.f32.msk $0xffff, v2;
	v2 =	vmul.f32 v29, v34  }
0x94: {  	v1 =	vmul.f32 v1, v34;
	v40 =	vshll.u32 v5, $0x10;
	v34 =	vld.idx.msk [tilespmem:v27+s2+$0x0], $0xffff  }
0x95: {  	v33 =	vshll.u32 v14, $0x10;
	v4 =	vmul.f32 v40, v49;
	[tilespmem:v12+s23+$0x0] =	vst.idx.add.f32.msk $0xffff, v2  }
0x96: {  	v13 =	vshrl.u32 v58, $0x10;
	v14 =	vand.u32 $0xFFFF0000, v14;
	[tilespmem:v12+s24+$0x0] =	vst.idx.add.f32.msk $0xffff, v1;
	v1 =	vmul.f32 v33, v43  }
0x97: {  	v5 =	vand.u32 $0xFFFF0000, v5;
	v14 =	vmul.f32 v14, v43;
	[tilespmem:v51+s23+$0x0] =	vst.idx.add.f32.msk $0xffff, v4  }
0x98: {  	v5 =	vmul.f32 v5, v49;
	v43 =	vshll.u32 v30, $0x10;
	[tilespmem:v44+s23+$0x0] =	vst.idx.add.f32.msk $0xffff, v1  }
0x99: {  	v9 =	vand.u32 $0xFFFF0000, v30;
	v4 =	vmul.f32 v43, v38;
	[tilespmem:v44+s24+$0x0] =	vst.idx.add.f32.msk $0xffff, v14;
	v44 =	vshrl.u32 v59, $0x10  }
0x9a: {  	[tilespmem:v51+s24+$0x0] =	vst.idx.add.f32.msk $0xffff, v5;
	v9 =	vmul.f32 v9, v38  }
0x9b: {  	v17 =	vshrl.u32 v61, $0x10;
	v47 =	vshll.u32 v34, $0x10;
	[tilespmem:v13+s21+$0x0] =	vst.idx.add.f32.msk $0xffff, v4  }
0x9c: {  	v12 =	vand.u32 $0xFFFF0000, v34;
	v4 =	vmul.f32 v47, v42;
	[tilespmem:v13+s22+$0x0] =	vst.idx.add.f32.msk $0xffff, v9  }
0x9d: {  	v49 =	vshll.u32 v37, $0x10;
	v12 =	vmul.f32 v12, v42;
	v7 =	vld.idx.msk [tilespmem:v22+s17+$0x0], $0xffff  }
0x9e: {  	v16 =	vshrl.u32 v63, $0x10;
	[tilespmem:v44+s21+$0x0] =	vst.idx.add.f32.msk $0xffff, v4;
	v4 =	vmul.f32 v49, v46  }
0x9f: {  	v14 =	vand.u32 $0xFFFF0000, v37;
	[tilespmem:v44+s22+$0x0] =	vst.idx.add.f32.msk $0xffff, v12  }
0xa0: {  	v51 =	vshll.u32 v41, $0x10;
	v14 =	vmul.f32 v14, v46;
	[tilespmem:v17+s21+$0x0] =	vst.idx.add.f32.msk $0xffff, v4  }
0xa1: {  	v8 =	vshrl.u32 v26, $0x10;
	v4 =	vmul.f32 v51, v48;
	v3 =	vld.idx.msk [tilespmem:v27+s17+$0x0], $0xffff  }
0xa2: {  	v52 =	vand.u32 $0xFFFF0000, v41;
	[tilespmem:v17+s22+$0x0] =	vst.idx.add.f32.msk $0xffff, v14  }
0xa3: {  	v53 =	vshll.u32 v45, $0x10;
	v14 =	vmul.f32 v52, v48;
	[tilespmem:v16+s21+$0x0] =	vst.idx.add.f32.msk $0xffff, v4  }
0xa4: {  	v4 =	vmul.f32 v53, v50;
	v2 =	vld.idx.msk [tilespmem:v32+s17+$0x0], $0xffff  }
0xa5: {  	v6 =	vand.u32 $0xFFFF0000, v45;
	[tilespmem:v16+s22+$0x0] =	vst.idx.add.f32.msk $0xffff, v14  }
0xa6: {  	v6 =	vmul.f32 v6, v50;
	v54 =	vshll.u32 v7, $0x10;
	[tilespmem:v8+s21+$0x0] =	vst.idx.add.f32.msk $0xffff, v4  }
0xa7: {  	v4 =	vmul.f32 v54, v38;
	v1 =	vld.idx.msk [tilespmem:v35+s17+$0x0], $0xffff  }
0xa8: {  	v55 =	vand.u32 $0xFFFF0000, v7;
	[tilespmem:v8+s22+$0x0] =	vst.idx.add.f32.msk $0xffff, v6  }
0xa9: {  	v6 =	vmul.f32 v55, v38;
	v56 =	vshll.u32 v3, $0x10;
	[tilespmem:v13+s23+$0x0] =	vst.idx.add.f32.msk $0xffff, v4  }
0xaa: {  	v3 =	vand.u32 $0xFFFF0000, v3;
	v57 =	vld.idx.msk [tilespmem:v39+s17+$0x0], $0xffff;
	v4 =	vmul.f32 v56, v42  }
0xab: {  	v3 =	vmul.f32 v3, v42;
	[tilespmem:v13+s24+$0x0] =	vst.idx.add.f32.msk $0xffff, v6;
	v58 =	vshll.u32 v2, $0x10  }
0xac: {  	v2 =	vand.u32 $0xFFFF0000, v2;
	[tilespmem:v44+s23+$0x0] =	vst.idx.add.f32.msk $0xffff, v4;
	v59 =	vmul.f32 v58, v46  }
0xad: {  	v2 =	vmul.f32 v2, v46;
	[tilespmem:v44+s24+$0x0] =	vst.idx.add.f32.msk $0xffff, v3;
	v60 =	vshll.u32 v1, $0x10  }
0xae: {  	v1 =	vand.u32 $0xFFFF0000, v1;
	[tilespmem:v17+s23+$0x0] =	vst.idx.add.f32.msk $0xffff, v59;
	v3 =	vmul.f32 v60, v48  }
0xaf: {  	v1 =	vmul.f32 v1, v48;
	[tilespmem:v17+s24+$0x0] =	vst.idx.add.f32.msk $0xffff, v2;
	v61 =	vshll.u32 v57, $0x10  }
0xb0: {  	v62 =	vand.u32 $0xFFFF0000, v57;
	[tilespmem:v16+s23+$0x0] =	vst.idx.add.f32.msk $0xffff, v3;
	v2 =	vmul.f32 v61, v50  }
0xb1: {  	v63 =	vmul.f32 v62, v50;
	[tilespmem:v16+s24+$0x0] =	vst.idx.add.f32.msk $0xffff, v1  }
0xb2: {  	[tilespmem:v8+s23+$0x0] =	vst.idx.add.f32.msk $0xffff, v2  }
0xb3: {  	s31 =	simm.s32 $0xEE80;
	s30 =	simm.s32 $0x0;
	[tilespmem:v8+s24+$0x0] =	vst.idx.add.f32.msk $0xffff, v63  }
.LBB2_5:
0xb4: {  	v5 =	vld [tilespmem:s31+$0x70]  }
0xb5: {  	v1 =	vld [tilespmem:s31+$0xFFFFFF90]  }
0xb6: {  	v2 =	vld [tilespmem:s31+$0xFFFFFFA0]  }
0xb7: {  	v3 =	vld [tilespmem:s31+$0xFFFFFFB0]  }
0xb8: {  	v4 =	vld [tilespmem:s31+$0xFFFFFFC0]  }
0xb9: {  	v8 =	vld [tilespmem:s31+$0xFFFFFFD0]  }
0xba: {  	v50 =	vld [tilespmem:s31+$0xFFFFFFE0]  }
0xbb: {  	v51 =	vld [tilespmem:s31+$0xFFFFFFF0]  }
0xbc: {  	v52 =	vld [tilespmem:s31+$0x0]  }
0xbd: {  	v9 =	vld [tilespmem:s31+$0x10]  }
0xbe: {  	v10 =	vld [tilespmem:s31+$0x20]  }
0xbf: {  	v11 =	vld [tilespmem:s31+$0x30]  }
0xc0: {  	v26 =	vld [tilespmem:s31+$0x40]  }
0xc1: {  	v27 =	vld [tilespmem:s31+$0x50];
	v18 =	vand.u32 $0xFFFF, v5  }
0xc2: {  	v32 =	vld [tilespmem:s31+$0x60];
	v0 =	vand.u32 $0xFFFF, v1  }
0xc3: {  	s29 =	sadd.s32 $0x100, s29;
	v33 =	vld [tilespmem:s31+$0xFFFFFF80];
	v6 =	vand.u32 $0xFFFF, v2  }
0xc4: {  	v30 =	vld [tilespmem:s29+$0x70];
	v7 =	vand.u32 $0xFFFF, v3  }
0xc5: {  	v45 =	vld [tilespmem:s29+$0xFFFFFF80];
	v15 =	vshrl.u32 v4, $0x10;
	v4 =	vand.u32 $0xFFFF, v4  }
0xc6: {  	v39 =	vand.u32 $0xFFFF, v8;
	v53 =	vld.idx.msk [tilespmem:v18+s2+$0x0], $0xffff  }
0xc7: {  	v41 =	vand.u32 $0xFFFF, v50;
	v35 =	vld.idx.msk [tilespmem:v0+s2+$0x0], $0xffff  }
0xc8: {  	v38 =	vand.u32 $0xFFFF, v33;
	v62 =	vld.idx.msk [tilespmem:v6+s2+$0x0], $0xffff  }
0xc9: {  	v43 =	vand.u32 $0xFFFF, v51;
	v63 =	vld.idx.msk [tilespmem:v7+s2+$0x0], $0xffff  }
0xca: {  	v54 =	vand.u32 $0xFFFF, v52;
	v37 =	vld.idx.msk [tilespmem:v4+s2+$0x0], $0xffff  }
0xcb: {  	v55 =	vand.u32 $0xFFFF, v9;
	[tilespmem:$0x1FF90] =	vst v39;
	v39 =	vld.idx.msk [tilespmem:v39+s2+$0x0], $0xffff  }
0xcc: {  	v56 =	vand.u32 $0xFFFF, v10;
	v40 =	vld.idx.msk [tilespmem:v41+s2+$0x0], $0xffff  }
0xcd: {  	v29 =	vand.u32 $0xFFFF, v11;
	[tilespmem:$0x1FF80] =	vst v4;
	v4 =	vld.idx.msk [tilespmem:v38+s2+$0x0], $0xffff  }
0xce: {  	v17 =	vshrl.u32 v26, $0x10;
	v26 =	vand.u32 $0xFFFF, v26;
	[tilespmem:$0x1FFB0] =	vst v43;
	v43 =	vld.idx.msk [tilespmem:v43+s2+$0x0], $0xffff  }
0xcf: {  	v44 =	vld.idx.msk [tilespmem:v54+s2+$0x0], $0xffff  }
0xd0: {  	v31 =	vshrl.u32 v5, $0x10;
	v5 =	vld.idx.msk [tilespmem:v55+s2+$0x0], $0xffff  }
0xd1: {  	v22 =	vshrl.u32 v10, $0x10;
	v10 =	vld.idx.msk [tilespmem:v56+s2+$0x0], $0xffff  }
0xd2: {  	v16 =	vshrl.u32 v11, $0x10;
	[tilespmem:$0x1FFA0] =	vst v41;
	v11 =	vld.idx.msk [tilespmem:v29+s2+$0x0], $0xffff  }
0xd3: {  	v23 =	vshrl.u32 v50, $0x10;
	v28 =	vshrl.u32 v52, $0x10;
	[tilespmem:$0x1FFE0] =	vst v56;
	v56 =	vld.idx.msk [tilespmem:v26+s2+$0x0], $0xffff  }
0xd4: {  	v19 =	vshrl.u32 v27, $0x10;
	v27 =	vand.u32 $0xFFFF, v27;
	v60 =	vand.u32 $0xFFFF, v32;
	[tilespmem:$0x1FFC0] =	vst v54;
	v41 =	vld [tilespmem:s29+$0xFFFFFFC0]  }
0xd5: {  	[tilespmem:$0x1FFD0] =	vst v55;
	v57 =	vshll.u32 v53, $0x10;
	v54 =	vshll.u32 v44, $0x10;
	v55 =	vand.u32 $0xFFFF0000, v44;
	v44 =	vld [tilespmem:s29+$0xFFFFFF90]  }
0xd6: {  	v58 =	vand.u32 $0xFFFF0000, v53;
	v52 =	vshll.u32 v43, $0x10;
	v53 =	vand.u32 $0xFFFF0000, v43;
	v43 =	vld [tilespmem:s29+$0xFFFFFFA0]  }
0xd7: {  	v25 =	vshrl.u32 v51, $0x10;
	v50 =	vshll.u32 v40, $0x10;
	v51 =	vand.u32 $0xFFFF0000, v40;
	v40 =	vld [tilespmem:s29+$0xFFFFFFD0]  }
0xd8: {  	v48 =	vshll.u32 v39, $0x10;
	v49 =	vand.u32 $0xFFFF0000, v39;
	v39 =	vld [tilespmem:s29+$0xFFFFFFE0]  }
0xd9: {  	v34 =	vmul.f32 v57, v30;
	v57 =	vld.idx.msk [tilespmem:v27+s2+$0x0], $0xffff  }
0xda: {  	v59 =	vmul.f32 v58, v30;
	v58 =	vld.idx.msk [tilespmem:v60+s2+$0x0], $0xffff  }
0xdb: {  	[tilespmem:v31+s21+$0x0] =	vst.idx.add.f32.msk $0xffff, v34  }
0xdc: {  	v14 =	vshrl.u32 v1, $0x10;
	v13 =	vshrl.u32 v2, $0x10;
	v36 =	vshll.u32 v35, $0x10;
	[tilespmem:v31+s22+$0x0] =	vst.idx.add.f32.msk $0xffff, v59  }
0xdd: {  	[tilespmem:$0x1FF60] =	vst v6;
	v46 =	vshll.u32 v62, $0x10;
	v6 =	vshll.u32 v4, $0x10;
	v34 =	vshll.u32 v37, $0x10;
	v61 =	vld.idx.msk [tilespmem:v18+s17+$0x0], $0xffff  }
0xde: {  	[tilespmem:$0x1FF70] =	vst v7;
	v7 =	vand.u32 $0xFFFF0000, v4;
	v34 =	vmul.f32 v34, v41;
	v1 =	vmul.f32 v46, v43;
	v46 =	vld [tilespmem:s29+$0xFFFFFFF0]  }
0xdf: {  	v18 =	vshrl.u32 v33, $0x10;
	v33 =	vand.u32 $0xFFFF0000, v62;
	v4 =	vmul.f32 v49, v40;
	v49 =	vld [tilespmem:s29+$0x40]  }
0xe0: {  	v21 =	vshrl.u32 v8, $0x10;
	v36 =	vmul.f32 v36, v44;
	v2 =	vmul.f32 v33, v43;
	v33 =	vld [tilespmem:s29+$0x20]  }
0xe1: {  	v37 =	vand.u32 $0xFFFF0000, v37;
	[tilespmem:v15+s21+$0x0] =	vst.idx.add.f32.msk $0xffff, v34  }
0xe2: {  	v37 =	vmul.f32 v37, v41;
	[tilespmem:v14+s21+$0x0] =	vst.idx.add.f32.msk $0xffff, v36  }
0xe3: {  	v48 =	vmul.f32 v48, v40;
	[tilespmem:v13+s21+$0x0] =	vst.idx.add.f32.msk $0xffff, v1  }
0xe4: {  	[tilespmem:v15+s22+$0x0] =	vst.idx.add.f32.msk $0xffff, v37  }
0xe5: {  	[tilespmem:v21+s21+$0x0] =	vst.idx.add.f32.msk $0xffff, v48  }
0xe6: {  	v35 =	vand.u32 $0xFFFF0000, v35;
	v36 =	vld [tilespmem:$0x1FF60]  }
0xe7: {  	v35 =	vmul.f32 v35, v44;
	v37 =	vld [tilespmem:$0x1FF70]  }
0xe8: {  	[tilespmem:$0x1FF50] =	vst v0;
	v48 =	vld [tilespmem:$0x1FF90]  }
0xe9: {  	[tilespmem:v14+s22+$0x0] =	vst.idx.add.f32.msk $0xffff, v35  }
0xea: {  	[tilespmem:v13+s22+$0x0] =	vst.idx.add.f32.msk $0xffff, v2  }
0xeb: {  	[tilespmem:v21+s22+$0x0] =	vst.idx.add.f32.msk $0xffff, v4;
	v52 =	vmul.f32 v52, v46  }
0xec: {  	v35 =	vld [tilespmem:$0x1FF50];
	v42 =	vshll.u32 v61, $0x10  }
0xed: {  	v42 =	vmul.f32 v42, v30;
	[tilespmem:v25+s21+$0x0] =	vst.idx.add.f32.msk $0xffff, v52  }
0xee: {  	v52 =	vld [tilespmem:$0x1FFA0]  }
0xef: {  	v20 =	vshrl.u32 v32, $0x10;
	v32 =	vand.u32 $0xFFFF0000, v61;
	v53 =	vmul.f32 v53, v46;
	[tilespmem:v31+s23+$0x0] =	vst.idx.add.f32.msk $0xffff, v42  }
0xf0: {  	v30 =	vmul.f32 v32, v30;
	v42 =	vld [tilespmem:s29+$0xFFFFFFB0]  }
0xf1: {  	[tilespmem:v25+s22+$0x0] =	vst.idx.add.f32.msk $0xffff, v53  }
0xf2: {  	[tilespmem:v31+s24+$0x0] =	vst.idx.add.f32.msk $0xffff, v30  }
0xf3: {  	v31 =	vmul.f32 v6, v45;
	v6 =	vmul.f32 v50, v39;
	v50 =	vld [tilespmem:s29+$0x30]  }
0xf4: {  	v2 =	vld.idx.msk [tilespmem:v36+s17+$0x0], $0xffff  }
0xf5: {  	[tilespmem:v18+s21+$0x0] =	vst.idx.add.f32.msk $0xffff, v31  }
0xf6: {  	v0 =	vmul.f32 v7, v45;
	[tilespmem:v23+s21+$0x0] =	vst.idx.add.f32.msk $0xffff, v6  }
0xf7: {  	[tilespmem:$0x1FFF0] =	vst v60;
	v51 =	vmul.f32 v51, v39;
	v30 =	vshll.u32 v56, $0x10;
	v1 =	vld.idx.msk [tilespmem:v35+s17+$0x0], $0xffff  }
0xf8: {  	v30 =	vmul.f32 v30, v49;
	[tilespmem:v18+s22+$0x0] =	vst.idx.add.f32.msk $0xffff, v0  }
0xf9: {  	v47 =	vshll.u32 v63, $0x10;
	[tilespmem:v23+s22+$0x0] =	vst.idx.add.f32.msk $0xffff, v51  }
0xfa: {  	v60 =	vand.u32 $0xFFFF0000, v5;
	v59 =	vshll.u32 v5, $0x10;
	v56 =	vand.u32 $0xFFFF0000, v56;
	[tilespmem:v17+s21+$0x0] =	vst.idx.add.f32.msk $0xffff, v30  }
0xfb: {  	v32 =	vand.u32 $0xFFFF0000, v63;
	v56 =	vmul.f32 v56, v49;
	v5 =	vmul.f32 v47, v42;
	v47 =	vld [tilespmem:s29+$0x0]  }
0xfc: {  	v12 =	vshrl.u32 v3, $0x10;
	v3 =	vmul.f32 v32, v42;
	v32 =	vld [tilespmem:s29+$0x10]  }
0xfd: {  	[tilespmem:v17+s22+$0x0] =	vst.idx.add.f32.msk $0xffff, v56  }
0xfe: {  	v34 =	vld.idx.msk [tilespmem:v38+s17+$0x0], $0xffff  }
0xff: {  	v38 =	vld [tilespmem:$0x1FF80]  }
0x100: {  	v26 =	vld.idx.msk [tilespmem:v26+s17+$0x0], $0xffff  }
0x101: {  	[tilespmem:v12+s21+$0x0] =	vst.idx.add.f32.msk $0xffff, v5  }
0x102: {  	v5 =	vld.idx.msk [tilespmem:v48+s17+$0x0], $0xffff  }
0x103: {  	[tilespmem:v12+s22+$0x0] =	vst.idx.add.f32.msk $0xffff, v3  }
0x104: {  	v24 =	vshrl.u32 v9, $0x10;
	v3 =	vld.idx.msk [tilespmem:v37+s17+$0x0], $0xffff  }
0x105: {  	v7 =	vmul.f32 v54, v47;
	v54 =	vld [tilespmem:s29+$0x50]  }
0x106: {  	v8 =	vmul.f32 v59, v32;
	v59 =	vld [tilespmem:s29+$0x60];
	v51 =	vshll.u32 v34, $0x10  }
0x107: {  	v61 =	vshll.u32 v10, $0x10;
	v6 =	vmul.f32 v51, v45;
	v51 =	vld [tilespmem:$0x1FFF0]  }
0x108: {  	v63 =	vshll.u32 v11, $0x10;
	v31 =	vmul.f32 v60, v32;
	v60 =	vmul.f32 v61, v33;
	[tilespmem:v28+s21+$0x0] =	vst.idx.add.f32.msk $0xffff, v7  }
0x109: {  	v61 =	vmul.f32 v63, v50;
	[tilespmem:v24+s21+$0x0] =	vst.idx.add.f32.msk $0xffff, v8  }
0x10a: {  	[tilespmem:v22+s21+$0x0] =	vst.idx.add.f32.msk $0xffff, v60  }
0x10b: {  	[tilespmem:v16+s21+$0x0] =	vst.idx.add.f32.msk $0xffff, v61  }
0x10c: {  	v55 =	vmul.f32 v55, v47;
	v7 =	vld.idx.msk [tilespmem:v52+s17+$0x0], $0xffff  }
0x10d: {  	v62 =	vand.u32 $0xFFFF0000, v10;
	v60 =	vld [tilespmem:$0x1FFD0]  }
0x10e: {  	v11 =	vand.u32 $0xFFFF0000, v11;
	v0 =	vmul.f32 v62, v33;
	[tilespmem:v28+s22+$0x0] =	vst.idx.add.f32.msk $0xffff, v55  }
0x10f: {  	v11 =	vmul.f32 v11, v50;
	[tilespmem:v24+s22+$0x0] =	vst.idx.add.f32.msk $0xffff, v31  }
0x110: {  	[tilespmem:v22+s22+$0x0] =	vst.idx.add.f32.msk $0xffff, v0  }
0x111: {  	[tilespmem:v16+s22+$0x0] =	vst.idx.add.f32.msk $0xffff, v11  }
0x112: {  	v4 =	vld.idx.msk [tilespmem:v38+s17+$0x0], $0xffff  }
0x113: {  	v53 =	vshll.u32 v1, $0x10;
	v55 =	vld [tilespmem:$0x1FFB0]  }
0x114: {  	v8 =	vmul.f32 v53, v44;
	[tilespmem:v18+s23+$0x0] =	vst.idx.add.f32.msk $0xffff, v6  }
0x115: {  	v10 =	vshll.u32 v57, $0x10;
	v1 =	vand.u32 $0xFFFF0000, v1;
	v29 =	vld.idx.msk [tilespmem:v29+s17+$0x0], $0xffff  }
0x116: {  	v57 =	vand.u32 $0xFFFF0000, v57;
	v1 =	vmul.f32 v1, v44;
	v0 =	vand.u32 $0xFFFF0000, v34;
	[tilespmem:v14+s23+$0x0] =	vst.idx.add.f32.msk $0xffff, v8  }
0x117: {  	v0 =	vmul.f32 v0, v45;
	v62 =	vmul.f32 v57, v54;
	v57 =	vld [tilespmem:$0x1FFC0]  }
0x118: {  	v9 =	vshll.u32 v58, $0x10;
	v10 =	vmul.f32 v10, v54;
	[tilespmem:v14+s24+$0x0] =	vst.idx.add.f32.msk $0xffff, v1  }
0x119: {  	v9 =	vmul.f32 v9, v59;
	[tilespmem:v18+s24+$0x0] =	vst.idx.add.f32.msk $0xffff, v0  }
0x11a: {  	v58 =	vand.u32 $0xFFFF0000, v58;
	[tilespmem:v19+s21+$0x0] =	vst.idx.add.f32.msk $0xffff, v10  }
0x11b: {  	v63 =	vmul.f32 v58, v59;
	[tilespmem:v20+s21+$0x0] =	vst.idx.add.f32.msk $0xffff, v9  }
0x11c: {  	v58 =	vshll.u32 v3, $0x10;
	[tilespmem:v19+s22+$0x0] =	vst.idx.add.f32.msk $0xffff, v62  }
0x11d: {  	v30 =	vmul.f32 v58, v42;
	[tilespmem:v20+s22+$0x0] =	vst.idx.add.f32.msk $0xffff, v63  }
0x11e: {  	v62 =	vld [tilespmem:$0x1FFE0]  }
0x11f: {  	v56 =	vshll.u32 v2, $0x10;
	[tilespmem:v12+s23+$0x0] =	vst.idx.add.f32.msk $0xffff, v30  }
0x120: {  	v2 =	vand.u32 $0xFFFF0000, v2;
	v3 =	vand.u32 $0xFFFF0000, v3;
	v10 =	vmul.f32 v56, v43;
	v27 =	vld.idx.msk [tilespmem:v27+s17+$0x0], $0xffff  }
0x121: {  	v2 =	vmul.f32 v2, v43;
	v3 =	vmul.f32 v3, v42;
	v43 =	vld.idx.msk [tilespmem:v51+s17+$0x0], $0xffff  }
0x122: {  	[tilespmem:v13+s23+$0x0] =	vst.idx.add.f32.msk $0xffff, v10  }
0x123: {  	v37 =	vshll.u32 v7, $0x10;
	[tilespmem:v12+s24+$0x0] =	vst.idx.add.f32.msk $0xffff, v3  }
0x124: {  	v36 =	vmul.f32 v37, v39;
	v31 =	vld.idx.msk [tilespmem:v60+s17+$0x0], $0xffff  }
0x125: {  	v61 =	vshll.u32 v4, $0x10;
	[tilespmem:v13+s24+$0x0] =	vst.idx.add.f32.msk $0xffff, v2  }
0x126: {  	v63 =	vshll.u32 v5, $0x10;
	v52 =	vmul.f32 v61, v41;
	[tilespmem:v23+s23+$0x0] =	vst.idx.add.f32.msk $0xffff, v36  }
0x127: {  	v7 =	vand.u32 $0xFFFF0000, v7;
	v5 =	vand.u32 $0xFFFF0000, v5;
	v58 =	vmul.f32 v63, v40;
	v9 =	vld.idx.msk [tilespmem:v55+s17+$0x0], $0xffff  }
0x128: {  	v61 =	vmul.f32 v5, v40;
	v40 =	vmul.f32 v7, v39;
	[tilespmem:v15+s23+$0x0] =	vst.idx.add.f32.msk $0xffff, v52  }
0x129: {  	v4 =	vand.u32 $0xFFFF0000, v4;
	[tilespmem:v21+s23+$0x0] =	vst.idx.add.f32.msk $0xffff, v58  }
0x12a: {  	v55 =	vmul.f32 v4, v41;
	[tilespmem:v23+s24+$0x0] =	vst.idx.add.f32.msk $0xffff, v40  }
0x12b: {  	v60 =	vshll.u32 v29, $0x10;
	v11 =	vld.idx.msk [tilespmem:v57+s17+$0x0], $0xffff  }
0x12c: {  	[tilespmem:v15+s24+$0x0] =	vst.idx.add.f32.msk $0xffff, v55;
	v55 =	vmul.f32 v60, v50  }
0x12d: {  	[tilespmem:v21+s24+$0x0] =	vst.idx.add.f32.msk $0xffff, v61;
	v37 =	vshll.u32 v27, $0x10  }
0x12e: {  	v27 =	vand.u32 $0xFFFF0000, v27;
	v60 =	vmul.f32 v37, v54;
	[tilespmem:v16+s23+$0x0] =	vst.idx.add.f32.msk $0xffff, v55  }
0x12f: {  	v61 =	vmul.f32 v27, v54;
	v35 =	vld.idx.msk [tilespmem:v62+s17+$0x0], $0xffff;
	v45 =	vshll.u32 v9, $0x10  }
0x130: {  	v9 =	vand.u32 $0xFFFF0000, v9;
	v45 =	vmul.f32 v45, v46;
	[tilespmem:v19+s23+$0x0] =	vst.idx.add.f32.msk $0xffff, v60  }
0x131: {  	v9 =	vmul.f32 v9, v46;
	v48 =	vshll.u32 v11, $0x10;
	[tilespmem:v19+s24+$0x0] =	vst.idx.add.f32.msk $0xffff, v61  }
0x132: {  	v53 =	vshll.u32 v31, $0x10;
	v46 =	vmul.f32 v48, v47;
	[tilespmem:v25+s23+$0x0] =	vst.idx.add.f32.msk $0xffff, v45  }
0x133: {  	v11 =	vand.u32 $0xFFFF0000, v11;
	v48 =	vmul.f32 v53, v32;
	[tilespmem:v25+s24+$0x0] =	vst.idx.add.f32.msk $0xffff, v9  }
0x134: {  	v31 =	vand.u32 $0xFFFF0000, v31;
	v11 =	vmul.f32 v11, v47;
	[tilespmem:v28+s23+$0x0] =	vst.idx.add.f32.msk $0xffff, v46  }
0x135: {  	v51 =	vmul.f32 v31, v32;
	v56 =	vshll.u32 v35, $0x10;
	[tilespmem:v24+s23+$0x0] =	vst.idx.add.f32.msk $0xffff, v48  }
0x136: {  	v29 =	vand.u32 $0xFFFF0000, v29;
	v52 =	vmul.f32 v56, v33;
	[tilespmem:v28+s24+$0x0] =	vst.idx.add.f32.msk $0xffff, v11  }
0x137: {  	v62 =	vshll.u32 v26, $0x10;
	v57 =	vand.u32 $0xFFFF0000, v35;
	v56 =	vmul.f32 v29, v50;
	[tilespmem:v24+s24+$0x0] =	vst.idx.add.f32.msk $0xffff, v51  }
0x138: {  	s30 =	sadd.s32 $0x10, s30;
	v41 =	vshll.u32 v43, $0x10;
	v53 =	vmul.f32 v57, v33;
	v57 =	vmul.f32 v62, v49;
	[tilespmem:v22+s23+$0x0] =	vst.idx.add.f32.msk $0xffff, v52  }
0x139: {  	p0 =	slt.u32 s30, $0x180;
	v62 =	vmul.f32 v41, v59;
	[tilespmem:v16+s24+$0x0] =	vst.idx.add.f32.msk $0xffff, v56  }
.Ltmp1:
0x13a: {  	v63 =	vand.u32 $0xFFFF0000, v26;
	[tilespmem:v17+s23+$0x0] =	vst.idx.add.f32.msk $0xffff, v57;
	(pc) =	sbr.rel @p0 .LBB2_5-.Ltmp1, $4  }
0x13b: {  	v58 =	vmul.f32 v63, v49;
	v44 =	vand.u32 $0xFFFF0000, v43;
	[tilespmem:v20+s23+$0x0] =	vst.idx.add.f32.msk $0xffff, v62  }
0x13c: {  	v63 =	vmul.f32 v44, v59;
	[tilespmem:v22+s24+$0x0] =	vst.idx.add.f32.msk $0xffff, v53  }
0x13d: {  	[tilespmem:v17+s24+$0x0] =	vst.idx.add.f32.msk $0xffff, v58  }
0x13e: {  	s31 =	sadd.s32 $0x100, s31;
	[tilespmem:v20+s24+$0x0] =	vst.idx.add.f32.msk $0xffff, v63  }
0x13f: {  	s29 =	sshll.u32 s28, $0x1  }
0x140: {  	s29 =	sadd.s32 $0x2, s29  }
0x141: {  	s30 =	smul.u32 $0x320, s29  }
0x142: {  	p0 =	seq.s32 s29, $0x32  }
0x143: {  	s30 =	simm.s32 @p0 $0x0  }
0x144: {  	s29 =	sadd.s32 s4, s30  }
0x145: {  	[tilespmem:s12], [sflag:$0x1] =	stream.linear.gather [hbm4b:s29+s2], $0x1900, $0x38;
	[tilespmem:$0x15100] =	vst v63  }
0x146: {  	s29 =	sadd.s32 s1, s30  }
0x147: {  	[tilespmem:s13], [sflag:$0x1] =	stream.linear.gather [hbm4b:s29+s2], $0x1900, $0x38;
	[tilespmem:$0x15100] =	vst v63  }
0x148: {  	_ =	swait.ge [sflag:s25], $0x1900  }
0x149: {  	[sflag:s25] =	ssyncset.done $0x0  }
0x14a: {  	[sflag:s25] =	ssyncadd.s32 $0xFFFFE700  }
0x14b: {  	_ =	swait.ge [sflag:s25], $0x1900  }
0x14c: {  	[sflag:s25] =	ssyncset.done $0x0  }
0x14d: {  	s30 =	simm.s32 $0x11F80;
	[sflag:s25] =	ssyncadd.s32 $0xFFFFE700  }
0x14e: {  	v0 =	vld [tilespmem:s30+$0x70]  }
0x14f: {  	v4 =	vld [tilespmem:s30+$0xFFFFFF90]  }
0x150: {  	v5 =	vld [tilespmem:s30+$0xFFFFFFA0]  }
0x151: {  	v6 =	vld [tilespmem:s30+$0xFFFFFFB0]  }
0x152: {  	v7 =	vld [tilespmem:s30+$0xFFFFFFC0]  }
0x153: {  	s29 =	simm.s32 $0x13880;
	v8 =	vld [tilespmem:s30+$0xFFFFFFD0]  }
0x154: {  	v9 =	vld [tilespmem:s29+$0x70]  }
0x155: {  	v11 =	vld [tilespmem:s30+$0xFFFFFFE0]  }
0x156: {  	v12 =	vld [tilespmem:s30+$0xFFFFFFF0]  }
0x157: {  	v13 =	vld [tilespmem:s30+$0x0]  }
0x158: {  	v14 =	vld [tilespmem:s30+$0xFFFFFF80]  }
0x159: {  	v16 =	vld [tilespmem:s30+$0x10]  }
0x15a: {  	v27 =	vld [tilespmem:s29+$0xFFFFFF80]  }
0x15b: {  	v53 =	vld [tilespmem:s29+$0xFFFFFF90]  }
0x15c: {  	v56 =	vld [tilespmem:s29+$0xFFFFFFA0];
	v1 =	vand.u32 $0xFFFF, v0  }
0x15d: {  	v29 =	vld [tilespmem:s29+$0xFFFFFFB0];
	v10 =	vand.u32 $0xFFFF, v4  }
0x15e: {  	v32 =	vld [tilespmem:s29+$0xFFFFFFD0];
	v15 =	vand.u32 $0xFFFF, v5  }
0x15f: {  	v33 =	vld [tilespmem:s29+$0xFFFFFFE0];
	v31 =	vand.u32 $0xFFFF, v13  }
0x160: {  	v42 =	vld [tilespmem:s29+$0xFFFFFFF0]  }
0x161: {  	v2 =	vld.idx.msk [tilespmem:v1+s2+$0x0], $0xffff  }
0x162: {  	v18 =	vand.u32 $0xFFFF, v6;
	v19 =	vld.idx.msk [tilespmem:v10+s2+$0x0], $0xffff  }
0x163: {  	v52 =	vand.u32 $0xFFFF, v14;
	v21 =	vld.idx.msk [tilespmem:v15+s2+$0x0], $0xffff  }
0x164: {  	v34 =	vand.u32 $0xFFFF, v16;
	v37 =	vld.idx.msk [tilespmem:v31+s2+$0x0], $0xffff  }
0x165: {  	v44 =	vld [tilespmem:s29+$0x0]  }
0x166: {  	v47 =	vld [tilespmem:s29+$0x10];
	v0 =	vshrl.u32 v0, $0x10  }
0x167: {  	v5 =	vshrl.u32 v5, $0x10;
	v45 =	vshrl.u32 v13, $0x10;
	v22 =	vld.idx.msk [tilespmem:v18+s2+$0x0], $0xffff  }
0x168: {  	v25 =	vld.idx.msk [tilespmem:v52+s2+$0x0], $0xffff;
	v3 =	vshll.u32 v2, $0x10;
	v2 =	vand.u32 $0xFFFF0000, v2;
	v57 =	vshll.u32 v19, $0x10  }
0x169: {  	v39 =	vld.idx.msk [tilespmem:v34+s2+$0x0], $0xffff;
	v59 =	vshll.u32 v21, $0x10;
	v48 =	vshll.u32 v37, $0x10;
	v17 =	vmul.f32 v3, v9  }
0x16a: {  	v58 =	vand.u32 $0xFFFF0000, v19;
	v19 =	vmul.f32 v59, v56;
	v50 =	vmul.f32 v48, v44;
	v48 =	vld [tilespmem:s29+$0x60]  }
0x16b: {  	v6 =	vshrl.u32 v6, $0x10;
	v20 =	vmul.f32 v2, v9;
	[tilespmem:v0+s21+$0x0] =	vst.idx.add.f32.msk $0xffff, v17  }
0x16c: {  	v3 =	vand.u32 $0xFFFF, v7;
	[tilespmem:v5+s21+$0x0] =	vst.idx.add.f32.msk $0xffff, v19  }
0x16d: {  	v61 =	vshll.u32 v22, $0x10;
	v2 =	vand.u32 $0xFFFF, v8;
	[tilespmem:v0+s22+$0x0] =	vst.idx.add.f32.msk $0xffff, v20  }
0x16e: {  	v19 =	vmul.f32 v61, v29;
	v17 =	vld.idx.msk [tilespmem:v1+s17+$0x0], $0xffff  }
0x16f: {  	[tilespmem:v45+s21+$0x0] =	vst.idx.add.f32.msk $0xffff, v50  }
0x170: {  	v22 =	vand.u32 $0xFFFF0000, v22;
	v1 =	vand.u32 $0xFFFF, v11;
	[tilespmem:v6+s21+$0x0] =	vst.idx.add.f32.msk $0xffff, v19  }
0x171: {  	v22 =	vmul.f32 v22, v29;
	v23 =	vld.idx.msk [tilespmem:v3+s2+$0x0], $0xffff  }
0x172: {  	v24 =	vld.idx.msk [tilespmem:v2+s2+$0x0], $0xffff  }
0x173: {  	[tilespmem:v6+s22+$0x0] =	vst.idx.add.f32.msk $0xffff, v22;
	v26 =	vshll.u32 v17, $0x10  }
0x174: {  	v4 =	vshrl.u32 v4, $0x10;
	v18 =	vld.idx.msk [tilespmem:v18+s17+$0x0], $0xffff;
	v26 =	vmul.f32 v26, v9  }
0x175: {  	v28 =	vld.idx.msk [tilespmem:v1+s2+$0x0], $0xffff;
	v17 =	vand.u32 $0xFFFF0000, v17  }
0x176: {  	v14 =	vshrl.u32 v14, $0x10;
	v9 =	vmul.f32 v17, v9;
	[tilespmem:v0+s23+$0x0] =	vst.idx.add.f32.msk $0xffff, v26  }
0x177: {  	v26 =	vmul.f32 v57, v53;
	v57 =	vld [tilespmem:s30+$0x20]  }
0x178: {  	v54 =	vshll.u32 v25, $0x10;
	[tilespmem:v0+s24+$0x0] =	vst.idx.add.f32.msk $0xffff, v9  }
0x179: {  	v0 =	vmul.f32 v54, v27;
	[tilespmem:v4+s21+$0x0] =	vst.idx.add.f32.msk $0xffff, v26  }
0x17a: {  	v55 =	vand.u32 $0xFFFF0000, v25;
	v26 =	vld [tilespmem:s29+$0xFFFFFFC0]  }
0x17b: {  	v9 =	vmul.f32 v55, v27;
	[tilespmem:v14+s21+$0x0] =	vst.idx.add.f32.msk $0xffff, v0  }
0x17c: {  	v0 =	vmul.f32 v58, v53;
	v58 =	vld [tilespmem:s30+$0x30]  }
0x17d: {  	[tilespmem:v14+s22+$0x0] =	vst.idx.add.f32.msk $0xffff, v9  }
0x17e: {  	[tilespmem:v4+s22+$0x0] =	vst.idx.add.f32.msk $0xffff, v0  }
0x17f: {  	v60 =	vand.u32 $0xFFFF0000, v21;
	v20 =	vld.idx.msk [tilespmem:v52+s17+$0x0], $0xffff  }
0x180: {  	v49 =	vshrl.u32 v16, $0x10;
	v0 =	vmul.f32 v60, v56;
	v60 =	vld [tilespmem:s30+$0x40]  }
0x181: {  	v7 =	vshrl.u32 v7, $0x10;
	v9 =	vand.u32 $0xFFFF, v12;
	v10 =	vld.idx.msk [tilespmem:v10+s17+$0x0], $0xffff  }
0x182: {  	v63 =	vshll.u32 v23, $0x10;
	v23 =	vand.u32 $0xFFFF0000, v23;
	v52 =	vshll.u32 v39, $0x10;
	[tilespmem:v5+s22+$0x0] =	vst.idx.add.f32.msk $0xffff, v0  }
0x183: {  	v16 =	vmul.f32 v52, v47;
	v36 =	vmul.f32 v23, v26;
	v23 =	vld [tilespmem:s30+$0x60]  }
0x184: {  	v15 =	vld.idx.msk [tilespmem:v15+s17+$0x0], $0xffff  }
0x185: {  	v0 =	vmul.f32 v63, v26;
	[tilespmem:v49+s21+$0x0] =	vst.idx.add.f32.msk $0xffff, v16  }
0x186: {  	v63 =	vand.u32 $0xFFFF, v57;
	v62 =	vld.idx.msk [tilespmem:v9+s2+$0x0], $0xffff  }
0x187: {  	[tilespmem:v7+s21+$0x0] =	vst.idx.add.f32.msk $0xffff, v0  }
0x188: {  	[tilespmem:v7+s22+$0x0] =	vst.idx.add.f32.msk $0xffff, v36  }
0x189: {  	v36 =	vld [tilespmem:s29+$0x20]  }
0x18a: {  	v38 =	vshll.u32 v28, $0x10;
	v43 =	vand.u32 $0xFFFF0000, v28;
	v30 =	vshll.u32 v20, $0x10;
	v3 =	vld.idx.msk [tilespmem:v3+s17+$0x0], $0xffff  }
0x18b: {  	v20 =	vand.u32 $0xFFFF0000, v20;
	v0 =	vmul.f32 v30, v27;
	v40 =	vshll.u32 v10, $0x10;
	v28 =	vld.idx.msk [tilespmem:v63+s2+$0x0], $0xffff  }
0x18c: {  	v20 =	vmul.f32 v20, v27;
	v41 =	vmul.f32 v40, v53;
	v40 =	vld [tilespmem:s29+$0x30]  }
0x18d: {  	[tilespmem:v14+s23+$0x0] =	vst.idx.add.f32.msk $0xffff, v0  }
0x18e: {  	v8 =	vshrl.u32 v8, $0x10;
	v10 =	vand.u32 $0xFFFF0000, v10;
	[tilespmem:v14+s24+$0x0] =	vst.idx.add.f32.msk $0xffff, v20  }
0x18f: {  	v11 =	vshrl.u32 v11, $0x10;
	v10 =	vmul.f32 v10, v53;
	[tilespmem:v4+s23+$0x0] =	vst.idx.add.f32.msk $0xffff, v41  }
0x190: {  	v35 =	vshll.u32 v24, $0x10;
	v46 =	vshll.u32 v62, $0x10;
	v21 =	vand.u32 $0xFFFF0000, v62;
	v62 =	vld [tilespmem:s30+$0x50]  }
0x191: {  	v30 =	vand.u32 $0xFFFF, v60;
	v14 =	vmul.f32 v35, v32;
	[tilespmem:v4+s24+$0x0] =	vst.idx.add.f32.msk $0xffff, v10  }
0x192: {  	v53 =	vshll.u32 v15, $0x10;
	v20 =	vmul.f32 v38, v33;
	v10 =	vmul.f32 v46, v42;
	v46 =	vld [tilespmem:s29+$0x50]  }
0x193: {  	v54 =	vmul.f32 v53, v56;
	[tilespmem:v8+s21+$0x0] =	vst.idx.add.f32.msk $0xffff, v14  }
0x194: {  	v24 =	vand.u32 $0xFFFF0000, v24;
	v12 =	vshrl.u32 v12, $0x10;
	[tilespmem:v11+s21+$0x0] =	vst.idx.add.f32.msk $0xffff, v20  }
0x195: {  	v24 =	vmul.f32 v24, v32;
	[tilespmem:v5+s23+$0x0] =	vst.idx.add.f32.msk $0xffff, v54  }
0x196: {  	v51 =	vand.u32 $0xFFFF0000, v37;
	v17 =	vmul.f32 v43, v33;
	v37 =	vand.u32 $0xFFFF, v23;
	v35 =	vld.idx.msk [tilespmem:v30+s2+$0x0], $0xffff  }
0x197: {  	v15 =	vand.u32 $0xFFFF0000, v15;
	[tilespmem:v8+s22+$0x0] =	vst.idx.add.f32.msk $0xffff, v24  }
0x198: {  	v55 =	vmul.f32 v15, v56;
	[tilespmem:v11+s22+$0x0] =	vst.idx.add.f32.msk $0xffff, v17  }
0x199: {  	[tilespmem:v12+s21+$0x0] =	vst.idx.add.f32.msk $0xffff, v10  }
0x19a: {  	v21 =	vmul.f32 v21, v42;
	[tilespmem:v5+s24+$0x0] =	vst.idx.add.f32.msk $0xffff, v55  }
0x19b: {  	v43 =	vld.idx.msk [tilespmem:v37+s2+$0x0], $0xffff  }
0x19c: {  	[tilespmem:v12+s22+$0x0] =	vst.idx.add.f32.msk $0xffff, v21  }
0x19d: {  	v14 =	vand.u32 $0xFFFF0000, v39;
	v17 =	vmul.f32 v51, v44;
	v2 =	vld.idx.msk [tilespmem:v2+s17+$0x0], $0xffff  }
0x19e: {  	v56 =	vshll.u32 v18, $0x10;
	v14 =	vmul.f32 v14, v47;
	v1 =	vld.idx.msk [tilespmem:v1+s17+$0x0], $0xffff  }
0x19f: {  	v5 =	vmul.f32 v56, v29;
	[tilespmem:v45+s22+$0x0] =	vst.idx.add.f32.msk $0xffff, v17  }
0x1a0: {  	[tilespmem:v49+s22+$0x0] =	vst.idx.add.f32.msk $0xffff, v14  }
0x1a1: {  	v59 =	vand.u32 $0xFFFF0000, v18;
	[tilespmem:v6+s23+$0x0] =	vst.idx.add.f32.msk $0xffff, v5  }
0x1a2: {  	v15 =	vmul.f32 v59, v29;
	v9 =	vld.idx.msk [tilespmem:v9+s17+$0x0], $0xffff  }
0x1a3: {  	v25 =	vand.u32 $0xFFFF, v58;
	v61 =	vshll.u32 v3, $0x10;
	v0 =	vld.idx.msk [tilespmem:v34+s17+$0x0], $0xffff  }
0x1a4: {  	v3 =	vand.u32 $0xFFFF0000, v3;
	[tilespmem:v6+s24+$0x0] =	vst.idx.add.f32.msk $0xffff, v15;
	v6 =	vmul.f32 v61, v26  }
0x1a5: {  	v3 =	vmul.f32 v3, v26;
	v29 =	vld.idx.msk [tilespmem:v31+s17+$0x0], $0xffff  }
0x1a6: {  	[tilespmem:v7+s23+$0x0] =	vst.idx.add.f32.msk $0xffff, v6;
	v21 =	vshll.u32 v2, $0x10  }
0x1a7: {  	[tilespmem:v7+s24+$0x0] =	vst.idx.add.f32.msk $0xffff, v3;
	v2 =	vand.u32 $0xFFFF0000, v2;
	v3 =	vmul.f32 v21, v32  }
0x1a8: {  	v2 =	vmul.f32 v2, v32;
	v32 =	vld.idx.msk [tilespmem:v25+s2+$0x0], $0xffff;
	v38 =	vshll.u32 v0, $0x10  }
0x1a9: {  	v26 =	vshll.u32 v1, $0x10;
	[tilespmem:v8+s23+$0x0] =	vst.idx.add.f32.msk $0xffff, v3;
	v4 =	vmul.f32 v38, v47  }
0x1aa: {  	v14 =	vshrl.u32 v57, $0x10;
	v0 =	vand.u32 $0xFFFF0000, v0;
	[tilespmem:v8+s24+$0x0] =	vst.idx.add.f32.msk $0xffff, v2;
	v2 =	vmul.f32 v26, v33  }
0x1ab: {  	v1 =	vand.u32 $0xFFFF0000, v1;
	v0 =	vmul.f32 v0, v47;
	[tilespmem:v49+s23+$0x0] =	vst.idx.add.f32.msk $0xffff, v4  }
0x1ac: {  	v41 =	vshll.u32 v28, $0x10;
	v1 =	vmul.f32 v1, v33;
	v33 =	vand.u32 $0xFFFF, v62;
	[tilespmem:v11+s23+$0x0] =	vst.idx.add.f32.msk $0xffff, v2  }
0x1ad: {  	v31 =	vshll.u32 v9, $0x10;
	v4 =	vmul.f32 v41, v36;
	[tilespmem:v49+s24+$0x0] =	vst.idx.add.f32.msk $0xffff, v0  }
0x1ae: {  	[tilespmem:v11+s24+$0x0] =	vst.idx.add.f32.msk $0xffff, v1;
	v1 =	vmul.f32 v31, v42  }
0x1af: {  	v9 =	vand.u32 $0xFFFF0000, v9;
	[tilespmem:v14+s21+$0x0] =	vst.idx.add.f32.msk $0xffff, v4  }
0x1b0: {  	v9 =	vmul.f32 v9, v42;
	[tilespmem:v12+s23+$0x0] =	vst.idx.add.f32.msk $0xffff, v1  }
0x1b1: {  	v34 =	vshll.u32 v29, $0x10;
	v39 =	vld.idx.msk [tilespmem:v33+s2+$0x0], $0xffff  }
0x1b2: {  	v17 =	vand.u32 $0xFFFF0000, v29;
	[tilespmem:v12+s24+$0x0] =	vst.idx.add.f32.msk $0xffff, v9;
	v9 =	vmul.f32 v34, v44  }
0x1b3: {  	v17 =	vmul.f32 v17, v44;
	v8 =	vand.u32 $0xFFFF0000, v28;
	v42 =	vshrl.u32 v58, $0x10;
	v44 =	vld [tilespmem:s29+$0x40]  }
0x1b4: {  	v8 =	vmul.f32 v8, v36;
	[tilespmem:v45+s23+$0x0] =	vst.idx.add.f32.msk $0xffff, v9  }
0x1b5: {  	v16 =	vshrl.u32 v60, $0x10;
	[tilespmem:v45+s24+$0x0] =	vst.idx.add.f32.msk $0xffff, v17;
	v45 =	vshll.u32 v32, $0x10  }
0x1b6: {  	v11 =	vand.u32 $0xFFFF0000, v32;
	[tilespmem:v14+s22+$0x0] =	vst.idx.add.f32.msk $0xffff, v8;
	v4 =	vmul.f32 v45, v40  }
0x1b7: {  	v47 =	vshll.u32 v35, $0x10;
	v11 =	vmul.f32 v11, v40;
	v6 =	vld.idx.msk [tilespmem:v63+s17+$0x0], $0xffff  }
0x1b8: {  	v15 =	vshrl.u32 v62, $0x10;
	[tilespmem:v42+s21+$0x0] =	vst.idx.add.f32.msk $0xffff, v4;
	v4 =	vmul.f32 v47, v44  }
0x1b9: {  	v12 =	vand.u32 $0xFFFF0000, v35;
	[tilespmem:v42+s22+$0x0] =	vst.idx.add.f32.msk $0xffff, v11  }
0x1ba: {  	v49 =	vshll.u32 v39, $0x10;
	v12 =	vmul.f32 v12, v44;
	[tilespmem:v16+s21+$0x0] =	vst.idx.add.f32.msk $0xffff, v4  }
0x1bb: {  	v7 =	vshrl.u32 v23, $0x10;
	v4 =	vmul.f32 v49, v46;
	v3 =	vld.idx.msk [tilespmem:v25+s17+$0x0], $0xffff  }
0x1bc: {  	v50 =	vand.u32 $0xFFFF0000, v39;
	[tilespmem:v16+s22+$0x0] =	vst.idx.add.f32.msk $0xffff, v12  }
0x1bd: {  	v51 =	vshll.u32 v43, $0x10;
	v12 =	vmul.f32 v50, v46;
	[tilespmem:v15+s21+$0x0] =	vst.idx.add.f32.msk $0xffff, v4  }
0x1be: {  	v4 =	vmul.f32 v51, v48;
	v2 =	vld.idx.msk [tilespmem:v30+s17+$0x0], $0xffff  }
0x1bf: {  	v5 =	vand.u32 $0xFFFF0000, v43;
	[tilespmem:v15+s22+$0x0] =	vst.idx.add.f32.msk $0xffff, v12  }
0x1c0: {  	v5 =	vmul.f32 v5, v48;
	v52 =	vshll.u32 v6, $0x10;
	[tilespmem:v7+s21+$0x0] =	vst.idx.add.f32.msk $0xffff, v4  }
0x1c1: {  	v4 =	vmul.f32 v52, v36;
	v1 =	vld.idx.msk [tilespmem:v33+s17+$0x0], $0xffff  }
0x1c2: {  	v53 =	vand.u32 $0xFFFF0000, v6;
	[tilespmem:v7+s22+$0x0] =	vst.idx.add.f32.msk $0xffff, v5  }
0x1c3: {  	v5 =	vmul.f32 v53, v36;
	v54 =	vshll.u32 v3, $0x10;
	[tilespmem:v14+s23+$0x0] =	vst.idx.add.f32.msk $0xffff, v4  }
0x1c4: {  	v3 =	vand.u32 $0xFFFF0000, v3;
	v55 =	vld.idx.msk [tilespmem:v37+s17+$0x0], $0xffff;
	v4 =	vmul.f32 v54, v40  }
0x1c5: {  	v3 =	vmul.f32 v3, v40;
	[tilespmem:v14+s24+$0x0] =	vst.idx.add.f32.msk $0xffff, v5;
	v56 =	vshll.u32 v2, $0x10  }
0x1c6: {  	v2 =	vand.u32 $0xFFFF0000, v2;
	[tilespmem:v42+s23+$0x0] =	vst.idx.add.f32.msk $0xffff, v4;
	v57 =	vmul.f32 v56, v44  }
0x1c7: {  	v58 =	vmul.f32 v2, v44;
	[tilespmem:v42+s24+$0x0] =	vst.idx.add.f32.msk $0xffff, v3;
	v59 =	vshll.u32 v1, $0x10  }
0x1c8: {  	v1 =	vand.u32 $0xFFFF0000, v1;
	[tilespmem:v16+s23+$0x0] =	vst.idx.add.f32.msk $0xffff, v57;
	v2 =	vmul.f32 v59, v46  }
0x1c9: {  	v60 =	vmul.f32 v1, v46;
	[tilespmem:v16+s24+$0x0] =	vst.idx.add.f32.msk $0xffff, v58;
	v61 =	vshll.u32 v55, $0x10  }
0x1ca: {  	v62 =	vand.u32 $0xFFFF0000, v55;
	[tilespmem:v15+s23+$0x0] =	vst.idx.add.f32.msk $0xffff, v2;
	v1 =	vmul.f32 v61, v48  }
0x1cb: {  	v63 =	vmul.f32 v62, v48;
	[tilespmem:v15+s24+$0x0] =	vst.idx.add.f32.msk $0xffff, v60  }
0x1cc: {  	[tilespmem:v7+s23+$0x0] =	vst.idx.add.f32.msk $0xffff, v1  }
0x1cd: {  	s31 =	simm.s32 $0x12080;
	s30 =	simm.s32 $0x0;
	[tilespmem:v7+s24+$0x0] =	vst.idx.add.f32.msk $0xffff, v63  }
.LBB2_7:
0x1ce: {  	v0 =	vld [tilespmem:s31+$0x70]  }
0x1cf: {  	v1 =	vld [tilespmem:s31+$0xFFFFFF90]  }
0x1d0: {  	v2 =	vld [tilespmem:s31+$0xFFFFFFA0]  }
0x1d1: {  	v3 =	vld [tilespmem:s31+$0xFFFFFFB0]  }
0x1d2: {  	v4 =	vld [tilespmem:s31+$0xFFFFFFC0]  }
0x1d3: {  	v5 =	vld [tilespmem:s31+$0xFFFFFFD0]  }
0x1d4: {  	v52 =	vld [tilespmem:s31+$0xFFFFFFE0]  }
0x1d5: {  	v53 =	vld [tilespmem:s31+$0xFFFFFFF0]  }
0x1d6: {  	v54 =	vld [tilespmem:s31+$0x0]  }
0x1d7: {  	v8 =	vld [tilespmem:s31+$0x10]  }
0x1d8: {  	v10 =	vld [tilespmem:s31+$0x20]  }
0x1d9: {  	v11 =	vld [tilespmem:s31+$0x30]  }
0x1da: {  	v26 =	vld [tilespmem:s31+$0x40]  }
0x1db: {  	v27 =	vld [tilespmem:s31+$0x50]  }
0x1dc: {  	v31 =	vld [tilespmem:s31+$0x60];
	v18 =	vand.u32 $0xFFFF, v0  }
0x1dd: {  	s29 =	sadd.s32 $0x100, s29;
	v32 =	vld [tilespmem:s31+$0xFFFFFF80];
	v6 =	vand.u32 $0xFFFF, v1  }
0x1de: {  	v30 =	vld [tilespmem:s29+$0x70];
	v7 =	vand.u32 $0xFFFF, v2  }
0x1df: {  	v45 =	vld [tilespmem:s29+$0xFFFFFF80];
	v34 =	vand.u32 $0xFFFF, v3  }
0x1e0: {  	v44 =	vld [tilespmem:s29+$0xFFFFFF90];
	v15 =	vshrl.u32 v4, $0x10;
	v4 =	vand.u32 $0xFFFF, v4  }
0x1e1: {  	v21 =	vshrl.u32 v5, $0x10;
	v5 =	vand.u32 $0xFFFF, v5;
	v9 =	vld.idx.msk [tilespmem:v18+s2+$0x0], $0xffff  }
0x1e2: {  	v39 =	vand.u32 $0xFFFF, v52;
	v33 =	vld.idx.msk [tilespmem:v6+s2+$0x0], $0xffff  }
0x1e3: {  	v38 =	vand.u32 $0xFFFF, v32;
	v63 =	vld.idx.msk [tilespmem:v7+s2+$0x0], $0xffff  }
0x1e4: {  	v42 =	vand.u32 $0xFFFF, v53;
	[tilespmem:$0x1FEC0] =	vst v34;
	v34 =	vld.idx.msk [tilespmem:v34+s2+$0x0], $0xffff  }
0x1e5: {  	v55 =	vand.u32 $0xFFFF, v54;
	v36 =	vld.idx.msk [tilespmem:v4+s2+$0x0], $0xffff  }
0x1e6: {  	v56 =	vand.u32 $0xFFFF, v8;
	v37 =	vld.idx.msk [tilespmem:v5+s2+$0x0], $0xffff  }
0x1e7: {  	v57 =	vand.u32 $0xFFFF, v10;
	[tilespmem:$0x1FEF0] =	vst v39;
	v39 =	vld.idx.msk [tilespmem:v39+s2+$0x0], $0xffff  }
0x1e8: {  	v29 =	vand.u32 $0xFFFF, v11;
	v40 =	vld.idx.msk [tilespmem:v38+s2+$0x0], $0xffff  }
0x1e9: {  	v17 =	vshrl.u32 v26, $0x10;
	v26 =	vand.u32 $0xFFFF, v26;
	[tilespmem:$0x1FF00] =	vst v42;
	v42 =	vld.idx.msk [tilespmem:v42+s2+$0x0], $0xffff  }
0x1ea: {  	v19 =	vshrl.u32 v27, $0x10;
	v27 =	vand.u32 $0xFFFF, v27;
	v43 =	vld.idx.msk [tilespmem:v55+s2+$0x0], $0xffff  }
0x1eb: {  	v13 =	vshrl.u32 v2, $0x10;
	v61 =	vand.u32 $0xFFFF, v31;
	v2 =	vld.idx.msk [tilespmem:v56+s2+$0x0], $0xffff  }
0x1ec: {  	v22 =	vshrl.u32 v10, $0x10;
	v10 =	vld.idx.msk [tilespmem:v57+s2+$0x0], $0xffff  }
0x1ed: {  	v16 =	vshrl.u32 v11, $0x10;
	v11 =	vld.idx.msk [tilespmem:v29+s2+$0x0], $0xffff  }
0x1ee: {  	[tilespmem:$0x1FF10] =	vst v55;
	v55 =	vld.idx.msk [tilespmem:v26+s2+$0x0], $0xffff  }
0x1ef: {  	v14 =	vshrl.u32 v1, $0x10;
	v23 =	vshrl.u32 v52, $0x10;
	v25 =	vshrl.u32 v53, $0x10;
	[tilespmem:$0x1FF20] =	vst v56;
	v56 =	vld.idx.msk [tilespmem:v27+s2+$0x0], $0xffff  }
0x1f0: {  	v28 =	vshrl.u32 v54, $0x10;
	v0 =	vshrl.u32 v0, $0x10;
	[tilespmem:$0x1FF30] =	vst v57;
	v57 =	vld.idx.msk [tilespmem:v61+s2+$0x0], $0xffff;
	v58 =	vshll.u32 v9, $0x10  }
0x1f1: {  	v9 =	vand.u32 $0xFFFF0000, v9;
	v53 =	vshll.u32 v43, $0x10;
	v54 =	vand.u32 $0xFFFF0000, v43;
	v43 =	vld [tilespmem:s29+$0xFFFFFFA0]  }
0x1f2: {  	[tilespmem:$0x1FEB0] =	vst v7;
	v35 =	vshll.u32 v33, $0x10;
	v51 =	vshll.u32 v42, $0x10;
	v52 =	vand.u32 $0xFFFF0000, v42;
	v42 =	vld [tilespmem:s29+$0xFFFFFFB0]  }
0x1f3: {  	[tilespmem:$0x1FED0] =	vst v4;
	v4 =	vshll.u32 v40, $0x10;
	v7 =	vand.u32 $0xFFFF0000, v40;
	v40 =	vld [tilespmem:s29+$0xFFFFFFD0];
	v59 =	vmul.f32 v58, v30  }
0x1f4: {  	[tilespmem:$0x1FEE0] =	vst v5;
	v5 =	vshll.u32 v39, $0x10;
	v50 =	vand.u32 $0xFFFF0000, v39;
	v39 =	vld [tilespmem:s29+$0xFFFFFFE0];
	v35 =	vmul.f32 v35, v44  }
0x1f5: {  	v33 =	vand.u32 $0xFFFF0000, v33;
	v60 =	vmul.f32 v9, v30;
	[tilespmem:v0+s21+$0x0] =	vst.idx.add.f32.msk $0xffff, v59  }
0x1f6: {  	v33 =	vmul.f32 v33, v44;
	[tilespmem:v14+s21+$0x0] =	vst.idx.add.f32.msk $0xffff, v35  }
0x1f7: {  	[tilespmem:v0+s22+$0x0] =	vst.idx.add.f32.msk $0xffff, v60  }
0x1f8: {  	[tilespmem:v14+s22+$0x0] =	vst.idx.add.f32.msk $0xffff, v33  }
0x1f9: {  	v12 =	vshrl.u32 v3, $0x10;
	v46 =	vshll.u32 v63, $0x10;
	v62 =	vld.idx.msk [tilespmem:v18+s17+$0x0], $0xffff  }
0x1fa: {  	v47 =	vshll.u32 v34, $0x10;
	v49 =	vshll.u32 v37, $0x10;
	v1 =	vmul.f32 v46, v43;
	v46 =	vld [tilespmem:s29+$0xFFFFFFF0]  }
0x1fb: {  	v18 =	vshrl.u32 v32, $0x10;
	v32 =	vand.u32 $0xFFFF0000, v63;
	v3 =	vmul.f32 v47, v42;
	v47 =	vld [tilespmem:s29+$0x0]  }
0x1fc: {  	v58 =	vshll.u32 v2, $0x10;
	v59 =	vand.u32 $0xFFFF0000, v2;
	v2 =	vmul.f32 v32, v43;
	v32 =	vld [tilespmem:s29+$0x10]  }
0x1fd: {  	v49 =	vmul.f32 v49, v40;
	[tilespmem:v13+s21+$0x0] =	vst.idx.add.f32.msk $0xffff, v1  }
0x1fe: {  	v5 =	vmul.f32 v5, v39;
	[tilespmem:v12+s21+$0x0] =	vst.idx.add.f32.msk $0xffff, v3  }
0x1ff: {  	[tilespmem:v21+s21+$0x0] =	vst.idx.add.f32.msk $0xffff, v49  }
0x200: {  	v34 =	vand.u32 $0xFFFF0000, v34;
	[tilespmem:v23+s21+$0x0] =	vst.idx.add.f32.msk $0xffff, v5  }
0x201: {  	v37 =	vand.u32 $0xFFFF0000, v37;
	v34 =	vmul.f32 v34, v42;
	v49 =	vld [tilespmem:$0x1FEE0]  }
0x202: {  	v37 =	vmul.f32 v37, v40;
	[tilespmem:v13+s22+$0x0] =	vst.idx.add.f32.msk $0xffff, v2  }
0x203: {  	v50 =	vmul.f32 v50, v39;
	[tilespmem:v12+s22+$0x0] =	vst.idx.add.f32.msk $0xffff, v34  }
0x204: {  	[tilespmem:v21+s22+$0x0] =	vst.idx.add.f32.msk $0xffff, v37  }
0x205: {  	[tilespmem:v23+s22+$0x0] =	vst.idx.add.f32.msk $0xffff, v50  }
0x206: {  	v20 =	vshrl.u32 v31, $0x10;
	v63 =	vand.u32 $0xFFFF0000, v11;
	v37 =	vld [tilespmem:$0x1FEC0]  }
0x207: {  	v41 =	vshll.u32 v62, $0x10;
	v31 =	vand.u32 $0xFFFF0000, v62;
	v62 =	vshll.u32 v11, $0x10;
	v11 =	vld [tilespmem:s29+$0x30]  }
0x208: {  	[tilespmem:$0x1FEA0] =	vst v6;
	v6 =	vmul.f32 v51, v46;
	v51 =	vld [tilespmem:s29+$0x40]  }
0x209: {  	v24 =	vshrl.u32 v8, $0x10;
	v41 =	vmul.f32 v41, v30;
	v8 =	vmul.f32 v58, v32;
	v58 =	vld [tilespmem:s29+$0x60]  }
0x20a: {  	[tilespmem:v25+s21+$0x0] =	vst.idx.add.f32.msk $0xffff, v6  }
0x20b: {  	v52 =	vmul.f32 v52, v46;
	[tilespmem:v0+s23+$0x0] =	vst.idx.add.f32.msk $0xffff, v41  }
0x20c: {  	v41 =	vld [tilespmem:s29+$0xFFFFFFC0]  }
0x20d: {  	[tilespmem:v25+s22+$0x0] =	vst.idx.add.f32.msk $0xffff, v52  }
0x20e: {  	v30 =	vmul.f32 v31, v30;
	[tilespmem:v24+s21+$0x0] =	vst.idx.add.f32.msk $0xffff, v8  }
0x20f: {  	v52 =	vld [tilespmem:$0x1FEF0]  }
0x210: {  	[tilespmem:v0+s24+$0x0] =	vst.idx.add.f32.msk $0xffff, v30;
	v30 =	vmul.f32 v4, v45  }
0x211: {  	v0 =	vmul.f32 v7, v45;
	v7 =	vmul.f32 v53, v47;
	v53 =	vld [tilespmem:s29+$0x50]  }
0x212: {  	[tilespmem:$0x1FF40] =	vst v61;
	v5 =	vld.idx.msk [tilespmem:v49+s17+$0x0], $0xffff  }
0x213: {  	[tilespmem:v18+s21+$0x0] =	vst.idx.add.f32.msk $0xffff, v30  }
0x214: {  	v61 =	vand.u32 $0xFFFF0000, v10;
	v60 =	vshll.u32 v10, $0x10;
	[tilespmem:v28+s21+$0x0] =	vst.idx.add.f32.msk $0xffff, v7  }
0x215: {  	v54 =	vmul.f32 v54, v47;
	v31 =	vshll.u32 v57, $0x10;
	v57 =	vand.u32 $0xFFFF0000, v57;
	v3 =	vld.idx.msk [tilespmem:v37+s17+$0x0], $0xffff  }
0x216: {  	v10 =	vshll.u32 v55, $0x10;
	v35 =	vmul.f32 v63, v11;
	v63 =	vmul.f32 v57, v58;
	v57 =	vld [tilespmem:$0x1FF10]  }
0x217: {  	v10 =	vmul.f32 v10, v51;
	[tilespmem:v18+s22+$0x0] =	vst.idx.add.f32.msk $0xffff, v0  }
0x218: {  	[tilespmem:v28+s22+$0x0] =	vst.idx.add.f32.msk $0xffff, v54  }
0x219: {  	v48 =	vshll.u32 v36, $0x10;
	v30 =	vmul.f32 v59, v32;
	[tilespmem:v17+s21+$0x0] =	vst.idx.add.f32.msk $0xffff, v10  }
0x21a: {  	v31 =	vmul.f32 v31, v58;
	v4 =	vmul.f32 v48, v41;
	v48 =	vld [tilespmem:s29+$0x20]  }
0x21b: {  	[tilespmem:v24+s22+$0x0] =	vst.idx.add.f32.msk $0xffff, v30  }
0x21c: {  	[tilespmem:v20+s21+$0x0] =	vst.idx.add.f32.msk $0xffff, v31  }
0x21d: {  	v34 =	vld.idx.msk [tilespmem:v38+s17+$0x0], $0xffff  }
0x21e: {  	v36 =	vand.u32 $0xFFFF0000, v36;
	v38 =	vld [tilespmem:$0x1FED0]  }
0x21f: {  	v9 =	vshll.u32 v56, $0x10;
	v36 =	vmul.f32 v36, v41;
	[tilespmem:v20+s22+$0x0] =	vst.idx.add.f32.msk $0xffff, v63  }
0x220: {  	v9 =	vmul.f32 v9, v53;
	[tilespmem:v15+s21+$0x0] =	vst.idx.add.f32.msk $0xffff, v4  }
0x221: {  	[tilespmem:v15+s22+$0x0] =	vst.idx.add.f32.msk $0xffff, v36  }
0x222: {  	[tilespmem:v19+s21+$0x0] =	vst.idx.add.f32.msk $0xffff, v9  }
0x223: {  	v36 =	vld [tilespmem:$0x1FEB0]  }
0x224: {  	v55 =	vand.u32 $0xFFFF0000, v55;
	v7 =	vld.idx.msk [tilespmem:v52+s17+$0x0], $0xffff  }
0x225: {  	v0 =	vmul.f32 v61, v48;
	v61 =	vmul.f32 v55, v51;
	v55 =	vld [tilespmem:$0x1FF00]  }
0x226: {  	v59 =	vmul.f32 v60, v48;
	v50 =	vshll.u32 v34, $0x10;
	v30 =	vld.idx.msk [tilespmem:v57+s17+$0x0], $0xffff  }
0x227: {  	v60 =	vmul.f32 v62, v11;
	v6 =	vmul.f32 v50, v45;
	v50 =	vld [tilespmem:$0x1FF40]  }
0x228: {  	v56 =	vand.u32 $0xFFFF0000, v56;
	[tilespmem:v22+s21+$0x0] =	vst.idx.add.f32.msk $0xffff, v59  }
0x229: {  	v62 =	vmul.f32 v56, v53;
	[tilespmem:v16+s21+$0x0] =	vst.idx.add.f32.msk $0xffff, v60  }
0x22a: {  	[tilespmem:v17+s22+$0x0] =	vst.idx.add.f32.msk $0xffff, v61  }
0x22b: {  	[tilespmem:v19+s22+$0x0] =	vst.idx.add.f32.msk $0xffff, v62  }
0x22c: {  	v60 =	vld [tilespmem:$0x1FF20]  }
0x22d: {  	v62 =	vld [tilespmem:$0x1FF30]  }
0x22e: {  	[tilespmem:v22+s22+$0x0] =	vst.idx.add.f32.msk $0xffff, v0  }
0x22f: {  	[tilespmem:v16+s22+$0x0] =	vst.idx.add.f32.msk $0xffff, v35  }
0x230: {  	v35 =	vld [tilespmem:$0x1FEA0]  }
0x231: {  	v4 =	vld.idx.msk [tilespmem:v38+s17+$0x0], $0xffff  }
0x232: {  	v26 =	vld.idx.msk [tilespmem:v26+s17+$0x0], $0xffff  }
0x233: {  	v59 =	vshll.u32 v3, $0x10;
	v27 =	vld.idx.msk [tilespmem:v27+s17+$0x0], $0xffff  }
0x234: {  	v63 =	vshll.u32 v5, $0x10;
	v31 =	vmul.f32 v59, v42;
	[tilespmem:v18+s23+$0x0] =	vst.idx.add.f32.msk $0xffff, v6  }
0x235: {  	v59 =	vmul.f32 v63, v40;
	v29 =	vld.idx.msk [tilespmem:v29+s17+$0x0], $0xffff  }
0x236: {  	v0 =	vand.u32 $0xFFFF0000, v34;
	[tilespmem:v12+s23+$0x0] =	vst.idx.add.f32.msk $0xffff, v31  }
0x237: {  	v3 =	vand.u32 $0xFFFF0000, v3;
	v0 =	vmul.f32 v0, v45;
	[tilespmem:v21+s23+$0x0] =	vst.idx.add.f32.msk $0xffff, v59  }
0x238: {  	v3 =	vmul.f32 v3, v42;
	v2 =	vld.idx.msk [tilespmem:v36+s17+$0x0], $0xffff  }
0x239: {  	v37 =	vshll.u32 v7, $0x10;
	[tilespmem:v18+s24+$0x0] =	vst.idx.add.f32.msk $0xffff, v0  }
0x23a: {  	v36 =	vmul.f32 v37, v39;
	[tilespmem:v12+s24+$0x0] =	vst.idx.add.f32.msk $0xffff, v3  }
0x23b: {  	v9 =	vld.idx.msk [tilespmem:v55+s17+$0x0], $0xffff  }
0x23c: {  	[tilespmem:v23+s23+$0x0] =	vst.idx.add.f32.msk $0xffff, v36  }
0x23d: {  	v61 =	vshll.u32 v4, $0x10;
	v33 =	vld.idx.msk [tilespmem:v60+s17+$0x0], $0xffff  }
0x23e: {  	v5 =	vand.u32 $0xFFFF0000, v5;
	v52 =	vmul.f32 v61, v41;
	v1 =	vld.idx.msk [tilespmem:v35+s17+$0x0], $0xffff  }
0x23f: {  	v7 =	vand.u32 $0xFFFF0000, v7;
	v61 =	vmul.f32 v5, v40;
	v35 =	vld.idx.msk [tilespmem:v62+s17+$0x0], $0xffff  }
0x240: {  	v40 =	vmul.f32 v7, v39;
	[tilespmem:v15+s23+$0x0] =	vst.idx.add.f32.msk $0xffff, v52  }
0x241: {  	v4 =	vand.u32 $0xFFFF0000, v4;
	[tilespmem:v21+s24+$0x0] =	vst.idx.add.f32.msk $0xffff, v61  }
0x242: {  	v55 =	vmul.f32 v4, v41;
	v56 =	vshll.u32 v2, $0x10;
	v2 =	vand.u32 $0xFFFF0000, v2;
	[tilespmem:v23+s24+$0x0] =	vst.idx.add.f32.msk $0xffff, v40  }
0x243: {  	v10 =	vmul.f32 v56, v43;
	v2 =	vmul.f32 v2, v43;
	v43 =	vld.idx.msk [tilespmem:v50+s17+$0x0], $0xffff  }
0x244: {  	[tilespmem:v15+s24+$0x0] =	vst.idx.add.f32.msk $0xffff, v55;
	v45 =	vshll.u32 v9, $0x10  }
0x245: {  	v49 =	vshll.u32 v30, $0x10;
	v9 =	vand.u32 $0xFFFF0000, v9;
	[tilespmem:v13+s23+$0x0] =	vst.idx.add.f32.msk $0xffff, v10;
	v45 =	vmul.f32 v45, v46  }
0x246: {  	v9 =	vmul.f32 v9, v46;
	v46 =	vmul.f32 v49, v47;
	[tilespmem:v13+s24+$0x0] =	vst.idx.add.f32.msk $0xffff, v2  }
0x247: {  	v30 =	vand.u32 $0xFFFF0000, v30;
	[tilespmem:v25+s23+$0x0] =	vst.idx.add.f32.msk $0xffff, v45  }
0x248: {  	v49 =	vmul.f32 v30, v47;
	v54 =	vshll.u32 v1, $0x10;
	[tilespmem:v28+s23+$0x0] =	vst.idx.add.f32.msk $0xffff, v46  }
0x249: {  	v62 =	vshll.u32 v26, $0x10;
	v57 =	vand.u32 $0xFFFF0000, v35;
	v8 =	vmul.f32 v54, v44;
	[tilespmem:v25+s24+$0x0] =	vst.idx.add.f32.msk $0xffff, v9  }
0x24a: {  	v1 =	vand.u32 $0xFFFF0000, v1;
	v55 =	vmul.f32 v57, v48;
	v57 =	vmul.f32 v62, v51;
	[tilespmem:v28+s24+$0x0] =	vst.idx.add.f32.msk $0xffff, v49  }
0x24b: {  	v1 =	vmul.f32 v1, v44;
	v54 =	vshll.u32 v33, $0x10;
	[tilespmem:v14+s23+$0x0] =	vst.idx.add.f32.msk $0xffff, v8  }
0x24c: {  	v56 =	vshll.u32 v35, $0x10;
	v50 =	vmul.f32 v54, v32;
	[tilespmem:v17+s23+$0x0] =	vst.idx.add.f32.msk $0xffff, v57  }
0x24d: {  	v60 =	vshll.u32 v29, $0x10;
	v54 =	vmul.f32 v56, v48;
	[tilespmem:v14+s24+$0x0] =	vst.idx.add.f32.msk $0xffff, v1  }
0x24e: {  	v63 =	vand.u32 $0xFFFF0000, v26;
	v56 =	vmul.f32 v60, v11;
	[tilespmem:v24+s23+$0x0] =	vst.idx.add.f32.msk $0xffff, v50  }
0x24f: {  	v37 =	vshll.u32 v27, $0x10;
	v59 =	vmul.f32 v63, v51;
	[tilespmem:v22+s23+$0x0] =	vst.idx.add.f32.msk $0xffff, v54  }
0x250: {  	v41 =	vshll.u32 v43, $0x10;
	v60 =	vmul.f32 v37, v53;
	[tilespmem:v16+s23+$0x0] =	vst.idx.add.f32.msk $0xffff, v56  }
0x251: {  	v33 =	vand.u32 $0xFFFF0000, v33;
	v62 =	vmul.f32 v41, v58;
	[tilespmem:v17+s24+$0x0] =	vst.idx.add.f32.msk $0xffff, v59  }
0x252: {  	s30 =	sadd.s32 $0x10, s30;
	v52 =	vmul.f32 v33, v32;
	[tilespmem:v19+s23+$0x0] =	vst.idx.add.f32.msk $0xffff, v60  }
0x253: {  	p0 =	slt.u32 s30, $0x180;
	v29 =	vand.u32 $0xFFFF0000, v29;
	[tilespmem:v20+s23+$0x0] =	vst.idx.add.f32.msk $0xffff, v62  }
.Ltmp2:
0x254: {  	v27 =	vand.u32 $0xFFFF0000, v27;
	v11 =	vmul.f32 v29, v11;
	[tilespmem:v24+s24+$0x0] =	vst.idx.add.f32.msk $0xffff, v52;
	(pc) =	sbr.rel @p0 .LBB2_7-.Ltmp2, $4  }
0x255: {  	v61 =	vmul.f32 v27, v53;
	v44 =	vand.u32 $0xFFFF0000, v43;
	[tilespmem:v22+s24+$0x0] =	vst.idx.add.f32.msk $0xffff, v55  }
0x256: {  	v63 =	vmul.f32 v44, v58;
	[tilespmem:v16+s24+$0x0] =	vst.idx.add.f32.msk $0xffff, v11  }
0x257: {  	[tilespmem:v19+s24+$0x0] =	vst.idx.add.f32.msk $0xffff, v61  }
0x258: {  	s31 =	sadd.s32 $0x100, s31;
	[tilespmem:v20+s24+$0x0] =	vst.idx.add.f32.msk $0xffff, v63  }
0x259: {  	s28 =	sadd.s32 $0x1, s28  }
0x25a: {  	p0 =	sne.s32 s28, $0x19  }
.Ltmp3:
0x25b: {  	_ = 	snop;
	(pc) =	sbr.rel @p0 .LBB2_4-.Ltmp3, $1  }
0x25c: {  	_ =	sdelay $0x3  }
0x25d: {  	_ =	swait.ge [sflag:s20], $0x1900  }
0x25e: {  	[sflag:s20] =	ssyncset.done $0x0  }
0x25f: {  	[sflag:s20] =	ssyncadd.s32 $0xFFFFE700  }
0x260: {  	_ =	swait.ge [sflag:s20], $0x1900  }
0x261: {  	[sflag:s20] =	ssyncset.done $0x0  }
0x262: {  	[sflag:s20] =	ssyncadd.s32 $0xFFFFE700  }
0x263: {  	[hbm4b:s7+s14] =	stream.strided.scatter [tilespmem:s21], [sflag:$0x3], $0x2780, s15, s14, $0x38;
	[tilespmem:$0x15100] =	vst v63  }
0x264: {  	_ =	swait.ge [sflag:s16], $0x2780  }
0x265: {  	[sflag:s16] =	ssyncset.done $0x0  }
0x266: {  	[sflag:s16] =	ssyncadd.s32 $0xFFFFD880  }
0x267: {  	[hbm4b:s8+s14] =	stream.strided.scatter [tilespmem:s22], [sflag:$0x3], $0x2780, s15, s14, $0x38;
	[tilespmem:$0x15100] =	vst v63  }
0x268: {  	_ =	swait.ge [sflag:s16], $0x2780  }
0x269: {  	[sflag:s16] =	ssyncset.done $0x0  }
0x26a: {  	[sflag:s16] =	ssyncadd.s32 $0xFFFFD880  }
0x26b: {  	[hbm4b:s9+s14] =	stream.strided.scatter [tilespmem:s23], [sflag:$0x3], $0x2780, s15, s14, $0x38;
	[tilespmem:$0x15100] =	vst v63  }
0x26c: {  	s26 =	sadd.s32 $0x1, s26;
	_ =	swait.ge [sflag:s16], $0x2780  }
0x26d: {  	p0 =	sne.s32 s26, s11;
	[sflag:s16] =	ssyncset.done $0x0  }
.Ltmp4:
0x26e: {  	[sflag:s16] =	ssyncadd.s32 $0xFFFFD880;
	(pc) =	sbr.rel @p0 .LBB2_1-.Ltmp4, $4  }
0x26f: {  	[hbm4b:s10+s14] =	stream.strided.scatter [tilespmem:s24], [sflag:$0x3], $0x2780, s15, s14, $0x38;
	[tilespmem:$0x15100] =	vst v63  }
0x270: {  	_ =	swait.ge [sflag:s16], $0x2780  }
0x271: {  	[sflag:s16] =	ssyncset.done $0x0  }
0x272: {  	v0 =	vimm.f32 $0.0e+00;
	[sflag:s16] =	ssyncadd.s32 $0xFFFFD880  }
0x273: {  	_ =	sfence.sel $0x180000  }
0x274: {  	[bflag:$0x0] =	sbarrier.arrive $0xFFFF  }
0x275: {  	p0 =	sne.s32 s3, $0x0;
	_ =	strace $0x9000004A  }
0x276: {  	s0 =	sadd.s32 @!p0 $0x100000, s0;
	[bflag:$0x2] =	sbarrier.arrive $0xFFFF  }
0x277: {  	[sflag:s0] =	ssyncadd.tile.s32 @!p0 $0x1;
	_ =	shalt  }
.Lfunc_end2:
_tile_overlayer_lowered:
.L_overlay_start_2:
0x278: {  	(tag) =	ssettag $0x2  }
0x279: {  	s0 =	rddreg [dreg:$0x0];
	s2 =	stileid.u32  }
0x27a: {  	s1 =	rddreg [dreg:$0x1];
	p0 =	sne.s32 s2, $0x0  }
0x27b: {  	s3 =	rddreg [dreg:$0x2];
	[bflag:$0x3] =	sbarrier.arrive $0xFFFF;
	s2 =	simm.s32 @!p0 $0x1C03  }
0x27c: {  	[timem:s3], [sflag:s2] =	dma.local @!p0 [hbm:s0], s1  }
0x27d: {  	s0 =	simm.s32 @!p0 $0x3  }
0x27e: {  	_ =	swait.ge @!p0 [sflag:s0], s1  }
0x27f: {  	s1 =	ssub.s32 @!p0 $0x0, s1;
	[sflag:s0] =	ssyncset.done @!p0 $0x0  }
0x280: {  	[sflag:s0] =	ssyncadd.s32 @!p0 s1  }
0x281: {  	[bflag:$0x3] =	sbarrier.arrive $0xFFFF  }
0x282: {  	_ =	shalt  }

// kernel: kernel.14.cloned.1.call-start
scs
__scs_entry_jumppad:
0x0: {  	(pc) =	sbr.rel $0x88, $3  }
0x1: {  	(tag) =	ssettag $0x0;
	lr =	simm.s32 $0x1  }
0x2: {  	[smem:$0x3F9A] =	sst lr;
	_ =	strace $0xD0000000  }
0x3: {  	_ = 	snop  }
0x4: {  	_ = 	snop  }
0x5: {  	_ = 	snop  }
0x6: {  	_ = 	snop  }
0x7: {  	_ = 	snop  }
__scs_overlays_trampoline_lowered:
0x8: {  	[smem:$0x3FA9] =	sst s0  }
0x9: {  	[smem:$0x3FAA] =	sst s1  }
0xa: {  	[smem:$0x3FAB] =	sst s2  }
0xb: {  	[smem:$0x3FAC] =	sst s3  }
0xc: {  	[smem:$0x3FAD] =	sst s4  }
0xd: {  	[smem:$0x3FAE] =	sst s5  }
0xe: {  	[smem:$0x3FAF] =	sst s6  }
0xf: {  	[smem:$0x3FB0] =	sst s7  }
0x10: {  	[smem:$0x3FB1] =	sst s8  }
0x11: {  	[smem:$0x3FB2] =	sst s9;
	s0 =	simm.s32 @!p0 $0x0  }
0x12: {  	s1 =	sld [smem:$0x3F98];
	s0 =	simm.s32 @p0 $0x1  }
0x13: {  	[smem:$0x3FB3] =	sst s0;
	s0 =	simm.s32 @!p1 $0x0  }
0x14: {  	s2 =	sld [smem:$0x3F97];
	s0 =	simm.s32 @p1 $0x1  }
0x15: {  	[smem:$0x3FB4] =	sst s0;
	s0 =	simm.s32 @!p2 $0x0  }
0x16: {  	s3 =	sld [smem:$0x3FDB];
	s0 =	simm.s32 @p2 $0x1  }
0x17: {  	s4 =	simm.s32 $0x1BF5;
	[smem:$0x3FB6] =	sst s0  }
0x18: {  	s0 =	sld [smem:$0x3F99];
	_ =	swait.ge [sflag:s4], $0x0  }
0x19: {  	s7 =	sld [smem:$0x3F9A]  }
0x1a: {  	s8 =	sadd.s32 $0xFFFFE003, lr  }
0x1b: {  	s9 =	sadd.s32 $0xFFFFFEF7, lr;
	s5 =	simm.s32 $0xFFFFFFFF;
	p2 =	slt.u32 s8, $0xFFFFF086  }
0x1c: {  	p1 =	slt.u32 s9, $0xF7A;
	s5 =	simm.s32 @!p2 $0x0  }
0x1d: {  	s5 =	simm.s32 @p1 $0x1;
	p0 =	seq.s32 s7, s2  }
0x1e: {  	s7 =	smul.u32 @!p0 $0xF7A, s2;
	p2 =	seq.s32 @!p0 s5, $0x0  }
0x1f: {  	s9 =	smul.u32 $0xF7A, s1;
	s8 =	simm.s32 @!p0 $0x1BF5;
	p2 =	por !p2, p0  }
0x20: {  	[sflag:s8] =	ssyncset.s32 @!p0 $0xFFFFF086;
	s6 =	sadd.s32 @!p0 s3, s7;
	s7 =	simm.s32 @!p0 $0x108  }
0x21: {  	s3 =	sadd.s32 s3, s9;
	s6 =	sadd.s32 @!p0 $0x88, s6;
	s7 =	simm.s32 @p2 $0x1082  }
0x22: {  	[simem:s7], [sflag:s8] =	dma.local @!p0 [hbm:s6], $0xF7A  }
0x23: {  	s9 =	sor.u32 $0xD0000000, s2;
	s6 =	simm.s32 $0x108;
	_ =	swait.ge @!p0 [sflag:s8], $0x0  }
0x24: {  	s3 =	sadd.s32 $0x88, s3;
	s6 =	simm.s32 @!p1 $0x1082;
	[sflag:s4] =	ssyncset.s32 $0xFFFFF086  }
0x25: {  	[simem:s6], [sflag:s4] =	dma.local [hbm:s3], $0xF7A  }
0x26: {  	[smem:$0x3F9A] =	sst s1;
	(tag) =	ssettag s2;
	_ =	strace s9  }
0x27: {  	s1 =	sld [smem:$0x3FAA]  }
0x28: {  	s2 =	sld [smem:$0x3FAB]  }
0x29: {  	s4 =	sld [smem:$0x3FAD]  }
0x2a: {  	p0 =	seq.s32 s5, $0x0;
	s5 =	sld [smem:$0x3FAE]  }
0x2b: {  	s6 =	sld [smem:$0x3FAF]  }
0x2c: {  	s7 =	sld [smem:$0x3FB0]  }
0x2d: {  	s3 =	simm.s32 $0x108;
	s8 =	sld [smem:$0x3FB1]  }
0x2e: {  	s3 =	simm.s32 @!p0 $0x1082;
	s9 =	sld [smem:$0x3FB2]  }
0x2f: {  	lr =	sadd.s32 s0, s3;
	s0 =	sld [smem:$0x3FA9]  }
0x30: {  	s3 =	sld [smem:$0x3FAC]  }
0x31: {  	[smem:$0x3FB5] =	sst s10  }
0x32: {  	s10 =	sld [smem:$0x3FB3];
	_ =	sdelay $0x3  }
0x33: {  	p0 =	seq.s32 s10, $0x1;
	s10 =	sld [smem:$0x3FB5];
	_ =	sdelay $0x3  }
0x34: {  	[smem:$0x3FB5] =	sst s10  }
0x35: {  	s10 =	sld [smem:$0x3FB4];
	_ =	sdelay $0x3  }
0x36: {  	p1 =	seq.s32 s10, $0x1;
	s10 =	sld [smem:$0x3FB5];
	_ =	sdelay $0x3  }
0x37: {  	[smem:$0x3FB5] =	sst s10  }
0x38: {  	s10 =	sld [smem:$0x3FB6]  }
0x39: {  	_ = 	snop;
	(pc) =	sbr.ind lr, $3  }
0x3a: {  	_ = 	snop  }
0x3b: {  	_ = 	snop  }
0x3c: {  	p2 =	seq.s32 s10, $0x1;
	s10 =	sld [smem:$0x3FB5]  }
0x3d: {  	_ =	shalt  }
0x3e: {  	_ =	shalt  }
0x3f: {  	_ =	shalt  }
0x40: {  	_ =	shalt  }
0x41: {  	_ =	shalt  }
0x42: {  	_ =	shalt  }
0x43: {  	_ =	shalt  }
0x44: {  	_ =	shalt  }
0x45: {  	_ =	shalt  }
0x46: {  	_ =	shalt  }
0x47: {  	_ =	shalt  }
0x48: {  	_ =	shalt  }
0x49: {  	_ =	shalt  }
0x4a: {  	_ =	shalt  }
0x4b: {  	_ =	shalt  }
0x4c: {  	_ =	shalt  }
0x4d: {  	_ =	shalt  }
0x4e: {  	_ =	shalt  }
0x4f: {  	_ =	shalt  }
0x50: {  	_ =	shalt  }
0x51: {  	_ =	shalt  }
0x52: {  	_ =	shalt  }
0x53: {  	_ =	shalt  }
0x54: {  	_ =	shalt  }
0x55: {  	_ =	shalt  }
0x56: {  	_ =	shalt  }
0x57: {  	_ =	shalt  }
0x58: {  	_ =	shalt  }
0x59: {  	_ =	shalt  }
0x5a: {  	_ =	shalt  }
0x5b: {  	_ =	shalt  }
0x5c: {  	_ =	shalt  }
0x5d: {  	_ =	shalt  }
0x5e: {  	_ =	shalt  }
0x5f: {  	_ =	shalt  }
0x60: {  	_ =	shalt  }
0x61: {  	_ =	shalt  }
0x62: {  	_ =	shalt  }
0x63: {  	_ =	shalt  }
0x64: {  	_ =	shalt  }
0x65: {  	_ =	shalt  }
0x66: {  	_ =	shalt  }
0x67: {  	_ =	shalt  }
0x68: {  	_ =	shalt  }
0x69: {  	_ =	shalt  }
0x6a: {  	_ =	shalt  }
0x6b: {  	_ =	shalt  }
0x6c: {  	_ =	shalt  }
0x6d: {  	_ =	shalt  }
0x6e: {  	_ =	shalt  }
0x6f: {  	_ =	shalt  }
0x70: {  	_ =	shalt  }
0x71: {  	_ =	shalt  }
0x72: {  	_ =	shalt  }
0x73: {  	_ =	shalt  }
0x74: {  	_ =	shalt  }
0x75: {  	_ =	shalt  }
0x76: {  	_ =	shalt  }
0x77: {  	_ =	shalt  }
0x78: {  	_ =	shalt  }
0x79: {  	_ =	shalt  }
0x7a: {  	_ =	shalt  }
0x7b: {  	_ =	shalt  }
0x7c: {  	_ =	shalt  }
0x7d: {  	_ =	shalt  }
0x7e: {  	_ =	shalt  }
0x7f: {  	_ =	shalt  }
0x80: {  	_ =	shalt  }
0x81: {  	_ =	shalt  }
0x82: {  	_ =	shalt  }
0x83: {  	_ =	shalt  }
0x84: {  	_ =	shalt  }
0x85: {  	_ =	shalt  }
0x86: {  	_ =	shalt  }
0x87: {  	_ =	shalt  }
.Lfunc_end0:
.L_simem_size_0:
called_computation.2_lowered:
.L_overlay_start_0:
0x88: {  	s2 =	sld [smem:$0x3FD9]  }
0x89: {  	s3 =	sld [smem:$0x3FFE];
	_ =	sdelay $0x1  }
0x8a: {  	s1 =	srdreg.scid  }
0x8b: {  	s0 =	sand.u32 $0x1, s1  }
0x8c: {  	s17 =	sshll.u32 s0, $0xA;
	s2 =	sadd.s32 s3, s2  }
0x8d: {  	s2 =	sadd.s32 s2, s17  }
0x8e: {  	[smem:$0x3FC1] =	sst s2  }
0x8f: {  	_ = 	snop  }
0x90: {  	s2 =	sld [smem:$0x3FC7];
	(tm) =	ssettm $0x1  }
0x91: {  	s18 =	sld [smem:$0x3FFB];
	_ =	sdelay $0x3  }
0x92: {  	_ =	strace s18  }
0x93: {  	s3 =	sld [smem:$0x3FFC];
	_ =	sdelay $0x3  }
0x94: {  	_ =	strace s3  }
0x95: {  	s3 =	sld [smem:$0x3FFD];
	_ =	sdelay $0x3  }
0x96: {  	_ =	strace s3  }
0x97: {  	_ =	strace $0x8FFFFFFF  }
0x98: {  	s19 =	sld [smem:$0x3FDB];
	_ =	sdelay $0x1  }
0x99: {  	s4 =	simm.s32 $_scs_section_size  }
0x9a: {  	s5 =	simm.s32 $_size__tile_overlayer_lowered;
	s6 =	simm.s32 $_tile_overlayer_lowered  }
0x9b: {  	s22 =	simm.s32 $0x1BFF;
	s21 =	sshll.u32 s6, $0x1;
	s3 =	sadd.s32 s4, s19  }
0x9c: {  	s7 =	simm.s32 $0x0;
	s20 =	sshll.u32 s5, $0x1;
	s5 =	sadd.s32 s21, s3  }
0x9d: {  	[timem:s7], [sflag:s22] =	dma.local [hbm:s5], s20  }
0x9e: {  	_ =	swait.ge [sflag:s22], s20  }
0x9f: {  	s4 =	ssub.s32 $0x0, s20;
	[sflag:s22] =	ssyncset.done $0x0  }
0xa0: {  	[sflag:s22] =	ssyncadd.s32 s4;
	_ =	sdelay $0x1  }
0xa1: {  	s23 =	simm.s32 $0x1B8B  }
0xa2: {  	_ =	swait.ge [sflag:s23], $0x1  }
0xa3: {  	[sflag:s23] =	ssyncset.done $0x0  }
0xa4: {  	s25 =	simm.s32 $0x1B8E;
	s24 =	sld [smem:$0x3FFE];
	[sflag:s23] =	ssyncadd.s32 $0xFFFFFFFF  }
0xa5: {  	s26 =	simm.s32 $execute0_lowered;
	[smem:$0x3FD2] =	sst s25  }
0xa6: {  	s5 =	sshll.u32 s26, $0x1;
	_ =	strace $0x8000004C;
	[dreg:$0x1] =	wrdreg $0xFFFFFFFF  }
0xa7: {  	s28 =	simm.s32 $_size_execute0_lowered;
	s3 =	sadd.s32 s3, s5;
	[dreg:$0x0] =	wrdreg $0x0  }
0xa8: {  	s5 =	sshll.u32 s28, $0x1;
	[dreg:$0x2] =	wrdreg s3  }
0xa9: {  	[dreg:$0x3] =	wrdreg s5  }
0xaa: {  	[dreg:$0x4] =	wrdreg $0xC0  }
0xab: {  	_ =	task [dreg:s7], $0x5FFFF  }
0xac: {  	[dreg:$0x1] =	wrdreg $0xFFFFFFFF  }
0xad: {  	[dreg:$0x0] =	wrdreg $0x60  }
0xae: {  	[dreg:$0x2] =	wrdreg s24  }
0xaf: {  	[dreg:$0x3] =	wrdreg s2  }
0xb0: {  	[dreg:$0x4] =	wrdreg $0x9  }
0xb1: {  	_ =	task.clear_ibuf [dreg:s7], $0x5FFFF;
	_ =	strace $0x9000004C  }
0xb2: {  	s29 =	simm.s32 $0x9;
	_ =	strace $0x8000004E  }
0xb3: {  	_ =	swait.ge [sflag:s29], $0x1  }
0xb4: {  	[sflag:s29] =	ssyncadd.s32 $0xFFFFFFFF  }
0xb5: {  	_ =	strace $0x9000004E  }
0xb6: {  	_ =	sfence  }
0xb7: {  	s30 =	sld [smem:$0x0];
	_ =	sdelay $0x2  }
0xb8: {  	s31 =	sshll.u32 s1, $0xD;
	s1 =	sshrl.u32 s1, $0x2  }
0xb9: {  	s3 =	sand.u32 $0x4000, s31;
	s1 =	sadd.s32 s1, s30  }
0xba: {  	s0 =	sor.u32 s3, s0;
	s1 =	sshll.u32 s1, $0x11  }
0xbb: {  	s0 =	sor.u32 s1, s0  }
0xbc: {  	s0 =	sadd.s32 $0x8F2B, s0  }
0xbd: {  	[sflag:s0] =	ssyncadd.remote.s32 $0x1  }
0xbe: {  	_ =	sfence.sel $0xFFFF  }
0xbf: {  	[dreg:$0x0] =	wrdreg $0xFFFFFFFF;
	(pc) =	sbr.abs _section_cstart, $3  }
0xc0: {  	[dreg:$0x1] =	wrdreg $0xFFFFFFFF  }
0xc1: {  	_ =	task.clear_ibuf [dreg:s7], $0x2FFFF;
	_ =	strace $0x9FFFFFFF  }
0xc2: {  	(tm) =	ssettm $0x7FFFFFFF  }
0xc3: {  	_ =	shalt  }
tec
execute0_lowered:
.L_overlay_start_1:
0x0: {  	(tag) =	ssettag $0x1  }
0x1: {  	s4 =	rddreg [dreg:$0x0];
	s1 =	srdreg.scid  }
0x2: {  	s0 =	stileid.u32;
	s5 =	rddreg [dreg:$0x1];
	s11 =	simm.s32 $0x7680  }
0x3: {  	s12 =	simm.s32 $0x80;
	s13 =	simm.s32 $0x400;
	s14 =	simm.s32 $0x0  }
0x4: {  	s6 =	sand.u32 $0x1, s1;
	s2 =	sshll.u32 s0, $0x1;
	s1 =	rddreg [dreg:$0x2]  }
0x5: {  	s7 =	sshrl.u32 s0, $0x2;
	s3 =	sor.u32 s6, s2;
	s2 =	simm.s32 $0x0  }
0x6: {  	s7 =	smul.u32 $0x13C00, s7;
	s6 =	ssub.s32 $0x2, s6;
	s8 =	sshll.u32 s3, $0x7  }
0x7: {  	[smem:$0x7FF] =	sst s2;
	s9 =	smul.u32 $0x4E2, s3;
	s3 =	sadd.s32 $0xB200, s4  }
0x8: {  	s31 =	sshrl.u32 s6, $0x1;
	s8 =	sand.u32 $0x380, s8;
	_ =	strace $0x8000004D  }
0x9: {  	s10 =	ssub.s32 s6, s31;
	s7 =	sor.u32 s7, s8;
	s30 =	sadd.s32 s9, s4  }
0xa: {  	s5 =	sadd.s32 s5, s9;
	s8 =	simm.s32 $0x1;
	s7 =	sshrl.u32 s7, $0x3  }
0xb: {  	s9 =	simm.s32 $0x2780;
	s7 =	sadd.s32 s7, s4;
	s4 =	sadd.s32 $0x1400, s30  }
0xc: {  	v0 =	vimm.f32 $0.0e+00;
	s6 =	sadd.s32 $0xB800, s7;
	s7 =	smax.u32 s10, $0x1;
	s10 =	simm.s32 $0x4F00  }
.LBB2_1:
0xd: {  	[tilespmem:s2], [sflag:$0x1] =	stream.linear.gather [hbm4b:s3+s2], $0x2780, $0x38;
	[tilespmem:$0x9E00] =	vst v63  }
0xe: {  	_ =	swait.ge [sflag:s8], $0x2780  }
0xf: {  	[sflag:s8] =	ssyncset.done $0x0  }
0x10: {  	[sflag:s8] =	ssyncadd.s32 $0xFFFFD880  }
0x11: {  	[tilespmem:s9], [sflag:$0x1] =	stream.linear.gather [hbm4b:s4+s2], $0x2710, $0x38;
	[tilespmem:$0x9E00] =	vst v63  }
0x12: {  	_ =	swait.ge [sflag:s8], $0x2710  }
0x13: {  	[sflag:s8] =	ssyncset.done $0x0  }
0x14: {  	[sflag:s8] =	ssyncadd.s32 $0xFFFFD8F0  }
0x15: {  	[tilespmem:s10], [sflag:$0x1] =	stream.linear.gather [hbm4b:s5+s2], $0x2710, $0x38;
	[tilespmem:$0x9E00] =	vst v63  }
0x16: {  	_ =	swait.ge [sflag:s8], $0x2710  }
0x17: {  	[sflag:s8] =	ssyncset.done $0x0  }
0x18: {  	s15 =	simm.s32 $0x0;
	[sflag:s8] =	ssyncadd.s32 $0xFFFFD8F0  }
.LBB2_2:
0x19: {  	p0 =	sne.s32 s15, $0x9C00  }
.Ltmp0:
0x1a: {  	_ = 	snop;
	(pc) =	sbr.rel @p0 .LBB2_2-.Ltmp0, $3  }
0x1b: {  	_ =	sdelay $0x1  }
0x1c: {  	s16 =	sshra.s32 s15, $0x2  }
0x1d: {  	s15 =	sadd.s32 $0x40, s15;
	[tilespmem:s16+$0x7680] =	vst v0  }
0x1e: {  	s16 =	simm.s32 $0x2800  }
0x1f: {  	v1 =	vld [tilespmem:s16+$0x70]  }
0x20: {  	v2 =	vld [tilespmem:s16+$0xFFFFFF90]  }
0x21: {  	v3 =	vld [tilespmem:s16+$0xFFFFFFA0]  }
0x22: {  	v4 =	vld [tilespmem:s16+$0xFFFFFFB0]  }
0x23: {  	v5 =	vld [tilespmem:s16+$0xFFFFFFC0]  }
0x24: {  	v6 =	vld [tilespmem:s16+$0xFFFFFFD0]  }
0x25: {  	v8 =	vld [tilespmem:s16+$0xFFFFFFE0]  }
0x26: {  	v9 =	vld [tilespmem:s16+$0xFFFFFFF0]  }
0x27: {  	v10 =	vld [tilespmem:s16+$0x0]  }
0x28: {  	s15 =	simm.s32 $0x4F80;
	v11 =	vld [tilespmem:s16+$0x10]  }
0x29: {  	v12 =	vld [tilespmem:s15+$0x70]  }
0x2a: {  	v13 =	vld [tilespmem:s16+$0x20]  }
0x2b: {  	v14 =	vld [tilespmem:s16+$0x30]  }
0x2c: {  	v16 =	vld [tilespmem:s16+$0x40]  }
0x2d: {  	v18 =	vld [tilespmem:s16+$0x50]  }
0x2e: {  	v20 =	vld [tilespmem:s16+$0x60]  }
0x2f: {  	v21 =	vld [tilespmem:s16+$0xFFFFFF80]  }
0x30: {  	v31 =	vld [tilespmem:s15+$0xFFFFFF80]  }
0x31: {  	v32 =	vld [tilespmem:s15+$0xFFFFFF90]  }
0x32: {  	v33 =	vld [tilespmem:s15+$0xFFFFFFA0]  }
0x33: {  	v34 =	vld [tilespmem:s15+$0xFFFFFFB0]  }
0x34: {  	v35 =	vld [tilespmem:s15+$0xFFFFFFC0]  }
0x35: {  	v43 =	vld [tilespmem:s15+$0xFFFFFFD0]  }
0x36: {  	v44 =	vld [tilespmem:s15+$0xFFFFFFE0]  }
0x37: {  	v45 =	vld [tilespmem:s15+$0xFFFFFFF0]  }
0x38: {  	v46 =	vld [tilespmem:s15+$0x0]  }
0x39: {  	v48 =	vld [tilespmem:s15+$0x20];
	v7 =	vand.u32 $0xFFFF, v1  }
0x3a: {  	v49 =	vld [tilespmem:s15+$0x30];
	v15 =	vand.u32 $0xFFFF, v2  }
0x3b: {  	v50 =	vld [tilespmem:s15+$0x40];
	v17 =	vand.u32 $0xFFFF, v3  }
0x3c: {  	v53 =	vld [tilespmem:s15+$0x50];
	v19 =	vand.u32 $0xFFFF, v4  }
0x3d: {  	v54 =	vld [tilespmem:s15+$0x60];
	v22 =	vand.u32 $0xFFFF, v6  }
0x3e: {  	v42 =	vand.u32 $0xFFFF, v9;
	v7 =	vld.idx.msk [tilespmem:v7+s2+$0x0], $0xffff  }
0x3f: {  	v23 =	vand.u32 $0xFFFF, v10;
	v41 =	vld.idx.msk [tilespmem:v15+s2+$0x0], $0xffff  }
0x40: {  	v24 =	vand.u32 $0xFFFF, v21;
	v17 =	vld.idx.msk [tilespmem:v17+s2+$0x0], $0xffff  }
0x41: {  	v25 =	vand.u32 $0xFFFF, v11;
	v19 =	vld.idx.msk [tilespmem:v19+s2+$0x0], $0xffff  }
0x42: {  	v26 =	vand.u32 $0xFFFF, v13;
	v22 =	vld.idx.msk [tilespmem:v22+s2+$0x0], $0xffff  }
0x43: {  	v27 =	vand.u32 $0xFFFF, v14;
	v15 =	vld.idx.msk [tilespmem:v42+s2+$0x0], $0xffff  }
0x44: {  	v28 =	vand.u32 $0xFFFF, v16;
	v23 =	vld.idx.msk [tilespmem:v23+s2+$0x0], $0xffff  }
0x45: {  	v29 =	vand.u32 $0xFFFF, v18;
	v24 =	vld.idx.msk [tilespmem:v24+s2+$0x0], $0xffff  }
0x46: {  	v30 =	vand.u32 $0xFFFF, v20;
	v25 =	vld.idx.msk [tilespmem:v25+s2+$0x0], $0xffff  }
0x47: {  	v40 =	vand.u32 $0xFFFF, v5;
	v26 =	vld.idx.msk [tilespmem:v26+s2+$0x0], $0xffff  }
0x48: {  	v1 =	vshrl.u32 v1, $0x10;
	v27 =	vld.idx.msk [tilespmem:v27+s2+$0x0], $0xffff  }
0x49: {  	v21 =	vshrl.u32 v21, $0x10;
	v28 =	vld.idx.msk [tilespmem:v28+s2+$0x0], $0xffff  }
0x4a: {  	v3 =	vshrl.u32 v3, $0x10;
	v29 =	vld.idx.msk [tilespmem:v29+s2+$0x0], $0xffff  }
0x4b: {  	v4 =	vshrl.u32 v4, $0x10;
	v30 =	vld.idx.msk [tilespmem:v30+s2+$0x0], $0xffff;
	v7 =	vmul.f32 v7, v12  }
0x4c: {  	v9 =	vshrl.u32 v9, $0x10;
	v12 =	vld.idx.msk [tilespmem:v40+s2+$0x0], $0xffff;
	v24 =	vmul.f32 v24, v31  }
0x4d: {  	v47 =	vmul.f32 v17, v33;
	[tilespmem:v1+s11+$0x0] =	vst.idx.add.f32.msk $0xffff, v7;
	v1 =	vand.u32 $0xFFFF, v8  }
0x4e: {  	v10 =	vshrl.u32 v10, $0x10;
	v52 =	vmul.f32 v19, v34;
	[tilespmem:v21+s11+$0x0] =	vst.idx.add.f32.msk $0xffff, v24  }
0x4f: {  	v2 =	vshrl.u32 v2, $0x10;
	v57 =	vmul.f32 v15, v45;
	[tilespmem:v3+s11+$0x0] =	vst.idx.add.f32.msk $0xffff, v47  }
0x50: {  	[tilespmem:v4+s11+$0x0] =	vst.idx.add.f32.msk $0xffff, v52  }
0x51: {  	v58 =	vmul.f32 v23, v46;
	v3 =	vshrl.u32 v6, $0x10;
	[tilespmem:v9+s11+$0x0] =	vst.idx.add.f32.msk $0xffff, v57  }
0x52: {  	v56 =	vshrl.u32 v13, $0x10;
	v7 =	vmul.f32 v41, v32;
	v1 =	vld.idx.msk [tilespmem:v1+s2+$0x0], $0xffff  }
0x53: {  	v59 =	vshrl.u32 v18, $0x10;
	[tilespmem:v10+s11+$0x0] =	vst.idx.add.f32.msk $0xffff, v58  }
0x54: {  	v51 =	vshrl.u32 v8, $0x10;
	v22 =	vmul.f32 v22, v43;
	[tilespmem:v2+s11+$0x0] =	vst.idx.add.f32.msk $0xffff, v7  }
0x55: {  	v5 =	vshrl.u32 v5, $0x10;
	v60 =	vmul.f32 v26, v48;
	v2 =	vld [tilespmem:s15+$0x10]  }
0x56: {  	v63 =	vmul.f32 v29, v53;
	[tilespmem:v3+s11+$0x0] =	vst.idx.add.f32.msk $0xffff, v22;
	v3 =	vshrl.u32 v14, $0x10  }
0x57: {  	v55 =	vshrl.u32 v11, $0x10;
	[tilespmem:v56+s11+$0x0] =	vst.idx.add.f32.msk $0xffff, v60;
	v1 =	vmul.f32 v1, v44  }
0x58: {  	v61 =	vshrl.u32 v20, $0x10;
	[tilespmem:v59+s11+$0x0] =	vst.idx.add.f32.msk $0xffff, v63;
	v12 =	vmul.f32 v12, v35  }
0x59: {  	v62 =	vmul.f32 v27, v49;
	[tilespmem:v51+s11+$0x0] =	vst.idx.add.f32.msk $0xffff, v1;
	v1 =	vshrl.u32 v16, $0x10  }
0x5a: {  	[tilespmem:v5+s11+$0x0] =	vst.idx.add.f32.msk $0xffff, v12;
	v2 =	vmul.f32 v25, v2  }
0x5b: {  	[tilespmem:v3+s11+$0x0] =	vst.idx.add.f32.msk $0xffff, v62;
	v3 =	vmul.f32 v30, v54  }
0x5c: {  	[tilespmem:v55+s11+$0x0] =	vst.idx.add.f32.msk $0xffff, v2;
	v2 =	vmul.f32 v28, v50  }
0x5d: {  	[tilespmem:v61+s11+$0x0] =	vst.idx.add.f32.msk $0xffff, v3  }
0x5e: {  	s17 =	simm.s32 $0x2900;
	s16 =	simm.s32 $0x0;
	[tilespmem:v1+s11+$0x0] =	vst.idx.add.f32.msk $0xffff, v2  }
.LBB2_4:
0x5f: {  	v5 =	vld [tilespmem:s17+$0x70];
	s16 =	sadd.s32 $0x10, s16  }
0x60: {  	v2 =	vld [tilespmem:s17+$0xFFFFFF90];
	p0 =	slt.u32 s16, $0x260  }
0x61: {  	v3 =	vld [tilespmem:s17+$0xFFFFFFA0]  }
0x62: {  	v4 =	vld [tilespmem:s17+$0xFFFFFFB0]  }
0x63: {  	v6 =	vld [tilespmem:s17+$0xFFFFFFC0]  }
0x64: {  	v7 =	vld [tilespmem:s17+$0xFFFFFFD0];
	v8 =	vand.u32 $0xFFFF, v5  }
0x65: {  	v1 =	vshrl.u32 v2, $0x10;
	v9 =	vand.u32 $0xFFFF, v2;
	v10 =	vld [tilespmem:s17+$0xFFFFFFE0]  }
0x66: {  	v2 =	vshrl.u32 v3, $0x10;
	v11 =	vand.u32 $0xFFFF, v3;
	v12 =	vld [tilespmem:s17+$0xFFFFFFF0]  }
0x67: {  	v3 =	vshrl.u32 v4, $0x10;
	v13 =	vand.u32 $0xFFFF, v4;
	v14 =	vld [tilespmem:s17+$0x0]  }
0x68: {  	v4 =	vshrl.u32 v6, $0x10;
	v6 =	vand.u32 $0xFFFF, v6;
	v15 =	vld [tilespmem:s17+$0x10]  }
0x69: {  	s15 =	sadd.s32 $0x100, s15;
	v16 =	vshrl.u32 v7, $0x10;
	v7 =	vand.u32 $0xFFFF, v7;
	v8 =	vld.idx.msk [tilespmem:v8+s2+$0x0], $0xffff  }
0x6a: {  	v17 =	vshrl.u32 v10, $0x10;
	v10 =	vand.u32 $0xFFFF, v10;
	v18 =	vld [tilespmem:s15+$0x70]  }
0x6b: {  	v19 =	vshrl.u32 v12, $0x10;
	v12 =	vand.u32 $0xFFFF, v12;
	v20 =	vld [tilespmem:s17+$0x20]  }
0x6c: {  	v5 =	vshrl.u32 v5, $0x10;
	v21 =	vshrl.u32 v14, $0x10;
	v14 =	vand.u32 $0xFFFF, v14;
	v22 =	vld [tilespmem:s17+$0x30]  }
0x6d: {  	v23 =	vshrl.u32 v15, $0x10;
	v15 =	vand.u32 $0xFFFF, v15;
	v24 =	vld [tilespmem:s17+$0x40]  }
0x6e: {  	v25 =	vld [tilespmem:s17+$0x50]  }
0x6f: {  	v26 =	vld [tilespmem:s17+$0x60];
	v8 =	vmul.f32 v8, v18  }
0x70: {  	v18 =	vld [tilespmem:s17+$0xFFFFFF80];
	v27 =	vshrl.u32 v20, $0x10;
	v20 =	vand.u32 $0xFFFF, v20  }
0x71: {  	v28 =	vshrl.u32 v22, $0x10;
	v22 =	vand.u32 $0xFFFF, v22;
	[tilespmem:v5+s11+$0x0] =	vst.idx.add.f32.msk $0xffff, v8  }
0x72: {  	v5 =	vld.idx.msk [tilespmem:v9+s2+$0x0], $0xffff;
	v8 =	vshrl.u32 v24, $0x10;
	v9 =	vand.u32 $0xFFFF, v24  }
0x73: {  	v11 =	vld.idx.msk [tilespmem:v11+s2+$0x0], $0xffff;
	v24 =	vshrl.u32 v25, $0x10;
	v25 =	vand.u32 $0xFFFF, v25  }
0x74: {  	v13 =	vld.idx.msk [tilespmem:v13+s2+$0x0], $0xffff;
	v29 =	vshrl.u32 v26, $0x10;
	v26 =	vand.u32 $0xFFFF, v26  }
0x75: {  	v30 =	vshrl.u32 v18, $0x10;
	v18 =	vand.u32 $0xFFFF, v18;
	v6 =	vld.idx.msk [tilespmem:v6+s2+$0x0], $0xffff  }
0x76: {  	v7 =	vld.idx.msk [tilespmem:v7+s2+$0x0], $0xffff  }
0x77: {  	v10 =	vld.idx.msk [tilespmem:v10+s2+$0x0], $0xffff  }
0x78: {  	v12 =	vld.idx.msk [tilespmem:v12+s2+$0x0], $0xffff  }
0x79: {  	v14 =	vld.idx.msk [tilespmem:v14+s2+$0x0], $0xffff  }
0x7a: {  	v18 =	vld.idx.msk [tilespmem:v18+s2+$0x0], $0xffff  }
0x7b: {  	v15 =	vld.idx.msk [tilespmem:v15+s2+$0x0], $0xffff  }
0x7c: {  	v20 =	vld.idx.msk [tilespmem:v20+s2+$0x0], $0xffff  }
0x7d: {  	v22 =	vld.idx.msk [tilespmem:v22+s2+$0x0], $0xffff  }
0x7e: {  	v9 =	vld.idx.msk [tilespmem:v9+s2+$0x0], $0xffff  }
0x7f: {  	v25 =	vld.idx.msk [tilespmem:v25+s2+$0x0], $0xffff  }
0x80: {  	v26 =	vld.idx.msk [tilespmem:v26+s2+$0x0], $0xffff  }
0x81: {  	v31 =	vld [tilespmem:s15+$0xFFFFFF80]  }
0x82: {  	v32 =	vld [tilespmem:s15+$0xFFFFFF90]  }
0x83: {  	v33 =	vld [tilespmem:s15+$0xFFFFFFA0]  }
0x84: {  	v34 =	vld [tilespmem:s15+$0xFFFFFFB0]  }
0x85: {  	v35 =	vld [tilespmem:s15+$0xFFFFFFC0]  }
0x86: {  	v18 =	vmul.f32 v18, v31;
	v31 =	vld [tilespmem:s15+$0xFFFFFFD0]  }
0x87: {  	v5 =	vmul.f32 v5, v32;
	v32 =	vld [tilespmem:s15+$0xFFFFFFE0]  }
0x88: {  	v11 =	vmul.f32 v11, v33;
	v33 =	vld [tilespmem:s15+$0xFFFFFFF0]  }
0x89: {  	v13 =	vmul.f32 v13, v34;
	v34 =	vld [tilespmem:s15+$0x0]  }
0x8a: {  	v6 =	vmul.f32 v6, v35;
	v35 =	vld [tilespmem:s15+$0x10]  }
0x8b: {  	v7 =	vmul.f32 v7, v31;
	v31 =	vld [tilespmem:s15+$0x20]  }
0x8c: {  	v10 =	vmul.f32 v10, v32;
	v32 =	vld [tilespmem:s15+$0x30]  }
0x8d: {  	v12 =	vmul.f32 v12, v33;
	v33 =	vld [tilespmem:s15+$0x40]  }
0x8e: {  	v14 =	vmul.f32 v14, v34;
	v34 =	vld [tilespmem:s15+$0x50]  }
0x8f: {  	v15 =	vmul.f32 v15, v35;
	v35 =	vld [tilespmem:s15+$0x60]  }
0x90: {  	[tilespmem:v30+s11+$0x0] =	vst.idx.add.f32.msk $0xffff, v18;
	v18 =	vmul.f32 v20, v31  }
0x91: {  	[tilespmem:v1+s11+$0x0] =	vst.idx.add.f32.msk $0xffff, v5;
	v1 =	vmul.f32 v22, v32  }
0x92: {  	[tilespmem:v2+s11+$0x0] =	vst.idx.add.f32.msk $0xffff, v11;
	v2 =	vmul.f32 v9, v33  }
0x93: {  	[tilespmem:v3+s11+$0x0] =	vst.idx.add.f32.msk $0xffff, v13;
	v3 =	vmul.f32 v25, v34  }
0x94: {  	[tilespmem:v4+s11+$0x0] =	vst.idx.add.f32.msk $0xffff, v6;
	v4 =	vmul.f32 v26, v35  }
0x95: {  	[tilespmem:v16+s11+$0x0] =	vst.idx.add.f32.msk $0xffff, v7  }
0x96: {  	[tilespmem:v17+s11+$0x0] =	vst.idx.add.f32.msk $0xffff, v10  }
0x97: {  	[tilespmem:v19+s11+$0x0] =	vst.idx.add.f32.msk $0xffff, v12  }
0x98: {  	[tilespmem:v21+s11+$0x0] =	vst.idx.add.f32.msk $0xffff, v14  }
0x99: {  	[tilespmem:v23+s11+$0x0] =	vst.idx.add.f32.msk $0xffff, v15  }
.Ltmp1:
0x9a: {  	[tilespmem:v27+s11+$0x0] =	vst.idx.add.f32.msk $0xffff, v18;
	(pc) =	sbr.rel @p0 .LBB2_4-.Ltmp1, $4  }
0x9b: {  	[tilespmem:v28+s11+$0x0] =	vst.idx.add.f32.msk $0xffff, v1  }
0x9c: {  	[tilespmem:v8+s11+$0x0] =	vst.idx.add.f32.msk $0xffff, v2  }
0x9d: {  	[tilespmem:v24+s11+$0x0] =	vst.idx.add.f32.msk $0xffff, v3  }
0x9e: {  	s17 =	sadd.s32 $0x100, s17;
	[tilespmem:v29+s11+$0x0] =	vst.idx.add.f32.msk $0xffff, v4  }
0x9f: {  	v1 =	vld [tilespmem:$0x4E80];
	_ =	sdelay $0x4  }
0xa0: {  	v2 =	vand.u32 $0xFFFF, v1;
	_ =	sdelay $0x3  }
0xa1: {  	v3 =	vld [tilespmem:$0x7600]  }
0xa2: {  	v2 =	vld.idx.msk [tilespmem:v2+s2+$0x0], $0xffff;
	_ =	sdelay $0x1  }
0xa3: {  	v1 =	vshrl.u32 v1, $0x10;
	_ =	sdelay $0x2  }
0xa4: {  	s14 =	sadd.s32 $0x1, s14;
	v2 =	vmul.f32 v2, v3  }
0xa5: {  	p0 =	sne.s32 s14, s7  }
.Ltmp2:
0xa6: {  	[tilespmem:v1+s11+$0x0] =	vst.idx.add.f32.msk $0xffff, v2;
	(pc) =	sbr.rel @p0 .LBB2_1-.Ltmp2, $4  }
0xa7: {  	[hbm4b:s6+s12] =	stream.strided.scatter [tilespmem:s11], [sflag:$0x1], $0x2780, s13, s12, $0x38;
	[tilespmem:$0x9E00] =	vst v63  }
0xa8: {  	_ =	swait.ge [sflag:s8], $0x2780  }
0xa9: {  	[sflag:s8] =	ssyncset.done $0x0  }
0xaa: {  	[sflag:s8] =	ssyncadd.s32 $0xFFFFD880  }
0xab: {  	_ =	sfence.sel $0x180000  }
0xac: {  	[bflag:$0x0] =	sbarrier.arrive $0xFFFF  }
0xad: {  	p0 =	sne.s32 s0, $0x0;
	_ =	strace $0x9000004D  }
0xae: {  	s0 =	sadd.s32 @!p0 $0x100000, s1;
	[bflag:$0x2] =	sbarrier.arrive $0xFFFF  }
0xaf: {  	[sflag:s0] =	ssyncadd.tile.s32 @!p0 $0x1;
	_ =	shalt  }
.Lfunc_end2:
_tile_overlayer_lowered:
.L_overlay_start_2:
0xb0: {  	(tag) =	ssettag $0x2  }
0xb1: {  	s0 =	rddreg [dreg:$0x0];
	s2 =	stileid.u32  }
0xb2: {  	s1 =	rddreg [dreg:$0x1];
	p0 =	sne.s32 s2, $0x0  }
0xb3: {  	s3 =	rddreg [dreg:$0x2];
	[bflag:$0x3] =	sbarrier.arrive $0xFFFF;
	s2 =	simm.s32 @!p0 $0x1C01  }
0xb4: {  	[timem:s3], [sflag:s2] =	dma.local @!p0 [hbm:s0], s1  }
0xb5: {  	s0 =	simm.s32 @!p0 $0x1  }
0xb6: {  	_ =	swait.ge @!p0 [sflag:s0], s1  }
0xb7: {  	s1 =	ssub.s32 @!p0 $0x0, s1;
	[sflag:s0] =	ssyncset.done @!p0 $0x0  }
0xb8: {  	[sflag:s0] =	ssyncadd.s32 @!p0 s1  }
0xb9: {  	[bflag:$0x3] =	sbarrier.arrive $0xFFFF  }
0xba: {  	_ =	shalt  }

// kernel: kernel.8.cloned.1.call-start
scs
__scs_entry_jumppad:
0x0: {  	(pc) =	sbr.rel $0x88, $3  }
0x1: {  	(tag) =	ssettag $0x0;
	lr =	simm.s32 $0x1  }
0x2: {  	[smem:$0x3F9A] =	sst lr;
	_ =	strace $0xD0000000  }
0x3: {  	_ = 	snop  }
0x4: {  	_ = 	snop  }
0x5: {  	_ = 	snop  }
0x6: {  	_ = 	snop  }
0x7: {  	_ = 	snop  }
__scs_overlays_trampoline_lowered:
0x8: {  	[smem:$0x3FA9] =	sst s0  }
0x9: {  	[smem:$0x3FAA] =	sst s1  }
0xa: {  	[smem:$0x3FAB] =	sst s2  }
0xb: {  	[smem:$0x3FAC] =	sst s3  }
0xc: {  	[smem:$0x3FAD] =	sst s4  }
0xd: {  	[smem:$0x3FAE] =	sst s5  }
0xe: {  	[smem:$0x3FAF] =	sst s6  }
0xf: {  	[smem:$0x3FB0] =	sst s7  }
0x10: {  	[smem:$0x3FB1] =	sst s8  }
0x11: {  	[smem:$0x3FB2] =	sst s9;
	s0 =	simm.s32 @!p0 $0x0  }
0x12: {  	s1 =	sld [smem:$0x3F98];
	s0 =	simm.s32 @p0 $0x1  }
0x13: {  	[smem:$0x3FB3] =	sst s0;
	s0 =	simm.s32 @!p1 $0x0  }
0x14: {  	s2 =	sld [smem:$0x3F97];
	s0 =	simm.s32 @p1 $0x1  }
0x15: {  	[smem:$0x3FB4] =	sst s0;
	s0 =	simm.s32 @!p2 $0x0  }
0x16: {  	s3 =	sld [smem:$0x3FDB];
	s0 =	simm.s32 @p2 $0x1  }
0x17: {  	s4 =	simm.s32 $0x1BF5;
	[smem:$0x3FB6] =	sst s0  }
0x18: {  	s0 =	sld [smem:$0x3F99];
	_ =	swait.ge [sflag:s4], $0x0  }
0x19: {  	s7 =	sld [smem:$0x3F9A]  }
0x1a: {  	s8 =	sadd.s32 $0xFFFFE003, lr  }
0x1b: {  	s9 =	sadd.s32 $0xFFFFFEF7, lr;
	s5 =	simm.s32 $0xFFFFFFFF;
	p2 =	slt.u32 s8, $0xFFFFF086  }
0x1c: {  	p1 =	slt.u32 s9, $0xF7A;
	s5 =	simm.s32 @!p2 $0x0  }
0x1d: {  	s5 =	simm.s32 @p1 $0x1;
	p0 =	seq.s32 s7, s2  }
0x1e: {  	s7 =	smul.u32 @!p0 $0xF7A, s2;
	p2 =	seq.s32 @!p0 s5, $0x0  }
0x1f: {  	s9 =	smul.u32 $0xF7A, s1;
	s8 =	simm.s32 @!p0 $0x1BF5;
	p2 =	por !p2, p0  }
0x20: {  	[sflag:s8] =	ssyncset.s32 @!p0 $0xFFFFF086;
	s6 =	sadd.s32 @!p0 s3, s7;
	s7 =	simm.s32 @!p0 $0x108  }
0x21: {  	s3 =	sadd.s32 s3, s9;
	s6 =	sadd.s32 @!p0 $0x88, s6;
	s7 =	simm.s32 @p2 $0x1082  }
0x22: {  	[simem:s7], [sflag:s8] =	dma.local @!p0 [hbm:s6], $0xF7A  }
0x23: {  	s9 =	sor.u32 $0xD0000000, s2;
	s6 =	simm.s32 $0x108;
	_ =	swait.ge @!p0 [sflag:s8], $0x0  }
0x24: {  	s3 =	sadd.s32 $0x88, s3;
	s6 =	simm.s32 @!p1 $0x1082;
	[sflag:s4] =	ssyncset.s32 $0xFFFFF086  }
0x25: {  	[simem:s6], [sflag:s4] =	dma.local [hbm:s3], $0xF7A  }
0x26: {  	[smem:$0x3F9A] =	sst s1;
	(tag) =	ssettag s2;
	_ =	strace s9  }
0x27: {  	s1 =	sld [smem:$0x3FAA]  }
0x28: {  	s2 =	sld [smem:$0x3FAB]  }
0x29: {  	s4 =	sld [smem:$0x3FAD]  }
0x2a: {  	p0 =	seq.s32 s5, $0x0;
	s5 =	sld [smem:$0x3FAE]  }
0x2b: {  	s6 =	sld [smem:$0x3FAF]  }
0x2c: {  	s7 =	sld [smem:$0x3FB0]  }
0x2d: {  	s3 =	simm.s32 $0x108;
	s8 =	sld [smem:$0x3FB1]  }
0x2e: {  	s3 =	simm.s32 @!p0 $0x1082;
	s9 =	sld [smem:$0x3FB2]  }
0x2f: {  	lr =	sadd.s32 s0, s3;
	s0 =	sld [smem:$0x3FA9]  }
0x30: {  	s3 =	sld [smem:$0x3FAC]  }
0x31: {  	[smem:$0x3FB5] =	sst s10  }
0x32: {  	s10 =	sld [smem:$0x3FB3];
	_ =	sdelay $0x3  }
0x33: {  	p0 =	seq.s32 s10, $0x1;
	s10 =	sld [smem:$0x3FB5];
	_ =	sdelay $0x3  }
0x34: {  	[smem:$0x3FB5] =	sst s10  }
0x35: {  	s10 =	sld [smem:$0x3FB4];
	_ =	sdelay $0x3  }
0x36: {  	p1 =	seq.s32 s10, $0x1;
	s10 =	sld [smem:$0x3FB5];
	_ =	sdelay $0x3  }
0x37: {  	[smem:$0x3FB5] =	sst s10  }
0x38: {  	s10 =	sld [smem:$0x3FB6]  }
0x39: {  	_ = 	snop;
	(pc) =	sbr.ind lr, $3  }
0x3a: {  	_ = 	snop  }
0x3b: {  	_ = 	snop  }
0x3c: {  	p2 =	seq.s32 s10, $0x1;
	s10 =	sld [smem:$0x3FB5]  }
0x3d: {  	_ =	shalt  }
0x3e: {  	_ =	shalt  }
0x3f: {  	_ =	shalt  }
0x40: {  	_ =	shalt  }
0x41: {  	_ =	shalt  }
0x42: {  	_ =	shalt  }
0x43: {  	_ =	shalt  }
0x44: {  	_ =	shalt  }
0x45: {  	_ =	shalt  }
0x46: {  	_ =	shalt  }
0x47: {  	_ =	shalt  }
0x48: {  	_ =	shalt  }
0x49: {  	_ =	shalt  }
0x4a: {  	_ =	shalt  }
0x4b: {  	_ =	shalt  }
0x4c: {  	_ =	shalt  }
0x4d: {  	_ =	shalt  }
0x4e: {  	_ =	shalt  }
0x4f: {  	_ =	shalt  }
0x50: {  	_ =	shalt  }
0x51: {  	_ =	shalt  }
0x52: {  	_ =	shalt  }
0x53: {  	_ =	shalt  }
0x54: {  	_ =	shalt  }
0x55: {  	_ =	shalt  }
0x56: {  	_ =	shalt  }
0x57: {  	_ =	shalt  }
0x58: {  	_ =	shalt  }
0x59: {  	_ =	shalt  }
0x5a: {  	_ =	shalt  }
0x5b: {  	_ =	shalt  }
0x5c: {  	_ =	shalt  }
0x5d: {  	_ =	shalt  }
0x5e: {  	_ =	shalt  }
0x5f: {  	_ =	shalt  }
0x60: {  	_ =	shalt  }
0x61: {  	_ =	shalt  }
0x62: {  	_ =	shalt  }
0x63: {  	_ =	shalt  }
0x64: {  	_ =	shalt  }
0x65: {  	_ =	shalt  }
0x66: {  	_ =	shalt  }
0x67: {  	_ =	shalt  }
0x68: {  	_ =	shalt  }
0x69: {  	_ =	shalt  }
0x6a: {  	_ =	shalt  }
0x6b: {  	_ =	shalt  }
0x6c: {  	_ =	shalt  }
0x6d: {  	_ =	shalt  }
0x6e: {  	_ =	shalt  }
0x6f: {  	_ =	shalt  }
0x70: {  	_ =	shalt  }
0x71: {  	_ =	shalt  }
0x72: {  	_ =	shalt  }
0x73: {  	_ =	shalt  }
0x74: {  	_ =	shalt  }
0x75: {  	_ =	shalt  }
0x76: {  	_ =	shalt  }
0x77: {  	_ =	shalt  }
0x78: {  	_ =	shalt  }
0x79: {  	_ =	shalt  }
0x7a: {  	_ =	shalt  }
0x7b: {  	_ =	shalt  }
0x7c: {  	_ =	shalt  }
0x7d: {  	_ =	shalt  }
0x7e: {  	_ =	shalt  }
0x7f: {  	_ =	shalt  }
0x80: {  	_ =	shalt  }
0x81: {  	_ =	shalt  }
0x82: {  	_ =	shalt  }
0x83: {  	_ =	shalt  }
0x84: {  	_ =	shalt  }
0x85: {  	_ =	shalt  }
0x86: {  	_ =	shalt  }
0x87: {  	_ =	shalt  }
.Lfunc_end0:
.L_simem_size_0:
called_computation_lowered:
.L_overlay_start_0:
0x88: {  	s2 =	sld [smem:$0x3FD9]  }
0x89: {  	s3 =	sld [smem:$0x3FFE];
	_ =	sdelay $0x1  }
0x8a: {  	s1 =	srdreg.scid  }
0x8b: {  	s0 =	sand.u32 $0x1, s1  }
0x8c: {  	s17 =	sshll.u32 s0, $0xA;
	s2 =	sadd.s32 s3, s2  }
0x8d: {  	s2 =	sadd.s32 s2, s17  }
0x8e: {  	[smem:$0x3FC1] =	sst s2  }
0x8f: {  	_ = 	snop  }
0x90: {  	s2 =	sld [smem:$0x3FC7];
	(tm) =	ssettm $0x1  }
0x91: {  	s18 =	sld [smem:$0x3FFB];
	_ =	sdelay $0x3  }
0x92: {  	_ =	strace s18  }
0x93: {  	s3 =	sld [smem:$0x3FFC];
	_ =	sdelay $0x3  }
0x94: {  	_ =	strace s3  }
0x95: {  	s3 =	sld [smem:$0x3FFD];
	_ =	sdelay $0x3  }
0x96: {  	_ =	strace s3  }
0x97: {  	_ =	strace $0x8FFFFFFF  }
0x98: {  	s19 =	sld [smem:$0x3FDB];
	_ =	sdelay $0x1  }
0x99: {  	s4 =	simm.s32 $_scs_section_size  }
0x9a: {  	s5 =	simm.s32 $_size__tile_overlayer_lowered;
	s6 =	simm.s32 $_tile_overlayer_lowered  }
0x9b: {  	s22 =	simm.s32 $0x1BFF;
	s21 =	sshll.u32 s6, $0x1;
	s3 =	sadd.s32 s4, s19  }
0x9c: {  	s7 =	simm.s32 $0x0;
	s20 =	sshll.u32 s5, $0x1;
	s5 =	sadd.s32 s21, s3  }
0x9d: {  	[timem:s7], [sflag:s22] =	dma.local [hbm:s5], s20  }
0x9e: {  	_ =	swait.ge [sflag:s22], s20  }
0x9f: {  	s4 =	ssub.s32 $0x0, s20;
	[sflag:s22] =	ssyncset.done $0x0  }
0xa0: {  	[sflag:s22] =	ssyncadd.s32 s4;
	_ =	sdelay $0x1  }
0xa1: {  	s23 =	simm.s32 $0x1B8B  }
0xa2: {  	_ =	swait.ge [sflag:s23], $0x1  }
0xa3: {  	[sflag:s23] =	ssyncset.done $0x0  }
0xa4: {  	s25 =	simm.s32 $0x1B8E;
	s24 =	sld [smem:$0x3FFE];
	[sflag:s23] =	ssyncadd.s32 $0xFFFFFFFF  }
0xa5: {  	s26 =	simm.s32 $execute0_lowered;
	[smem:$0x3FD2] =	sst s25  }
0xa6: {  	s5 =	sshll.u32 s26, $0x1;
	_ =	strace $0x80000046;
	[dreg:$0x1] =	wrdreg $0xFFFFFFFF  }
0xa7: {  	s28 =	simm.s32 $_size_execute0_lowered;
	s3 =	sadd.s32 s3, s5;
	[dreg:$0x0] =	wrdreg $0x0  }
0xa8: {  	s5 =	sshll.u32 s28, $0x1;
	[dreg:$0x2] =	wrdreg s3  }
0xa9: {  	[dreg:$0x3] =	wrdreg s5  }
0xaa: {  	[dreg:$0x4] =	wrdreg $0xC0  }
0xab: {  	_ =	task [dreg:s7], $0x5FFFF  }
0xac: {  	[dreg:$0x1] =	wrdreg $0xFFFFFFFF  }
0xad: {  	[dreg:$0x0] =	wrdreg $0x60  }
0xae: {  	[dreg:$0x2] =	wrdreg s24  }
0xaf: {  	[dreg:$0x3] =	wrdreg s2  }
0xb0: {  	[dreg:$0x4] =	wrdreg $0x9  }
0xb1: {  	_ =	task.clear_ibuf [dreg:s7], $0x5FFFF;
	_ =	strace $0x90000046  }
0xb2: {  	s29 =	simm.s32 $0x9;
	_ =	strace $0x80000048  }
0xb3: {  	_ =	swait.ge [sflag:s29], $0x1  }
0xb4: {  	[sflag:s29] =	ssyncadd.s32 $0xFFFFFFFF  }
0xb5: {  	_ =	strace $0x90000048  }
0xb6: {  	_ =	sfence  }
0xb7: {  	s30 =	sld [smem:$0x0];
	_ =	sdelay $0x2  }
0xb8: {  	s31 =	sshll.u32 s1, $0xD;
	s1 =	sshrl.u32 s1, $0x2  }
0xb9: {  	s3 =	sand.u32 $0x4000, s31;
	s1 =	sadd.s32 s1, s30  }
0xba: {  	s0 =	sor.u32 s3, s0;
	s1 =	sshll.u32 s1, $0x11  }
0xbb: {  	s0 =	sor.u32 s1, s0  }
0xbc: {  	s0 =	sadd.s32 $0x8F2B, s0  }
0xbd: {  	[sflag:s0] =	ssyncadd.remote.s32 $0x1  }
0xbe: {  	_ =	sfence.sel $0xFFFF  }
0xbf: {  	[dreg:$0x0] =	wrdreg $0xFFFFFFFF;
	(pc) =	sbr.abs _section_cstart, $3  }
0xc0: {  	[dreg:$0x1] =	wrdreg $0xFFFFFFFF  }
0xc1: {  	_ =	task.clear_ibuf [dreg:s7], $0x2FFFF;
	_ =	strace $0x9FFFFFFF  }
0xc2: {  	(tm) =	ssettm $0x7FFFFFFF  }
0xc3: {  	_ =	shalt  }
tec
execute0_lowered:
.L_overlay_start_1:
0x0: {  	(tag) =	ssettag $0x1  }
0x1: {  	s3 =	rddreg [dreg:$0x0]  }
0x2: {  	s1 =	srdreg.scid;
	s0 =	stileid.u32  }
0x3: {  	s4 =	rddreg [dreg:$0x1];
	s10 =	simm.s32 $0x80;
	s11 =	simm.s32 $0x400  }
0x4: {  	s12 =	simm.s32 $0x0;
	s5 =	sand.u32 $0x1, s1;
	s2 =	sshll.u32 s0, $0x1  }
0x5: {  	s1 =	rddreg [dreg:$0x2];
	s7 =	sshrl.u32 s0, $0x2;
	s6 =	sor.u32 s5, s2  }
0x6: {  	s2 =	simm.s32 $0x0;
	s7 =	smul.u32 $0x13C00, s7;
	s5 =	ssub.s32 $0x2, s5  }
0x7: {  	s8 =	sshll.u32 s6, $0x7;
	[smem:$0x7FF] =	sst s2;
	s6 =	smul.u32 $0x4E2, s6  }
0x8: {  	s9 =	sshrl.u32 s5, $0x1;
	s8 =	sand.u32 $0x380, s8;
	_ =	strace $0x80000047  }
0x9: {  	s9 =	ssub.s32 s5, s9;
	s7 =	sor.u32 s7, s8;
	s31 =	sadd.s32 s6, s3  }
0xa: {  	s4 =	sadd.s32 s4, s6;
	s6 =	smax.u32 s9, $0x1;
	s7 =	sshrl.u32 s7, $0x3  }
0xb: {  	s8 =	simm.s32 $0x2780;
	s9 =	simm.s32 $0x4F00;
	s7 =	sadd.s32 s7, s3  }
0xc: {  	v0 =	vimm.f32 $0.0e+00;
	s3 =	sadd.s32 $0x1400, s31;
	s5 =	sadd.s32 $0xB200, s7;
	s7 =	simm.s32 $0x1  }
.LBB2_1:
0xd: {  	[tilespmem:s2], [sflag:$0x1] =	stream.linear.gather [hbm4b:s3+s2], $0x2710, $0x38;
	[tilespmem:$0x7680] =	vst v63  }
0xe: {  	_ =	swait.ge [sflag:s7], $0x2710  }
0xf: {  	[sflag:s7] =	ssyncset.done $0x0  }
0x10: {  	[sflag:s7] =	ssyncadd.s32 $0xFFFFD8F0  }
0x11: {  	[tilespmem:s8], [sflag:$0x1] =	stream.linear.gather [hbm4b:s4+s2], $0x2710, $0x38;
	[tilespmem:$0x7680] =	vst v63  }
0x12: {  	_ =	swait.ge [sflag:s7], $0x2710  }
0x13: {  	[sflag:s7] =	ssyncset.done $0x0  }
0x14: {  	s13 =	simm.s32 $0x0;
	[sflag:s7] =	ssyncadd.s32 $0xFFFFD8F0  }
.LBB2_2:
0x15: {  	p0 =	sne.s32 s13, $0x9C00  }
.Ltmp0:
0x16: {  	_ = 	snop;
	(pc) =	sbr.rel @p0 .LBB2_2-.Ltmp0, $3  }
0x17: {  	_ =	sdelay $0x1  }
0x18: {  	s14 =	sshra.s32 s13, $0x2  }
0x19: {  	s13 =	sadd.s32 $0x40, s13;
	[tilespmem:s14+$0x4F00] =	vst v0  }
0x1a: {  	s14 =	simm.s32 $0x80  }
0x1b: {  	v1 =	vld [tilespmem:s14+$0x70]  }
0x1c: {  	v2 =	vld [tilespmem:s14+$0xFFFFFF90]  }
0x1d: {  	v3 =	vld [tilespmem:s14+$0xFFFFFFA0]  }
0x1e: {  	v4 =	vld [tilespmem:s14+$0xFFFFFFB0]  }
0x1f: {  	s13 =	simm.s32 $0x2800;
	v5 =	vld [tilespmem:s14+$0xFFFFFFC0]  }
0x20: {  	v6 =	vld [tilespmem:s13+$0x70]  }
0x21: {  	v7 =	vld [tilespmem:s14+$0xFFFFFFD0]  }
0x22: {  	v8 =	vld [tilespmem:s14+$0xFFFFFFE0]  }
0x23: {  	v9 =	vld [tilespmem:s14+$0xFFFFFFF0]  }
0x24: {  	v10 =	vld [tilespmem:s14+$0x0]  }
0x25: {  	v60 =	vld [tilespmem:s14+$0x20]  }
0x26: {  	v11 =	vld [tilespmem:s14+$0x30]  }
0x27: {  	v12 =	vld [tilespmem:s14+$0x40]  }
0x28: {  	v13 =	vld [tilespmem:s14+$0x50]  }
0x29: {  	v14 =	vld [tilespmem:s14+$0x60]  }
0x2a: {  	v15 =	vld [tilespmem:s14+$0xFFFFFF80]  }
0x2b: {  	v16 =	vld [tilespmem:s13+$0xFFFFFF80]  }
0x2c: {  	v17 =	vld [tilespmem:s13+$0xFFFFFF90]  }
0x2d: {  	v18 =	vld [tilespmem:s13+$0xFFFFFFA0]  }
0x2e: {  	v19 =	vld [tilespmem:s13+$0xFFFFFFB0]  }
0x2f: {  	v20 =	vld [tilespmem:s13+$0xFFFFFFC0]  }
0x30: {  	v21 =	vld [tilespmem:s13+$0xFFFFFFD0]  }
0x31: {  	v22 =	vld [tilespmem:s13+$0xFFFFFFE0]  }
0x32: {  	v23 =	vld [tilespmem:s13+$0xFFFFFFF0]  }
0x33: {  	v24 =	vld [tilespmem:s13+$0x0]  }
0x34: {  	v25 =	vld [tilespmem:s13+$0x10]  }
0x35: {  	v26 =	vld [tilespmem:s13+$0x20];
	v1 =	vshrl.u32 v1, $0x10  }
0x36: {  	v27 =	vld [tilespmem:s13+$0x30]  }
0x37: {  	v28 =	vld [tilespmem:s13+$0x40];
	v15 =	vshrl.u32 v15, $0x10  }
0x38: {  	v29 =	vld [tilespmem:s13+$0x50];
	v2 =	vshrl.u32 v2, $0x10  }
0x39: {  	v30 =	vld [tilespmem:s13+$0x60];
	v3 =	vshrl.u32 v3, $0x10  }
0x3a: {  	v4 =	vshrl.u32 v4, $0x10;
	[tilespmem:v1+s9+$0x0] =	vst.idx.add.f32.msk $0xffff, v6  }
0x3b: {  	v5 =	vshrl.u32 v5, $0x10;
	v1 =	vld [tilespmem:s14+$0x10]  }
0x3c: {  	v7 =	vshrl.u32 v7, $0x10;
	[tilespmem:v15+s9+$0x0] =	vst.idx.add.f32.msk $0xffff, v16  }
0x3d: {  	v8 =	vshrl.u32 v8, $0x10;
	[tilespmem:v2+s9+$0x0] =	vst.idx.add.f32.msk $0xffff, v17  }
0x3e: {  	v61 =	vshrl.u32 v60, $0x10;
	[tilespmem:v3+s9+$0x0] =	vst.idx.add.f32.msk $0xffff, v18  }
0x3f: {  	v2 =	vshrl.u32 v9, $0x10;
	[tilespmem:v4+s9+$0x0] =	vst.idx.add.f32.msk $0xffff, v19  }
0x40: {  	v3 =	vshrl.u32 v10, $0x10;
	[tilespmem:v5+s9+$0x0] =	vst.idx.add.f32.msk $0xffff, v20  }
0x41: {  	v62 =	vshrl.u32 v11, $0x10;
	[tilespmem:v7+s9+$0x0] =	vst.idx.add.f32.msk $0xffff, v21  }
0x42: {  	v63 =	vshrl.u32 v12, $0x10;
	[tilespmem:v8+s9+$0x0] =	vst.idx.add.f32.msk $0xffff, v22  }
0x43: {  	[tilespmem:v61+s9+$0x0] =	vst.idx.add.f32.msk $0xffff, v26;
	v1 =	vshrl.u32 v1, $0x10  }
0x44: {  	[tilespmem:v2+s9+$0x0] =	vst.idx.add.f32.msk $0xffff, v23;
	v2 =	vshrl.u32 v13, $0x10  }
0x45: {  	[tilespmem:v3+s9+$0x0] =	vst.idx.add.f32.msk $0xffff, v24;
	v3 =	vshrl.u32 v14, $0x10  }
0x46: {  	[tilespmem:v62+s9+$0x0] =	vst.idx.add.f32.msk $0xffff, v27  }
0x47: {  	[tilespmem:v63+s9+$0x0] =	vst.idx.add.f32.msk $0xffff, v28  }
0x48: {  	[tilespmem:v1+s9+$0x0] =	vst.idx.add.f32.msk $0xffff, v25  }
0x49: {  	[tilespmem:v2+s9+$0x0] =	vst.idx.add.f32.msk $0xffff, v29  }
0x4a: {  	s15 =	simm.s32 $0x180;
	s14 =	simm.s32 $0x0;
	[tilespmem:v3+s9+$0x0] =	vst.idx.add.f32.msk $0xffff, v30  }
.LBB2_4:
0x4b: {  	v1 =	vld [tilespmem:s15+$0x70];
	s14 =	sadd.s32 $0x10, s14  }
0x4c: {  	v2 =	vld [tilespmem:s15+$0xFFFFFF90];
	p0 =	slt.u32 s14, $0x260  }
0x4d: {  	v3 =	vld [tilespmem:s15+$0xFFFFFFA0]  }
0x4e: {  	v4 =	vld [tilespmem:s15+$0xFFFFFFB0]  }
0x4f: {  	s13 =	sadd.s32 $0x100, s13;
	v5 =	vld [tilespmem:s15+$0xFFFFFFC0]  }
0x50: {  	v1 =	vshrl.u32 v1, $0x10;
	v6 =	vld [tilespmem:s13+$0x70]  }
0x51: {  	v2 =	vshrl.u32 v2, $0x10;
	v7 =	vld [tilespmem:s15+$0xFFFFFFD0]  }
0x52: {  	v3 =	vshrl.u32 v3, $0x10;
	v8 =	vld [tilespmem:s15+$0xFFFFFFE0]  }
0x53: {  	v4 =	vshrl.u32 v4, $0x10;
	v9 =	vld [tilespmem:s15+$0xFFFFFFF0]  }
0x54: {  	v5 =	vshrl.u32 v5, $0x10;
	v10 =	vld [tilespmem:s15+$0x0]  }
0x55: {  	[tilespmem:v1+s9+$0x0] =	vst.idx.add.f32.msk $0xffff, v6  }
0x56: {  	v1 =	vshrl.u32 v7, $0x10;
	v6 =	vld [tilespmem:s15+$0x10]  }
0x57: {  	v7 =	vshrl.u32 v8, $0x10;
	v8 =	vld [tilespmem:s15+$0x20]  }
0x58: {  	v9 =	vshrl.u32 v9, $0x10;
	v11 =	vld [tilespmem:s15+$0x30]  }
0x59: {  	v10 =	vshrl.u32 v10, $0x10;
	v12 =	vld [tilespmem:s15+$0x40]  }
0x5a: {  	v13 =	vld [tilespmem:s15+$0x50]  }
0x5b: {  	v6 =	vshrl.u32 v6, $0x10;
	v14 =	vld [tilespmem:s15+$0x60]  }
0x5c: {  	v15 =	vld [tilespmem:s15+$0xFFFFFF80];
	v8 =	vshrl.u32 v8, $0x10  }
0x5d: {  	v16 =	vld [tilespmem:s13+$0xFFFFFF80];
	v11 =	vshrl.u32 v11, $0x10  }
0x5e: {  	v17 =	vld [tilespmem:s13+$0xFFFFFF90];
	v12 =	vshrl.u32 v12, $0x10  }
0x5f: {  	v18 =	vld [tilespmem:s13+$0xFFFFFFA0];
	v13 =	vshrl.u32 v13, $0x10  }
0x60: {  	v19 =	vld [tilespmem:s13+$0xFFFFFFB0];
	v14 =	vshrl.u32 v14, $0x10  }
0x61: {  	v15 =	vshrl.u32 v15, $0x10;
	v20 =	vld [tilespmem:s13+$0xFFFFFFC0]  }
0x62: {  	v21 =	vld [tilespmem:s13+$0xFFFFFFD0]  }
0x63: {  	v22 =	vld [tilespmem:s13+$0xFFFFFFE0]  }
0x64: {  	v23 =	vld [tilespmem:s13+$0xFFFFFFF0]  }
0x65: {  	v24 =	vld [tilespmem:s13+$0x0]  }
0x66: {  	v25 =	vld [tilespmem:s13+$0x10]  }
0x67: {  	v26 =	vld [tilespmem:s13+$0x20]  }
0x68: {  	v27 =	vld [tilespmem:s13+$0x30]  }
0x69: {  	v28 =	vld [tilespmem:s13+$0x40]  }
0x6a: {  	v29 =	vld [tilespmem:s13+$0x50]  }
0x6b: {  	v30 =	vld [tilespmem:s13+$0x60]  }
0x6c: {  	[tilespmem:v15+s9+$0x0] =	vst.idx.add.f32.msk $0xffff, v16  }
0x6d: {  	[tilespmem:v2+s9+$0x0] =	vst.idx.add.f32.msk $0xffff, v17  }
0x6e: {  	[tilespmem:v3+s9+$0x0] =	vst.idx.add.f32.msk $0xffff, v18  }
0x6f: {  	[tilespmem:v4+s9+$0x0] =	vst.idx.add.f32.msk $0xffff, v19  }
0x70: {  	[tilespmem:v5+s9+$0x0] =	vst.idx.add.f32.msk $0xffff, v20  }
0x71: {  	[tilespmem:v1+s9+$0x0] =	vst.idx.add.f32.msk $0xffff, v21  }
0x72: {  	[tilespmem:v7+s9+$0x0] =	vst.idx.add.f32.msk $0xffff, v22  }
0x73: {  	[tilespmem:v9+s9+$0x0] =	vst.idx.add.f32.msk $0xffff, v23  }
0x74: {  	[tilespmem:v10+s9+$0x0] =	vst.idx.add.f32.msk $0xffff, v24  }
0x75: {  	[tilespmem:v6+s9+$0x0] =	vst.idx.add.f32.msk $0xffff, v25  }
.Ltmp1:
0x76: {  	[tilespmem:v8+s9+$0x0] =	vst.idx.add.f32.msk $0xffff, v26;
	(pc) =	sbr.rel @p0 .LBB2_4-.Ltmp1, $4  }
0x77: {  	[tilespmem:v11+s9+$0x0] =	vst.idx.add.f32.msk $0xffff, v27  }
0x78: {  	[tilespmem:v12+s9+$0x0] =	vst.idx.add.f32.msk $0xffff, v28  }
0x79: {  	[tilespmem:v13+s9+$0x0] =	vst.idx.add.f32.msk $0xffff, v29  }
0x7a: {  	s15 =	sadd.s32 $0x100, s15;
	[tilespmem:v14+s9+$0x0] =	vst.idx.add.f32.msk $0xffff, v30  }
0x7b: {  	v1 =	vld [tilespmem:$0x2700];
	_ =	sdelay $0x4  }
0x7c: {  	v2 =	vld [tilespmem:$0x4E80];
	v1 =	vshrl.u32 v1, $0x10;
	_ =	sdelay $0x2  }
0x7d: {  	s12 =	sadd.s32 $0x1, s12  }
0x7e: {  	p0 =	sne.s32 s12, s6  }
.Ltmp2:
0x7f: {  	[tilespmem:v1+s9+$0x0] =	vst.idx.add.f32.msk $0xffff, v2;
	(pc) =	sbr.rel @p0 .LBB2_1-.Ltmp2, $4  }
0x80: {  	[hbm4b:s5+s10] =	stream.strided.scatter [tilespmem:s9], [sflag:$0x1], $0x2780, s11, s10, $0x38;
	[tilespmem:$0x7680] =	vst v63  }
0x81: {  	_ =	swait.ge [sflag:s7], $0x2780  }
0x82: {  	[sflag:s7] =	ssyncset.done $0x0  }
0x83: {  	[sflag:s7] =	ssyncadd.s32 $0xFFFFD880  }
0x84: {  	_ =	sfence.sel $0x180000  }
0x85: {  	[bflag:$0x0] =	sbarrier.arrive $0xFFFF  }
0x86: {  	p0 =	sne.s32 s0, $0x0;
	_ =	strace $0x90000047  }
0x87: {  	s0 =	sadd.s32 @!p0 $0x100000, s1;
	[bflag:$0x2] =	sbarrier.arrive $0xFFFF  }
0x88: {  	[sflag:s0] =	ssyncadd.tile.s32 @!p0 $0x1;
	_ =	shalt  }
.Lfunc_end2:
_tile_overlayer_lowered:
.L_overlay_start_2:
0x89: {  	(tag) =	ssettag $0x2  }
0x8a: {  	s0 =	rddreg [dreg:$0x0];
	s2 =	stileid.u32  }
0x8b: {  	s1 =	rddreg [dreg:$0x1];
	p0 =	sne.s32 s2, $0x0  }
0x8c: {  	s3 =	rddreg [dreg:$0x2];
	[bflag:$0x3] =	sbarrier.arrive $0xFFFF;
	s2 =	simm.s32 @!p0 $0x1C01  }
0x8d: {  	[timem:s3], [sflag:s2] =	dma.local @!p0 [hbm:s0], s1  }
0x8e: {  	s0 =	simm.s32 @!p0 $0x1  }
0x8f: {  	_ =	swait.ge @!p0 [sflag:s0], s1  }
0x90: {  	s1 =	ssub.s32 @!p0 $0x0, s1;
	[sflag:s0] =	ssyncset.done @!p0 $0x0  }
0x91: {  	[sflag:s0] =	ssyncadd.s32 @!p0 s1  }
0x92: {  	[bflag:$0x3] =	sbarrier.arrive $0xFFFF  }
0x93: {  	_ =	shalt  }

</sc_bundles>
